<compile_context>
chip_gen: v7x
topology: tpu7x:2x2x1
jax: 0.10.2.dev20260603
libtpu: 0.0.44.dev20260713+nightly
codegen_flags: <defaults>
</compile_context>

<pallas_src>
import functools
import math

import jax
import jax.numpy as jnp
from jax import lax
from jax.experimental import pallas as pl
from jax.experimental.pallas import tpu as pltpu
from jax.experimental.pallas import tpu_sc as plsc

_NC = 2
_NS = 16
_C = 80


def _sc_gather(src_na, dst_na, sidx, didx):
    n, h = src_na.shape
    e = sidx.shape[0]
    nw = _NC * _NS
    ew = e // nw
    iters = ew // _C
    mesh = plsc.VectorSubcoreMesh(core_axis_name="c", subcore_axis_name="s")

    @functools.partial(
        pl.kernel,
        out_type=(jax.ShapeDtypeStruct((e, h), jnp.float32),
                  jax.ShapeDtypeStruct((e, h), jnp.float32)),
        mesh=mesh,
        scratch_types=[
            pltpu.VMEM((_C,), jnp.int32),
            pltpu.VMEM((_C,), jnp.int32),
            pltpu.VMEM((_C, h), jnp.float32),
            pltpu.VMEM((_C, h), jnp.float32),
            pltpu.VMEM((_C,), jnp.int32),
            pltpu.VMEM((_C,), jnp.int32),
            pltpu.VMEM((_C, h), jnp.float32),
            pltpu.VMEM((_C, h), jnp.float32),
            pltpu.SemaphoreType.DMA,
            pltpu.SemaphoreType.DMA,
            pltpu.SemaphoreType.DMA,
            pltpu.SemaphoreType.DMA,
            pltpu.SemaphoreType.DMA,
            pltpu.SemaphoreType.DMA,
        ],
    )
    def k(src_hbm, dst_hbm, sidx_hbm, didx_hbm, osrc_hbm, odst_hbm,
          siv0, div0, srows0, drows0, siv1, div1, srows1, drows1,
          isem0, gsem0, osem0, isem1, gsem1, osem1):
        wid = lax.axis_index("s") * _NC + lax.axis_index("c")
        wbase = wid * ew
        bufs = ((siv0, div0, srows0, drows0, isem0, gsem0, osem0),
                (siv1, div1, srows1, drows1, isem1, gsem1, osem1))

        def start_idx(i, b):
            siv, div, _, _, isem, _, _ = bufs[b]
            base = wbase + i * _C
            pltpu.async_copy(sidx_hbm.at[pl.ds(base, _C)], siv, isem)
            pltpu.async_copy(didx_hbm.at[pl.ds(base, _C)], div, isem)

        def phase(i, b, first, last):
            siv, div, srows, drows, isem, gsem, osem = bufs[b]
            base = wbase + i * _C
            if not first:
                pltpu.make_async_copy(srows, osrc_hbm.at[pl.ds(0, _C)],
                                      osem).wait()
                pltpu.make_async_copy(drows, odst_hbm.at[pl.ds(0, _C)],
                                      osem).wait()
            pltpu.make_async_copy(sidx_hbm.at[pl.ds(0, _C)], siv, isem).wait()
            pltpu.make_async_copy(didx_hbm.at[pl.ds(0, _C)], div, isem).wait()
            cp1 = pltpu.async_copy(src_hbm.at[siv], srows, gsem)
            cp2 = pltpu.async_copy(dst_hbm.at[div], drows, gsem)
            cp1.wait()
            cp2.wait()
            if not last:
                start_idx(i + 2, b)
            pltpu.async_copy(srows, osrc_hbm.at[pl.ds(base, _C)], osem)
            pltpu.async_copy(drows, odst_hbm.at[pl.ds(base, _C)], osem)

        assert iters % 2 == 1 and iters >= 5
        start_idx(0, 0)
        start_idx(1, 1)
        phase(0, 0, True, False)
        phase(1, 1, True, False)

        def body(i2, carry):
            i = 2 + i2 * 2
            phase(i, 0, False, False)
            phase(i + 1, 1, False, False)
            return carry

        lax.fori_loop(0, (iters - 5) // 2, body, 0)
        phase(iters - 3, 0, False, False)
        phase(iters - 2, 1, False, True)
        phase(iters - 1, 0, False, True)
        for b in range(2):
            _, _, srows, drows, _, _, osem = bufs[b]
            pltpu.make_async_copy(srows, osrc_hbm.at[pl.ds(0, _C)],
                                  osem).wait()
            pltpu.make_async_copy(drows, odst_hbm.at[pl.ds(0, _C)],
                                  osem).wait()

    return k(src_na, dst_na, sidx, didx)


def _sc_scatter(didx, evx, n):
    e = evx.shape[1]
    ng = evx.shape[0] // 8
    cc = 1280
    iters = e // cc
    groups = cc // 16
    zc = 16000
    zi = (n * 8) // zc
    mesh = plsc.VectorSubcoreMesh(core_axis_name="c", subcore_axis_name="s")

    assert iters % 2 == 0 and groups % 2 == 0

    @functools.partial(
        pl.kernel,
        out_type=jax.ShapeDtypeStruct((ng, 8, n), jnp.float32),
        mesh=mesh,
        compiler_params=pltpu.CompilerParams(needs_layout_passes=False),
        scratch_types=[
            pltpu.VMEM((cc,), jnp.int32),
            pltpu.VMEM((cc,), jnp.int32),
            pltpu.VMEM((8, cc), jnp.float32),
            pltpu.VMEM((8, cc), jnp.float32),
        ] + [pltpu.VMEM((n,), jnp.float32) for _ in range(8)] + [
            pltpu.SemaphoreType.DMA,
            pltpu.SemaphoreType.DMA,
        ],
    )
    def k(didx_hbm, evx_hbm, out_hbm, idxv0, idxv1, vbuf0, vbuf1,
          a0, a1, a2, a3, a4, a5, a6, a7, sem0, sem1):
        accs = (a0, a1, a2, a3, a4, a5, a6, a7)
        c = lax.axis_index("c")
        s = lax.axis_index("s")
        w = s * _NC + c

        @pl.when(w < ng)
        def _():
            zeros16 = jnp.zeros((16,), jnp.float32)

            def initb(j, carry):
                for kk in range(8):
                    accs[kk][pl.ds(j * 16, 16)] = zeros16
                return carry

            lax.fori_loop(0, n // 16, initb, 0)

            def start(i, idxv, vbuf, sem):
                base = i * cc
                pltpu.async_copy(didx_hbm.at[pl.ds(base, cc)], idxv, sem)
                pltpu.async_copy(evx_hbm.at[pl.ds(w * 8, 8),
                                            pl.ds(base, cc)], vbuf, sem)

            def wait(idxv, vbuf, sem):
                pltpu.make_async_copy(didx_hbm.at[pl.ds(0, cc)], idxv,
                                      sem).wait()
                pltpu.make_async_copy(evx_hbm.at[pl.ds(0, 8), pl.ds(0, cc)],
                                      vbuf, sem).wait()

            def process(idxv, vbuf):
                def grp(g2, carry2):
                    for u in range(2):
                        g16 = (g2 * 2 + u) * 16
                        nidx = idxv[pl.ds(g16, 16)]
                        for kk in range(8):
                            plsc.addupdate_scatter(
                                accs[kk], [nidx], vbuf[kk, pl.ds(g16, 16)])
                    return carry2

                lax.fori_loop(0, groups // 2, grp, 0)

            start(0, idxv0, vbuf0, sem0)

            def body(i2, carry):
                i = i2 * 2
                wait(idxv0, vbuf0, sem0)

                @pl.when(i + 1 < iters)
                def _():
                    start(i + 1, idxv1, vbuf1, sem1)

                process(idxv0, vbuf0)

                @pl.when(i + 1 < iters)
                def _():
                    wait(idxv1, vbuf1, sem1)

                    @pl.when(i + 2 < iters)
                    def _():
                        start(i + 2, idxv0, vbuf0, sem0)

                    process(idxv1, vbuf1)

                return carry

            lax.fori_loop(0, iters // 2, body, 0)

            for kk in range(8):
                pltpu.sync_copy(accs[kk], out_hbm.at[w, kk])

    return k(didx, evx)


def _gelu(x):
    return 0.5 * x * (1.0 + lax.erf(x * (1.0 / math.sqrt(2.0))))


def _full_spec(shape):
    return pl.BlockSpec(shape, lambda i: tuple(0 for _ in shape))


def _tc_fused(srows, drows, ea, wb1s, wb1e, wb1d, b1, wb2, b2, wb3, b3,
              wv1s, wv1e, c1, wv2, c2, wv3, c3, heads):
    e, h = ea.shape
    eb = 1280
    grid = e // eb
    d = h // heads
    inv = 1.0 / math.sqrt(d)

    def body(xs_ref, xd_ref, xe_ref, wb1s_r, wb1e_r, wb1d_r, b1_r, wb2_r,
             b2_r, wb3_r, b3_r, wv1s_r, wv1e_r, c1_r, wv2_r, c2_r, wv3_r,
             c3_r, evx_ref):
        xs = xs_ref[...]
        xd = xd_ref[...]
        xe = xe_ref[...]
        hb = xs @ wb1s_r[...] + xe @ wb1e_r[...] + xd @ wb1d_r[...] + b1_r[...]
        hb = jnp.maximum(hb, 0.0)
        hb = jnp.maximum(hb @ wb2_r[...] + b2_r[...], 0.0)
        w = (hb @ wb3_r[...] + b3_r[...]) * inv
        ex = jnp.exp(jnp.clip(w, -60.0, 60.0))
        hv = _gelu(xs @ wv1s_r[...] + xe @ wv1e_r[...] + c1_r[...])
        hv = _gelu(hv @ wv2_r[...] + c2_r[...])
        v = hv @ wv3_r[...] + c3_r[...]
        hr = lax.broadcasted_iota(jnp.int32, (heads, h), 0)
        lh = lax.broadcasted_iota(jnp.int32, (heads, h), 1) // d
        ev = v * (ex @ jnp.where(hr == lh, 1.0, 0.0))
        i0 = lax.broadcasted_iota(jnp.int32, (heads, 8), 0)
        i1 = lax.broadcasted_iota(jnp.int32, (heads, 8), 1)
        ep8 = ex @ jnp.where(i0 == i1, 1.0, 0.0)
        evx_ref[...] = jnp.concatenate([ev.T, ep8.T], axis=0)

    weights = [wb1s, wb1e, wb1d, b1, wb2, b2, wb3, b3,
               wv1s, wv1e, c1, wv2, c2, wv3, c3]
    return pl.pallas_call(
        body,
        grid=(grid,),
        in_specs=[pl.BlockSpec((eb, h), lambda i: (i, 0))] * 3
                 + [_full_spec(x.shape) for x in weights],
        out_specs=pl.BlockSpec((h + 8, eb), lambda i: (0, i)),
        out_shape=jax.ShapeDtypeStruct((h + 8, e), jnp.float32),
    )(srows, drows, ea, *weights)


def _tc_final(slabs, wo, heads):
    n = slabs.shape[1]
    h = wo.shape[0]
    d = h // heads

    def body(sl_ref, wo_ref, o_ref):
        allr = sl_ref[...]
        numt = allr[:h, :]
        s8t = allr[h:h + 8, :]
        lr = lax.broadcasted_iota(jnp.int32, (h, 8), 0) // d
        jr = lax.broadcasted_iota(jnp.int32, (h, 8), 1)
        srept = jnp.where(jr == lr, 1.0, 0.0) @ s8t + 1e-16
        o_ref[...] = (wo_ref[...] @ (numt / srept)).T

    return pl.pallas_call(
        body,
        grid=(1,),
        in_specs=[_full_spec((h + 8, n)), _full_spec((h, h))],
        out_specs=pl.BlockSpec((n, h), lambda i: (0, 0)),
        out_shape=jax.ShapeDtypeStruct((n, h), jnp.float32),
    )(slabs, wo)


def kernel(src_na, dst_na, ea, edge_idx, Wv1, bv1, Wv2, bv2, Wv3, bv3,
           Wb1, bb1, Wb2, bb2, Wb3, bb3, Wo):
    n, h = src_na.shape
    heads = Wb3.shape[0]
    dst_idx = edge_idx[0]
    src_idx = edge_idx[1]

    srows, drows = _sc_gather(src_na, dst_na, src_idx, dst_idx)

    evx = _tc_fused(
        srows, drows, ea,
        Wb1[:, :h].T, Wb1[:, h:2 * h].T, Wb1[:, 2 * h:].T, bb1.reshape(1, -1),
        Wb2.T, bb2.reshape(1, -1), Wb3.T, bb3.reshape(1, -1),
        Wv1[:, :h].T, Wv1[:, h:].T, bv1.reshape(1, -1),
        Wv2.T, bv2.reshape(1, -1), Wv3.T, bv3.reshape(1, -1), heads)

    slabs = _sc_scatter(dst_idx, evx, n).reshape(-1, n)
    return _tc_final(slabs, Wo, heads)

# --- scband reference (transcript-rebuilt; emitter-appended) ---
"""Pipeline reference for scband-neighbor-attention-16080357556864 (READ-ONLY COPY).

The authoritative reference and input builder live on the scoring server;
editing this copy changes nothing except your own understanding.
"""

import jax, jax.numpy as jnp
import numpy as np

N = 10000
E = 320000
H = 128
NIN = 256
HEADS = 4

def _linear(x, W, b=None):
    y = x @ W.T
    if b is not None:
        y = y + b
    return y

def setup_inputs(seed: int = 0) -> dict:
    key = jax.random.key(seed)
    ks = jax.random.split(key, 24)
    inp = {}
    inp['src_na'] = jax.random.normal(ks[0], (N, H), dtype=jnp.float32)
    inp['dst_na'] = jax.random.normal(ks[1], (N, H), dtype=jnp.float32)
    inp['ea'] = jax.random.normal(ks[2], (E, H), dtype=jnp.float32)
    inp['edge_idx'] = jax.random.randint(ks[3], (2, E), 0, N, dtype=jnp.int32)
    # W_V: Linear(NIN,H), Linear(H,H), Linear(H,H)
    inp['Wv1'] = jax.random.normal(ks[4], (H, NIN), dtype=jnp.float32) * (1.0 / np.sqrt(NIN))
    inp['bv1'] = jnp.zeros((H,), dtype=jnp.float32)
    inp['Wv2'] = jax.random.normal(ks[5], (H, H), dtype=jnp.float32) * (1.0 / np.sqrt(H))
    inp['bv2'] = jnp.zeros((H,), dtype=jnp.float32)
    inp['Wv3'] = jax.random.normal(ks[6], (H, H), dtype=jnp.float32) * (1.0 / np.sqrt(H))
    inp['bv3'] = jnp.zeros((H,), dtype=jnp.float32)
    # Bias: Linear(3H,H), Linear(H,H), Linear(H,HEADS)
    inp['Wb1'] = jax.random.normal(ks[7], (H, 3 * H), dtype=jnp.float32) * (1.0 / np.sqrt(3 * H))
    inp['bb1'] = jnp.zeros((H,), dtype=jnp.float32)
    inp['Wb2'] = jax.random.normal(ks[8], (H, H), dtype=jnp.float32) * (1.0 / np.sqrt(H))
    inp['bb2'] = jnp.zeros((H,), dtype=jnp.float32)
    inp['Wb3'] = jax.random.normal(ks[9], (HEADS, H), dtype=jnp.float32) * (1.0 / np.sqrt(H))
    inp['bb3'] = jnp.zeros((HEADS,), dtype=jnp.float32)
    # W_O: Linear(H,H, bias=False)
    inp['Wo'] = jax.random.normal(ks[10], (H, H), dtype=jnp.float32) * (1.0 / np.sqrt(H))
    return inp

def reference(src_na, dst_na, ea, edge_idx, Wv1, bv1, Wv2, bv2, Wv3, bv3, Wb1, bb1, Wb2, bb2, Wb3, bb3, Wo):
    dst_idx = edge_idx[0]
    src_idx = edge_idx[1]
    d = H // HEADS
    # Bias MLP on concat of gathered node feats + edge feats
    cat3 = jnp.concatenate([src_na[src_idx], ea, dst_na[dst_idx]], axis=-1)
    h = jax.nn.relu(_linear(cat3, Wb1, bb1))
    h = jax.nn.relu(_linear(h, Wb2, bb2))
    w = _linear(h, Wb3, bb3).reshape(ea.shape[0], HEADS, 1)
    attend_logits = w / np.sqrt(d)
    # W_V MLP (GELU, exact erf form as torch default)
    cat2 = jnp.concatenate([src_na[src_idx], ea], axis=-1)
    v = jax.nn.gelu(_linear(cat2, Wv1, bv1), approximate=False)
    v = jax.nn.gelu(_linear(v, Wv2, bv2), approximate=False)
    V = _linear(v, Wv3, bv3).reshape(-1, HEADS, d)
    # scatter_softmax over dim 0 grouped by dst_idx
    m = jax.ops.segment_max(attend_logits, dst_idx, num_segments=N)
    m = jnp.where(jnp.isfinite(m), m, 0.0)
    e = jnp.exp(attend_logits - m[dst_idx])
    s = jax.ops.segment_sum(e, dst_idx, num_segments=N)
    attend = e / (s[dst_idx] + 1e-16)
    # scatter_sum with dim_size = len(dst_na)
    dst_na_update = jax.ops.segment_sum(attend * V, dst_idx, num_segments=N).reshape(-1, H)
    dst_na_update = dst_na_update @ Wo.T
    return dst_na_update

if __name__ == "__main__":
    import jax
    _d = setup_inputs()
    print(jax.jit(kernel)(*tuple(_d.values())))

</pallas_src>

<mosaic_0001>
#map = affine_map<(d0, d1) -> (0)>
#map1 = affine_map<(d0, d1) -> (0, 0)>
#map2 = affine_map<(d0, d1) -> (0, 0, 0)>
module attributes {stable_mosaic.version = 14 : i64} {
  func.func @k(%arg0: i32, %arg1: i32, %arg2: memref<320000xi32, #tpu.memory_space<hbm>>, %arg3: memref<136x320000xf32, #tpu.memory_space<hbm>>, %arg4: memref<17x8x10000xf32, #tpu.memory_space<hbm>>, %arg5: memref<1280xi32, #tpu.memory_space<vmem>>, %arg6: memref<1280xi32, #tpu.memory_space<vmem>>, %arg7: memref<8x1280xf32, #tpu.memory_space<vmem>>, %arg8: memref<8x1280xf32, #tpu.memory_space<vmem>>, %arg9: memref<10000xf32, #tpu.memory_space<vmem>>, %arg10: memref<10000xf32, #tpu.memory_space<vmem>>, %arg11: memref<10000xf32, #tpu.memory_space<vmem>>, %arg12: memref<10000xf32, #tpu.memory_space<vmem>>, %arg13: memref<10000xf32, #tpu.memory_space<vmem>>, %arg14: memref<10000xf32, #tpu.memory_space<vmem>>, %arg15: memref<10000xf32, #tpu.memory_space<vmem>>, %arg16: memref<10000xf32, #tpu.memory_space<vmem>>, %arg17: memref<!tpu.dma_semaphore, #tpu.memory_space<semaphore_mem>>, %arg18: memref<!tpu.dma_semaphore, #tpu.memory_space<semaphore_mem>>) attributes {dimension_semantics = [#tpu.dimension_semantics<core_parallel>, #tpu.dimension_semantics<subcore_parallel>], iteration_bounds = array<i64: 2, 16>, scalar_prefetch = 0 : i64, scratch_operands = 14 : i64, tpu.core_type = #tpu.core_type<sc_vector_subcore>, window_params = [{transform_indices = #map}, {transform_indices = #map1}, {transform_indices = #map2}]} {
    %mul3A = arith.constant 2 : i32
    %mul3A_0 = arith.muli %arg1, %mul3A : i32
    %add3A = arith.addi %mul3A_0, %arg0 : i32
    %lt3A = arith.constant 17 : i32
    %lt3A_1 = arith.cmpi slt, %add3A, %lt3A : i32
    %convert_element_type3A = arith.extui %lt3A_1 : i1 to i32
    %cond3A = arith.constant 0 : i32
    %cond3A_2 = arith.cmpi ne, %convert_element_type3A, %cond3A : i32
    scf.if %cond3A_2 {
      %broadcast_in_dim3A = arith.constant 0.000000e+00 : f32
      %broadcast_in_dim3A_3 = vector.broadcast %broadcast_in_dim3A : f32 to vector<16xf32>
      %scan3A = arith.constant 0 : i32
      %scan3A_4 = arith.constant 0 : i32
      %scan3A_5 = arith.constant 625 : i32
      %scan3A_6 = arith.addi %scan3A_4, %scan3A_5 : i32
      %scan3A_7 = arith.constant 1 : i32
      scf.for %scan3A_31 = %scan3A_4 to %scan3A_6 step %scan3A_7  : i32 {
        %mul3A_32 = arith.constant 16 : i32
        %mul3A_33 = arith.muli %scan3A_31, %mul3A_32 : i32
        %swap3A = arith.index_cast %mul3A_33 : i32 to index
        %swap3A_34 = tpu.vector_load %arg9[%swap3A] {strides = array<i32>} : memref<10000xf32, #tpu.memory_space<vmem>>, vector<16xf32>,
        tpu.vector_store %arg9[%swap3A], %broadcast_in_dim3A_3 {strides = array<i32>} : memref<10000xf32, #tpu.memory_space<vmem>>, vector<16xf32>,
        %mul3A_35 = arith.constant 16 : i32
        %mul3A_36 = arith.muli %scan3A_31, %mul3A_35 : i32
        %swap3A_37 = arith.index_cast %mul3A_36 : i32 to index
        %swap3A_38 = tpu.vector_load %arg10[%swap3A_37] {strides = array<i32>} : memref<10000xf32, #tpu.memory_space<vmem>>, vector<16xf32>,
        tpu.vector_store %arg10[%swap3A_37], %broadcast_in_dim3A_3 {strides = array<i32>} : memref<10000xf32, #tpu.memory_space<vmem>>, vector<16xf32>,
        %mul3A_39 = arith.constant 16 : i32
        %mul3A_40 = arith.muli %scan3A_31, %mul3A_39 : i32
        %swap3A_41 = arith.index_cast %mul3A_40 : i32 to index
        %swap3A_42 = tpu.vector_load %arg11[%swap3A_41] {strides = array<i32>} : memref<10000xf32, #tpu.memory_space<vmem>>, vector<16xf32>,
        tpu.vector_store %arg11[%swap3A_41], %broadcast_in_dim3A_3 {strides = array<i32>} : memref<10000xf32, #tpu.memory_space<vmem>>, vector<16xf32>,
        %mul3A_43 = arith.constant 16 : i32
        %mul3A_44 = arith.muli %scan3A_31, %mul3A_43 : i32
        %swap3A_45 = arith.index_cast %mul3A_44 : i32 to index
        %swap3A_46 = tpu.vector_load %arg12[%swap3A_45] {strides = array<i32>} : memref<10000xf32, #tpu.memory_space<vmem>>, vector<16xf32>,
        tpu.vector_store %arg12[%swap3A_45], %broadcast_in_dim3A_3 {strides = array<i32>} : memref<10000xf32, #tpu.memory_space<vmem>>, vector<16xf32>,
        %mul3A_47 = arith.constant 16 : i32
        %mul3A_48 = arith.muli %scan3A_31, %mul3A_47 : i32
        %swap3A_49 = arith.index_cast %mul3A_48 : i32 to index
        %swap3A_50 = tpu.vector_load %arg13[%swap3A_49] {strides = array<i32>} : memref<10000xf32, #tpu.memory_space<vmem>>, vector<16xf32>,
        tpu.vector_store %arg13[%swap3A_49], %broadcast_in_dim3A_3 {strides = array<i32>} : memref<10000xf32, #tpu.memory_space<vmem>>, vector<16xf32>,
        %mul3A_51 = arith.constant 16 : i32
        %mul3A_52 = arith.muli %scan3A_31, %mul3A_51 : i32
        %swap3A_53 = arith.index_cast %mul3A_52 : i32 to index
        %swap3A_54 = tpu.vector_load %arg14[%swap3A_53] {strides = array<i32>} : memref<10000xf32, #tpu.memory_space<vmem>>, vector<16xf32>,
        tpu.vector_store %arg14[%swap3A_53], %broadcast_in_dim3A_3 {strides = array<i32>} : memref<10000xf32, #tpu.memory_space<vmem>>, vector<16xf32>,
        %mul3A_55 = arith.constant 16 : i32
        %mul3A_56 = arith.muli %scan3A_31, %mul3A_55 : i32
        %swap3A_57 = arith.index_cast %mul3A_56 : i32 to index
        %swap3A_58 = tpu.vector_load %arg15[%swap3A_57] {strides = array<i32>} : memref<10000xf32, #tpu.memory_space<vmem>>, vector<16xf32>,
        tpu.vector_store %arg15[%swap3A_57], %broadcast_in_dim3A_3 {strides = array<i32>} : memref<10000xf32, #tpu.memory_space<vmem>>, vector<16xf32>,
        %mul3A_59 = arith.constant 16 : i32
        %mul3A_60 = arith.muli %scan3A_31, %mul3A_59 : i32
        %swap3A_61 = arith.index_cast %mul3A_60 : i32 to index
        %swap3A_62 = tpu.vector_load %arg16[%swap3A_61] {strides = array<i32>} : memref<10000xf32, #tpu.memory_space<vmem>>, vector<16xf32>,
        tpu.vector_store %arg16[%swap3A_61], %broadcast_in_dim3A_3 {strides = array<i32>} : memref<10000xf32, #tpu.memory_space<vmem>>, vector<16xf32>,
      }
      %scan3A_8 = arith.constant 625 : i32
      %dma_start3A = arith.constant 0 : i32
      %dma_start3A_9 = tpu.memref_slice %arg2[%dma_start3A] : memref<320000xi32, #tpu.memory_space<hbm>> -> memref<1280xi32, #tpu.memory_space<hbm>>
      %dma_start3A_10 = arith.constant 0 : i32
      %dma_start3A_11 = tpu.memref_slice %arg2[%dma_start3A_10] : memref<320000xi32, #tpu.memory_space<hbm>> -> memref<1280xi32, #tpu.memory_space<hbm>>
      tpu.enqueue_dma source(%dma_start3A_11 : memref<1280xi32, #tpu.memory_space<hbm>>) target(%arg5 : memref<1280xi32, #tpu.memory_space<vmem>>) target_semaphore(%arg17 : memref<!tpu.dma_semaphore, #tpu.memory_space<semaphore_mem>>)
      %mul3A_12 = arith.constant 8 : i32
      %mul3A_13 = arith.muli %add3A, %mul3A_12 : i32
      %dma_start3A_14 = arith.constant 0 : i32
      %dma_start3A_15 = tpu.memref_slice %arg3[%mul3A_13, %dma_start3A_14] : memref<136x320000xf32, #tpu.memory_space<hbm>> -> memref<8x1280xf32, #tpu.memory_space<hbm>>
      %dma_start3A_16 = arith.constant 0 : i32
      %dma_start3A_17 = tpu.memref_slice %arg3[%mul3A_13, %dma_start3A_16] : memref<136x320000xf32, #tpu.memory_space<hbm>> -> memref<8x1280xf32, #tpu.memory_space<hbm>>
      tpu.enqueue_dma source(%dma_start3A_17 : memref<8x1280xf32, #tpu.memory_space<hbm>>) target(%arg7 : memref<8x1280xf32, #tpu.memory_space<vmem>>) target_semaphore(%arg17 : memref<!tpu.dma_semaphore, #tpu.memory_space<semaphore_mem>>)
      %scan3A_18 = arith.constant 0 : i32
      %scan3A_19 = arith.constant 0 : i32
      %scan3A_20 = arith.constant 125 : i32
      %scan3A_21 = arith.addi %scan3A_19, %scan3A_20 : i32
      %scan3A_22 = arith.constant 1 : i32
      scf.for %scan3A_31 = %scan3A_19 to %scan3A_21 step %scan3A_22  : i32 {
        %mul3A_32 = arith.constant 2 : i32
        %mul3A_33 = arith.muli %scan3A_31, %mul3A_32 : i32
        %dma_wait3A = arith.constant 0 : i32
        %dma_wait3A_34 = tpu.memref_slice %arg2[%dma_wait3A] : memref<320000xi32, #tpu.memory_space<hbm>> -> memref<1280xi32, #tpu.memory_space<hbm>>
        %dma_wait3A_35 = arith.constant 0 : i32
        %dma_wait3A_36 = tpu.memref_slice %arg2[%dma_wait3A_35] : memref<320000xi32, #tpu.memory_space<hbm>> -> memref<1280xi32, #tpu.memory_space<hbm>>
        tpu.wait_dma2 semaphore(%arg17 : memref<!tpu.dma_semaphore, #tpu.memory_space<semaphore_mem>>) src(%dma_wait3A_36 : memref<1280xi32, #tpu.memory_space<hbm>>) dst(%arg5 : memref<1280xi32, #tpu.memory_space<vmem>>)
        %dma_wait3A_37 = arith.constant 0 : i32
        %dma_wait3A_38 = arith.constant 0 : i32
        %dma_wait3A_39 = tpu.memref_slice %arg3[%dma_wait3A_37, %dma_wait3A_38] : memref<136x320000xf32, #tpu.memory_space<hbm>> -> memref<8x1280xf32, #tpu.memory_space<hbm>>
        %dma_wait3A_40 = arith.constant 0 : i32
        %dma_wait3A_41 = arith.constant 0 : i32
        %dma_wait3A_42 = tpu.memref_slice %arg3[%dma_wait3A_40, %dma_wait3A_41] : memref<136x320000xf32, #tpu.memory_space<hbm>> -> memref<8x1280xf32, #tpu.memory_space<hbm>>
        tpu.wait_dma2 semaphore(%arg17 : memref<!tpu.dma_semaphore, #tpu.memory_space<semaphore_mem>>) src(%dma_wait3A_42 : memref<8x1280xf32, #tpu.memory_space<hbm>>) dst(%arg7 : memref<8x1280xf32, #tpu.memory_space<vmem>>)
        %add3A_43 = arith.constant 1 : i32
        %add3A_44 = arith.addi %mul3A_33, %add3A_43 : i32
        %lt3A_45 = arith.constant 250 : i32
        %lt3A_46 = arith.cmpi slt, %add3A_44, %lt3A_45 : i32
        %convert_element_type3A_47 = arith.extui %lt3A_46 : i1 to i32
        %cond3A_48 = arith.constant 0 : i32
        %cond3A_49 = arith.cmpi ne, %convert_element_type3A_47, %cond3A_48 : i32
        scf.if %cond3A_49 {
          %add3A_63 = arith.constant 1 : i32
          %add3A_64 = arith.addi %mul3A_33, %add3A_63 : i32
          %mul3A_65 = arith.constant 1280 : i32
          %mul3A_66 = arith.muli %add3A_64, %mul3A_65 : i32
          %dma_start3A_67 = tpu.memref_slice %arg2[%mul3A_66] : memref<320000xi32, #tpu.memory_space<hbm>> -> memref<1280xi32, #tpu.memory_space<hbm>>
          %dma_start3A_68 = tpu.memref_slice %arg2[%mul3A_66] : memref<320000xi32, #tpu.memory_space<hbm>> -> memref<1280xi32, #tpu.memory_space<hbm>>
          tpu.enqueue_dma source(%dma_start3A_68 : memref<1280xi32, #tpu.memory_space<hbm>>) target(%arg6 : memref<1280xi32, #tpu.memory_space<vmem>>) target_semaphore(%arg18 : memref<!tpu.dma_semaphore, #tpu.memory_space<semaphore_mem>>)
          %mul3A_69 = arith.constant 8 : i32
          %mul3A_70 = arith.muli %add3A, %mul3A_69 : i32
          %dma_start3A_71 = tpu.memref_slice %arg3[%mul3A_70, %mul3A_66] : memref<136x320000xf32, #tpu.memory_space<hbm>> -> memref<8x1280xf32, #tpu.memory_space<hbm>>
          %dma_start3A_72 = tpu.memref_slice %arg3[%mul3A_70, %mul3A_66] : memref<136x320000xf32, #tpu.memory_space<hbm>> -> memref<8x1280xf32, #tpu.memory_space<hbm>>
          tpu.enqueue_dma source(%dma_start3A_72 : memref<8x1280xf32, #tpu.memory_space<hbm>>) target(%arg8 : memref<8x1280xf32, #tpu.memory_space<vmem>>) target_semaphore(%arg18 : memref<!tpu.dma_semaphore, #tpu.memory_space<semaphore_mem>>)
        } else {
        }
        %scan3A_50 = arith.constant 0 : i32
        %scan3A_51 = arith.constant 0 : i32
        %scan3A_52 = arith.constant 40 : i32
        %scan3A_53 = arith.addi %scan3A_51, %scan3A_52 : i32
        %scan3A_54 = arith.constant 1 : i32
        scf.for %scan3A_63 = %scan3A_51 to %scan3A_53 step %scan3A_54  : i32 {
          %mul3A_64 = arith.constant 2 : i32
          %mul3A_65 = arith.muli %scan3A_63, %mul3A_64 : i32
          %add3A_66 = arith.constant 0 : i32
          %add3A_67 = arith.addi %mul3A_65, %add3A_66 : i32
          %mul3A_68 = arith.constant 16 : i32
          %mul3A_69 = arith.muli %add3A_67, %mul3A_68 : i32
          %get3A = arith.index_cast %mul3A_69 : i32 to index
          %get3A_70 = tpu.vector_load %arg5[%get3A] {strides = array<i32>} : memref<1280xi32, #tpu.memory_space<vmem>>, vector<16xi32>,
          %get3A_71 = arith.constant 0 : i32
          %get3A_72 = arith.index_cast %get3A_71 : i32 to index
          %get3A_73 = arith.index_cast %mul3A_69 : i32 to index
          %get3A_74 = tpu.vector_load %arg7[%get3A_72, %get3A_73] {strides = array<i32>} : memref<8x1280xf32, #tpu.memory_space<vmem>>, vector<16xf32>,
          tpu.vector_store_idx %arg9[%get3A_70], %get3A_74 {add = true} : memref<10000xf32, #tpu.memory_space<vmem>>[vector<16xi32>], vector<16xf32>,
          %get3A_75 = arith.constant 1 : i32
          %get3A_76 = arith.index_cast %get3A_75 : i32 to index
          %get3A_77 = arith.index_cast %mul3A_69 : i32 to index
          %get3A_78 = tpu.vector_load %arg7[%get3A_76, %get3A_77] {strides = array<i32>} : memref<8x1280xf32, #tpu.memory_space<vmem>>, vector<16xf32>,
          tpu.vector_store_idx %arg10[%get3A_70], %get3A_78 {add = true} : memref<10000xf32, #tpu.memory_space<vmem>>[vector<16xi32>], vector<16xf32>,
          %get3A_79 = arith.constant 2 : i32
          %get3A_80 = arith.index_cast %get3A_79 : i32 to index
          %get3A_81 = arith.index_cast %mul3A_69 : i32 to index
          %get3A_82 = tpu.vector_load %arg7[%get3A_80, %get3A_81] {strides = array<i32>} : memref<8x1280xf32, #tpu.memory_space<vmem>>, vector<16xf32>,
          tpu.vector_store_idx %arg11[%get3A_70], %get3A_82 {add = true} : memref<10000xf32, #tpu.memory_space<vmem>>[vector<16xi32>], vector<16xf32>,
          %get3A_83 = arith.constant 3 : i32
          %get3A_84 = arith.index_cast %get3A_83 : i32 to index
          %get3A_85 = arith.index_cast %mul3A_69 : i32 to index
          %get3A_86 = tpu.vector_load %arg7[%get3A_84, %get3A_85] {strides = array<i32>} : memref<8x1280xf32, #tpu.memory_space<vmem>>, vector<16xf32>,
          tpu.vector_store_idx %arg12[%get3A_70], %get3A_86 {add = true} : memref<10000xf32, #tpu.memory_space<vmem>>[vector<16xi32>], vector<16xf32>,
          %get3A_87 = arith.constant 4 : i32
          %get3A_88 = arith.index_cast %get3A_87 : i32 to index
          %get3A_89 = arith.index_cast %mul3A_69 : i32 to index
          %get3A_90 = tpu.vector_load %arg7[%get3A_88, %get3A_89] {strides = array<i32>} : memref<8x1280xf32, #tpu.memory_space<vmem>>, vector<16xf32>,
          tpu.vector_store_idx %arg13[%get3A_70], %get3A_90 {add = true} : memref<10000xf32, #tpu.memory_space<vmem>>[vector<16xi32>], vector<16xf32>,
          %get3A_91 = arith.constant 5 : i32
          %get3A_92 = arith.index_cast %get3A_91 : i32 to index
          %get3A_93 = arith.index_cast %mul3A_69 : i32 to index
          %get3A_94 = tpu.vector_load %arg7[%get3A_92, %get3A_93] {strides = array<i32>} : memref<8x1280xf32, #tpu.memory_space<vmem>>, vector<16xf32>,
          tpu.vector_store_idx %arg14[%get3A_70], %get3A_94 {add = true} : memref<10000xf32, #tpu.memory_space<vmem>>[vector<16xi32>], vector<16xf32>,
          %get3A_95 = arith.constant 6 : i32
          %get3A_96 = arith.index_cast %get3A_95 : i32 to index
          %get3A_97 = arith.index_cast %mul3A_69 : i32 to index
          %get3A_98 = tpu.vector_load %arg7[%get3A_96, %get3A_97] {strides = array<i32>} : memref<8x1280xf32, #tpu.memory_space<vmem>>, vector<16xf32>,
          tpu.vector_store_idx %arg15[%get3A_70], %get3A_98 {add = true} : memref<10000xf32, #tpu.memory_space<vmem>>[vector<16xi32>], vector<16xf32>,
          %get3A_99 = arith.constant 7 : i32
          %get3A_100 = arith.index_cast %get3A_99 : i32 to index
          %get3A_101 = arith.index_cast %mul3A_69 : i32 to index
          %get3A_102 = tpu.vector_load %arg7[%get3A_100, %get3A_101] {strides = array<i32>} : memref<8x1280xf32, #tpu.memory_space<vmem>>, vector<16xf32>,
          tpu.vector_store_idx %arg16[%get3A_70], %get3A_102 {add = true} : memref<10000xf32, #tpu.memory_space<vmem>>[vector<16xi32>], vector<16xf32>,
          %mul3A_103 = arith.constant 2 : i32
          %mul3A_104 = arith.muli %scan3A_63, %mul3A_103 : i32
          %add3A_105 = arith.constant 1 : i32
          %add3A_106 = arith.addi %mul3A_104, %add3A_105 : i32
          %mul3A_107 = arith.constant 16 : i32
          %mul3A_108 = arith.muli %add3A_106, %mul3A_107 : i32
          %get3A_109 = arith.index_cast %mul3A_108 : i32 to index
          %get3A_110 = tpu.vector_load %arg5[%get3A_109] {strides = array<i32>} : memref<1280xi32, #tpu.memory_space<vmem>>, vector<16xi32>,
          %get3A_111 = arith.constant 0 : i32
          %get3A_112 = arith.index_cast %get3A_111 : i32 to index
          %get3A_113 = arith.index_cast %mul3A_108 : i32 to index
          %get3A_114 = tpu.vector_load %arg7[%get3A_112, %get3A_113] {strides = array<i32>} : memref<8x1280xf32, #tpu.memory_space<vmem>>, vector<16xf32>,
          tpu.vector_store_idx %arg9[%get3A_110], %get3A_114 {add = true} : memref<10000xf32, #tpu.memory_space<vmem>>[vector<16xi32>], vector<16xf32>,
          %get3A_115 = arith.constant 1 : i32
          %get3A_116 = arith.index_cast %get3A_115 : i32 to index
          %get3A_117 = arith.index_cast %mul3A_108 : i32 to index
          %get3A_118 = tpu.vector_load %arg7[%get3A_116, %get3A_117] {strides = array<i32>} : memref<8x1280xf32, #tpu.memory_space<vmem>>, vector<16xf32>,
          tpu.vector_store_idx %arg10[%get3A_110], %get3A_118 {add = true} : memref<10000xf32, #tpu.memory_space<vmem>>[vector<16xi32>], vector<16xf32>,
          %get3A_119 = arith.constant 2 : i32
          %get3A_120 = arith.index_cast %get3A_119 : i32 to index
          %get3A_121 = arith.index_cast %mul3A_108 : i32 to index
          %get3A_122 = tpu.vector_load %arg7[%get3A_120, %get3A_121] {strides = array<i32>} : memref<8x1280xf32, #tpu.memory_space<vmem>>, vector<16xf32>,
          tpu.vector_store_idx %arg11[%get3A_110], %get3A_122 {add = true} : memref<10000xf32, #tpu.memory_space<vmem>>[vector<16xi32>], vector<16xf32>,
          %get3A_123 = arith.constant 3 : i32
          %get3A_124 = arith.index_cast %get3A_123 : i32 to index
          %get3A_125 = arith.index_cast %mul3A_108 : i32 to index
          %get3A_126 = tpu.vector_load %arg7[%get3A_124, %get3A_125] {strides = array<i32>} : memref<8x1280xf32, #tpu.memory_space<vmem>>, vector<16xf32>,
          tpu.vector_store_idx %arg12[%get3A_110], %get3A_126 {add = true} : memref<10000xf32, #tpu.memory_space<vmem>>[vector<16xi32>], vector<16xf32>,
          %get3A_127 = arith.constant 4 : i32
          %get3A_128 = arith.index_cast %get3A_127 : i32 to index
          %get3A_129 = arith.index_cast %mul3A_108 : i32 to index
          %get3A_130 = tpu.vector_load %arg7[%get3A_128, %get3A_129] {strides = array<i32>} : memref<8x1280xf32, #tpu.memory_space<vmem>>, vector<16xf32>,
          tpu.vector_store_idx %arg13[%get3A_110], %get3A_130 {add = true} : memref<10000xf32, #tpu.memory_space<vmem>>[vector<16xi32>], vector<16xf32>,
          %get3A_131 = arith.constant 5 : i32
          %get3A_132 = arith.index_cast %get3A_131 : i32 to index
          %get3A_133 = arith.index_cast %mul3A_108 : i32 to index
          %get3A_134 = tpu.vector_load %arg7[%get3A_132, %get3A_133] {strides = array<i32>} : memref<8x1280xf32, #tpu.memory_space<vmem>>, vector<16xf32>,
          tpu.vector_store_idx %arg14[%get3A_110], %get3A_134 {add = true} : memref<10000xf32, #tpu.memory_space<vmem>>[vector<16xi32>], vector<16xf32>,
          %get3A_135 = arith.constant 6 : i32
          %get3A_136 = arith.index_cast %get3A_135 : i32 to index
          %get3A_137 = arith.index_cast %mul3A_108 : i32 to index
          %get3A_138 = tpu.vector_load %arg7[%get3A_136, %get3A_137] {strides = array<i32>} : memref<8x1280xf32, #tpu.memory_space<vmem>>, vector<16xf32>,
          tpu.vector_store_idx %arg15[%get3A_110], %get3A_138 {add = true} : memref<10000xf32, #tpu.memory_space<vmem>>[vector<16xi32>], vector<16xf32>,
          %get3A_139 = arith.constant 7 : i32
          %get3A_140 = arith.index_cast %get3A_139 : i32 to index
          %get3A_141 = arith.index_cast %mul3A_108 : i32 to index
          %get3A_142 = tpu.vector_load %arg7[%get3A_140, %get3A_141] {strides = array<i32>} : memref<8x1280xf32, #tpu.memory_space<vmem>>, vector<16xf32>,
          tpu.vector_store_idx %arg16[%get3A_110], %get3A_142 {add = true} : memref<10000xf32, #tpu.memory_space<vmem>>[vector<16xi32>], vector<16xf32>,
        }
        %scan3A_55 = arith.constant 40 : i32
        %add3A_56 = arith.constant 1 : i32
        %add3A_57 = arith.addi %mul3A_33, %add3A_56 : i32
        %lt3A_58 = arith.constant 250 : i32
        %lt3A_59 = arith.cmpi slt, %add3A_57, %lt3A_58 : i32
        %convert_element_type3A_60 = arith.extui %lt3A_59 : i1 to i32
        %cond3A_61 = arith.constant 0 : i32
        %cond3A_62 = arith.cmpi ne, %convert_element_type3A_60, %cond3A_61 : i32
        scf.if %cond3A_62 {
          %dma_wait3A_63 = arith.constant 0 : i32
          %dma_wait3A_64 = tpu.memref_slice %arg2[%dma_wait3A_63] : memref<320000xi32, #tpu.memory_space<hbm>> -> memref<1280xi32, #tpu.memory_space<hbm>>
          %dma_wait3A_65 = arith.constant 0 : i32
          %dma_wait3A_66 = tpu.memref_slice %arg2[%dma_wait3A_65] : memref<320000xi32, #tpu.memory_space<hbm>> -> memref<1280xi32, #tpu.memory_space<hbm>>
          tpu.wait_dma2 semaphore(%arg18 : memref<!tpu.dma_semaphore, #tpu.memory_space<semaphore_mem>>) src(%dma_wait3A_66 : memref<1280xi32, #tpu.memory_space<hbm>>) dst(%arg6 : memref<1280xi32, #tpu.memory_space<vmem>>)
          %dma_wait3A_67 = arith.constant 0 : i32
          %dma_wait3A_68 = arith.constant 0 : i32
          %dma_wait3A_69 = tpu.memref_slice %arg3[%dma_wait3A_67, %dma_wait3A_68] : memref<136x320000xf32, #tpu.memory_space<hbm>> -> memref<8x1280xf32, #tpu.memory_space<hbm>>
          %dma_wait3A_70 = arith.constant 0 : i32
          %dma_wait3A_71 = arith.constant 0 : i32
          %dma_wait3A_72 = tpu.memref_slice %arg3[%dma_wait3A_70, %dma_wait3A_71] : memref<136x320000xf32, #tpu.memory_space<hbm>> -> memref<8x1280xf32, #tpu.memory_space<hbm>>
          tpu.wait_dma2 semaphore(%arg18 : memref<!tpu.dma_semaphore, #tpu.memory_space<semaphore_mem>>) src(%dma_wait3A_72 : memref<8x1280xf32, #tpu.memory_space<hbm>>) dst(%arg8 : memref<8x1280xf32, #tpu.memory_space<vmem>>)
          %add3A_73 = arith.constant 2 : i32
          %add3A_74 = arith.addi %mul3A_33, %add3A_73 : i32
          %lt3A_75 = arith.constant 250 : i32
          %lt3A_76 = arith.cmpi slt, %add3A_74, %lt3A_75 : i32
          %convert_element_type3A_77 = arith.extui %lt3A_76 : i1 to i32
          %cond3A_78 = arith.constant 0 : i32
          %cond3A_79 = arith.cmpi ne, %convert_element_type3A_77, %cond3A_78 : i32
          scf.if %cond3A_79 {
            %add3A_86 = arith.constant 2 : i32
            %add3A_87 = arith.addi %mul3A_33, %add3A_86 : i32
            %mul3A_88 = arith.constant 1280 : i32
            %mul3A_89 = arith.muli %add3A_87, %mul3A_88 : i32
            %dma_start3A_90 = tpu.memref_slice %arg2[%mul3A_89] : memref<320000xi32, #tpu.memory_space<hbm>> -> memref<1280xi32, #tpu.memory_space<hbm>>
            %dma_start3A_91 = tpu.memref_slice %arg2[%mul3A_89] : memref<320000xi32, #tpu.memory_space<hbm>> -> memref<1280xi32, #tpu.memory_space<hbm>>
            tpu.enqueue_dma source(%dma_start3A_91 : memref<1280xi32, #tpu.memory_space<hbm>>) target(%arg5 : memref<1280xi32, #tpu.memory_space<vmem>>) target_semaphore(%arg17 : memref<!tpu.dma_semaphore, #tpu.memory_space<semaphore_mem>>)
            %mul3A_92 = arith.constant 8 : i32
            %mul3A_93 = arith.muli %add3A, %mul3A_92 : i32
            %dma_start3A_94 = tpu.memref_slice %arg3[%mul3A_93, %mul3A_89] : memref<136x320000xf32, #tpu.memory_space<hbm>> -> memref<8x1280xf32, #tpu.memory_space<hbm>>
            %dma_start3A_95 = tpu.memref_slice %arg3[%mul3A_93, %mul3A_89] : memref<136x320000xf32, #tpu.memory_space<hbm>> -> memref<8x1280xf32, #tpu.memory_space<hbm>>
            tpu.enqueue_dma source(%dma_start3A_95 : memref<8x1280xf32, #tpu.memory_space<hbm>>) target(%arg7 : memref<8x1280xf32, #tpu.memory_space<vmem>>) target_semaphore(%arg17 : memref<!tpu.dma_semaphore, #tpu.memory_space<semaphore_mem>>)
          } else {
          }
          %scan3A_80 = arith.constant 0 : i32
          %scan3A_81 = arith.constant 0 : i32
          %scan3A_82 = arith.constant 40 : i32
          %scan3A_83 = arith.addi %scan3A_81, %scan3A_82 : i32
          %scan3A_84 = arith.constant 1 : i32
          scf.for %scan3A_86 = %scan3A_81 to %scan3A_83 step %scan3A_84  : i32 {
            %mul3A_87 = arith.constant 2 : i32
            %mul3A_88 = arith.muli %scan3A_86, %mul3A_87 : i32
            %add3A_89 = arith.constant 0 : i32
            %add3A_90 = arith.addi %mul3A_88, %add3A_89 : i32
            %mul3A_91 = arith.constant 16 : i32
            %mul3A_92 = arith.muli %add3A_90, %mul3A_91 : i32
            %get3A = arith.index_cast %mul3A_92 : i32 to index
            %get3A_93 = tpu.vector_load %arg6[%get3A] {strides = array<i32>} : memref<1280xi32, #tpu.memory_space<vmem>>, vector<16xi32>,
            %get3A_94 = arith.constant 0 : i32
            %get3A_95 = arith.index_cast %get3A_94 : i32 to index
            %get3A_96 = arith.index_cast %mul3A_92 : i32 to index
            %get3A_97 = tpu.vector_load %arg8[%get3A_95, %get3A_96] {strides = array<i32>} : memref<8x1280xf32, #tpu.memory_space<vmem>>, vector<16xf32>,
            tpu.vector_store_idx %arg9[%get3A_93], %get3A_97 {add = true} : memref<10000xf32, #tpu.memory_space<vmem>>[vector<16xi32>], vector<16xf32>,
            %get3A_98 = arith.constant 1 : i32
            %get3A_99 = arith.index_cast %get3A_98 : i32 to index
            %get3A_100 = arith.index_cast %mul3A_92 : i32 to index
            %get3A_101 = tpu.vector_load %arg8[%get3A_99, %get3A_100] {strides = array<i32>} : memref<8x1280xf32, #tpu.memory_space<vmem>>, vector<16xf32>,
            tpu.vector_store_idx %arg10[%get3A_93], %get3A_101 {add = true} : memref<10000xf32, #tpu.memory_space<vmem>>[vector<16xi32>], vector<16xf32>,
            %get3A_102 = arith.constant 2 : i32
            %get3A_103 = arith.index_cast %get3A_102 : i32 to index
            %get3A_104 = arith.index_cast %mul3A_92 : i32 to index
            %get3A_105 = tpu.vector_load %arg8[%get3A_103, %get3A_104] {strides = array<i32>} : memref<8x1280xf32, #tpu.memory_space<vmem>>, vector<16xf32>,
            tpu.vector_store_idx %arg11[%get3A_93], %get3A_105 {add = true} : memref<10000xf32, #tpu.memory_space<vmem>>[vector<16xi32>], vector<16xf32>,
            %get3A_106 = arith.constant 3 : i32
            %get3A_107 = arith.index_cast %get3A_106 : i32 to index
            %get3A_108 = arith.index_cast %mul3A_92 : i32 to index
            %get3A_109 = tpu.vector_load %arg8[%get3A_107, %get3A_108] {strides = array<i32>} : memref<8x1280xf32, #tpu.memory_space<vmem>>, vector<16xf32>,
            tpu.vector_store_idx %arg12[%get3A_93], %get3A_109 {add = true} : memref<10000xf32, #tpu.memory_space<vmem>>[vector<16xi32>], vector<16xf32>,
            %get3A_110 = arith.constant 4 : i32
            %get3A_111 = arith.index_cast %get3A_110 : i32 to index
            %get3A_112 = arith.index_cast %mul3A_92 : i32 to index
            %get3A_113 = tpu.vector_load %arg8[%get3A_111, %get3A_112] {strides = array<i32>} : memref<8x1280xf32, #tpu.memory_space<vmem>>, vector<16xf32>,
            tpu.vector_store_idx %arg13[%get3A_93], %get3A_113 {add = true} : memref<10000xf32, #tpu.memory_space<vmem>>[vector<16xi32>], vector<16xf32>,
            %get3A_114 = arith.constant 5 : i32
            %get3A_115 = arith.index_cast %get3A_114 : i32 to index
            %get3A_116 = arith.index_cast %mul3A_92 : i32 to index
            %get3A_117 = tpu.vector_load %arg8[%get3A_115, %get3A_116] {strides = array<i32>} : memref<8x1280xf32, #tpu.memory_space<vmem>>, vector<16xf32>,
            tpu.vector_store_idx %arg14[%get3A_93], %get3A_117 {add = true} : memref<10000xf32, #tpu.memory_space<vmem>>[vector<16xi32>], vector<16xf32>,
            %get3A_118 = arith.constant 6 : i32
            %get3A_119 = arith.index_cast %get3A_118 : i32 to index
            %get3A_120 = arith.index_cast %mul3A_92 : i32 to index
            %get3A_121 = tpu.vector_load %arg8[%get3A_119, %get3A_120] {strides = array<i32>} : memref<8x1280xf32, #tpu.memory_space<vmem>>, vector<16xf32>,
            tpu.vector_store_idx %arg15[%get3A_93], %get3A_121 {add = true} : memref<10000xf32, #tpu.memory_space<vmem>>[vector<16xi32>], vector<16xf32>,
            %get3A_122 = arith.constant 7 : i32
            %get3A_123 = arith.index_cast %get3A_122 : i32 to index
            %get3A_124 = arith.index_cast %mul3A_92 : i32 to index
            %get3A_125 = tpu.vector_load %arg8[%get3A_123, %get3A_124] {strides = array<i32>} : memref<8x1280xf32, #tpu.memory_space<vmem>>, vector<16xf32>,
            tpu.vector_store_idx %arg16[%get3A_93], %get3A_125 {add = true} : memref<10000xf32, #tpu.memory_space<vmem>>[vector<16xi32>], vector<16xf32>,
            %mul3A_126 = arith.constant 2 : i32
            %mul3A_127 = arith.muli %scan3A_86, %mul3A_126 : i32
            %add3A_128 = arith.constant 1 : i32
            %add3A_129 = arith.addi %mul3A_127, %add3A_128 : i32
            %mul3A_130 = arith.constant 16 : i32
            %mul3A_131 = arith.muli %add3A_129, %mul3A_130 : i32
            %get3A_132 = arith.index_cast %mul3A_131 : i32 to index
            %get3A_133 = tpu.vector_load %arg6[%get3A_132] {strides = array<i32>} : memref<1280xi32, #tpu.memory_space<vmem>>, vector<16xi32>,
            %get3A_134 = arith.constant 0 : i32
            %get3A_135 = arith.index_cast %get3A_134 : i32 to index
            %get3A_136 = arith.index_cast %mul3A_131 : i32 to index
            %get3A_137 = tpu.vector_load %arg8[%get3A_135, %get3A_136] {strides = array<i32>} : memref<8x1280xf32, #tpu.memory_space<vmem>>, vector<16xf32>,
            tpu.vector_store_idx %arg9[%get3A_133], %get3A_137 {add = true} : memref<10000xf32, #tpu.memory_space<vmem>>[vector<16xi32>], vector<16xf32>,
            %get3A_138 = arith.constant 1 : i32
            %get3A_139 = arith.index_cast %get3A_138 : i32 to index
            %get3A_140 = arith.index_cast %mul3A_131 : i32 to index
            %get3A_141 = tpu.vector_load %arg8[%get3A_139, %get3A_140] {strides = array<i32>} : memref<8x1280xf32, #tpu.memory_space<vmem>>, vector<16xf32>,
            tpu.vector_store_idx %arg10[%get3A_133], %get3A_141 {add = true} : memref<10000xf32, #tpu.memory_space<vmem>>[vector<16xi32>], vector<16xf32>,
            %get3A_142 = arith.constant 2 : i32
            %get3A_143 = arith.index_cast %get3A_142 : i32 to index
            %get3A_144 = arith.index_cast %mul3A_131 : i32 to index
            %get3A_145 = tpu.vector_load %arg8[%get3A_143, %get3A_144] {strides = array<i32>} : memref<8x1280xf32, #tpu.memory_space<vmem>>, vector<16xf32>,
            tpu.vector_store_idx %arg11[%get3A_133], %get3A_145 {add = true} : memref<10000xf32, #tpu.memory_space<vmem>>[vector<16xi32>], vector<16xf32>,
            %get3A_146 = arith.constant 3 : i32
            %get3A_147 = arith.index_cast %get3A_146 : i32 to index
            %get3A_148 = arith.index_cast %mul3A_131 : i32 to index
            %get3A_149 = tpu.vector_load %arg8[%get3A_147, %get3A_148] {strides = array<i32>} : memref<8x1280xf32, #tpu.memory_space<vmem>>, vector<16xf32>,
            tpu.vector_store_idx %arg12[%get3A_133], %get3A_149 {add = true} : memref<10000xf32, #tpu.memory_space<vmem>>[vector<16xi32>], vector<16xf32>,
            %get3A_150 = arith.constant 4 : i32
            %get3A_151 = arith.index_cast %get3A_150 : i32 to index
            %get3A_152 = arith.index_cast %mul3A_131 : i32 to index
            %get3A_153 = tpu.vector_load %arg8[%get3A_151, %get3A_152] {strides = array<i32>} : memref<8x1280xf32, #tpu.memory_space<vmem>>, vector<16xf32>,
            tpu.vector_store_idx %arg13[%get3A_133], %get3A_153 {add = true} : memref<10000xf32, #tpu.memory_space<vmem>>[vector<16xi32>], vector<16xf32>,
            %get3A_154 = arith.constant 5 : i32
            %get3A_155 = arith.index_cast %get3A_154 : i32 to index
            %get3A_156 = arith.index_cast %mul3A_131 : i32 to index
            %get3A_157 = tpu.vector_load %arg8[%get3A_155, %get3A_156] {strides = array<i32>} : memref<8x1280xf32, #tpu.memory_space<vmem>>, vector<16xf32>,
            tpu.vector_store_idx %arg14[%get3A_133], %get3A_157 {add = true} : memref<10000xf32, #tpu.memory_space<vmem>>[vector<16xi32>], vector<16xf32>,
            %get3A_158 = arith.constant 6 : i32
            %get3A_159 = arith.index_cast %get3A_158 : i32 to index
            %get3A_160 = arith.index_cast %mul3A_131 : i32 to index
            %get3A_161 = tpu.vector_load %arg8[%get3A_159, %get3A_160] {strides = array<i32>} : memref<8x1280xf32, #tpu.memory_space<vmem>>, vector<16xf32>,
            tpu.vector_store_idx %arg15[%get3A_133], %get3A_161 {add = true} : memref<10000xf32, #tpu.memory_space<vmem>>[vector<16xi32>], vector<16xf32>,
            %get3A_162 = arith.constant 7 : i32
            %get3A_163 = arith.index_cast %get3A_162 : i32 to index
            %get3A_164 = arith.index_cast %mul3A_131 : i32 to index
            %get3A_165 = tpu.vector_load %arg8[%get3A_163, %get3A_164] {strides = array<i32>} : memref<8x1280xf32, #tpu.memory_space<vmem>>, vector<16xf32>,
            tpu.vector_store_idx %arg16[%get3A_133], %get3A_165 {add = true} : memref<10000xf32, #tpu.memory_space<vmem>>[vector<16xi32>], vector<16xf32>,
          }
          %scan3A_85 = arith.constant 40 : i32
        } else {
        }
      }
      %scan3A_23 = arith.constant 125 : i32
      %run_scoped3A = arith.constant 0 : i32
      "tpu.region"() ({
        %run_scoped3A_31 = tpu.sem_alloc : memref<!tpu.dma_semaphore, #tpu.memory_space<semaphore_mem>>
        %dma_start3A_32 = arith.constant 0 : i32
        %dma_start3A_33 = tpu.memref_slice %arg4[%add3A, %run_scoped3A, %dma_start3A_32] : memref<17x8x10000xf32, #tpu.memory_space<hbm>> -> memref<1x1x10000xf32, #tpu.memory_space<hbm>>
        %dma_start3A_34 = tpu.memref_squeeze %dma_start3A_33 : memref<1x1x10000xf32, #tpu.memory_space<hbm>> -> memref<10000xf32, #tpu.memory_space<hbm>>
        %dma_start3A_35 = arith.constant 0 : i32
        %dma_start3A_36 = tpu.memref_slice %arg4[%add3A, %run_scoped3A, %dma_start3A_35] : memref<17x8x10000xf32, #tpu.memory_space<hbm>> -> memref<1x1x10000xf32, #tpu.memory_space<hbm>>
        %dma_start3A_37 = tpu.memref_squeeze %dma_start3A_36 : memref<1x1x10000xf32, #tpu.memory_space<hbm>> -> memref<10000xf32, #tpu.memory_space<hbm>>
        tpu.enqueue_dma source(%arg9 : memref<10000xf32, #tpu.memory_space<vmem>>) target(%dma_start3A_37 : memref<10000xf32, #tpu.memory_space<hbm>>) target_semaphore(%run_scoped3A_31 : memref<!tpu.dma_semaphore, #tpu.memory_space<semaphore_mem>>)
        %dma_wait3A = arith.constant 0 : i32
        %dma_wait3A_38 = tpu.memref_slice %arg4[%add3A, %run_scoped3A, %dma_wait3A] : memref<17x8x10000xf32, #tpu.memory_space<hbm>> -> memref<1x1x10000xf32, #tpu.memory_space<hbm>>
        %dma_wait3A_39 = tpu.memref_squeeze %dma_wait3A_38 : memref<1x1x10000xf32, #tpu.memory_space<hbm>> -> memref<10000xf32, #tpu.memory_space<hbm>>
        %dma_wait3A_40 = arith.constant 0 : i32
        %dma_wait3A_41 = tpu.memref_slice %arg4[%add3A, %run_scoped3A, %dma_wait3A_40] : memref<17x8x10000xf32, #tpu.memory_space<hbm>> -> memref<1x1x10000xf32, #tpu.memory_space<hbm>>
        %dma_wait3A_42 = tpu.memref_squeeze %dma_wait3A_41 : memref<1x1x10000xf32, #tpu.memory_space<hbm>> -> memref<10000xf32, #tpu.memory_space<hbm>>
        tpu.wait_dma2 semaphore(%run_scoped3A_31 : memref<!tpu.dma_semaphore, #tpu.memory_space<semaphore_mem>>) src(%arg9 : memref<10000xf32, #tpu.memory_space<vmem>>) dst(%dma_wait3A_42 : memref<10000xf32, #tpu.memory_space<hbm>>)
        tpu.yield
      }) : () -> ()
      %run_scoped3A_24 = arith.constant 1 : i32
      "tpu.region"() ({
        %run_scoped3A_31 = tpu.sem_alloc : memref<!tpu.dma_semaphore, #tpu.memory_space<semaphore_mem>>
        %dma_start3A_32 = arith.constant 0 : i32
        %dma_start3A_33 = tpu.memref_slice %arg4[%add3A, %run_scoped3A_24, %dma_start3A_32] : memref<17x8x10000xf32, #tpu.memory_space<hbm>> -> memref<1x1x10000xf32, #tpu.memory_space<hbm>>
        %dma_start3A_34 = tpu.memref_squeeze %dma_start3A_33 : memref<1x1x10000xf32, #tpu.memory_space<hbm>> -> memref<10000xf32, #tpu.memory_space<hbm>>
        %dma_start3A_35 = arith.constant 0 : i32
        %dma_start3A_36 = tpu.memref_slice %arg4[%add3A, %run_scoped3A_24, %dma_start3A_35] : memref<17x8x10000xf32, #tpu.memory_space<hbm>> -> memref<1x1x10000xf32, #tpu.memory_space<hbm>>
        %dma_start3A_37 = tpu.memref_squeeze %dma_start3A_36 : memref<1x1x10000xf32, #tpu.memory_space<hbm>> -> memref<10000xf32, #tpu.memory_space<hbm>>
        tpu.enqueue_dma source(%arg10 : memref<10000xf32, #tpu.memory_space<vmem>>) target(%dma_start3A_37 : memref<10000xf32, #tpu.memory_space<hbm>>) target_semaphore(%run_scoped3A_31 : memref<!tpu.dma_semaphore, #tpu.memory_space<semaphore_mem>>)
        %dma_wait3A = arith.constant 0 : i32
        %dma_wait3A_38 = tpu.memref_slice %arg4[%add3A, %run_scoped3A_24, %dma_wait3A] : memref<17x8x10000xf32, #tpu.memory_space<hbm>> -> memref<1x1x10000xf32, #tpu.memory_space<hbm>>
        %dma_wait3A_39 = tpu.memref_squeeze %dma_wait3A_38 : memref<1x1x10000xf32, #tpu.memory_space<hbm>> -> memref<10000xf32, #tpu.memory_space<hbm>>
        %dma_wait3A_40 = arith.constant 0 : i32
        %dma_wait3A_41 = tpu.memref_slice %arg4[%add3A, %run_scoped3A_24, %dma_wait3A_40] : memref<17x8x10000xf32, #tpu.memory_space<hbm>> -> memref<1x1x10000xf32, #tpu.memory_space<hbm>>
        %dma_wait3A_42 = tpu.memref_squeeze %dma_wait3A_41 : memref<1x1x10000xf32, #tpu.memory_space<hbm>> -> memref<10000xf32, #tpu.memory_space<hbm>>
        tpu.wait_dma2 semaphore(%run_scoped3A_31 : memref<!tpu.dma_semaphore, #tpu.memory_space<semaphore_mem>>) src(%arg10 : memref<10000xf32, #tpu.memory_space<vmem>>) dst(%dma_wait3A_42 : memref<10000xf32, #tpu.memory_space<hbm>>)
        tpu.yield
      }) : () -> ()
      %run_scoped3A_25 = arith.constant 2 : i32
      "tpu.region"() ({
        %run_scoped3A_31 = tpu.sem_alloc : memref<!tpu.dma_semaphore, #tpu.memory_space<semaphore_mem>>
        %dma_start3A_32 = arith.constant 0 : i32
        %dma_start3A_33 = tpu.memref_slice %arg4[%add3A, %run_scoped3A_25, %dma_start3A_32] : memref<17x8x10000xf32, #tpu.memory_space<hbm>> -> memref<1x1x10000xf32, #tpu.memory_space<hbm>>
        %dma_start3A_34 = tpu.memref_squeeze %dma_start3A_33 : memref<1x1x10000xf32, #tpu.memory_space<hbm>> -> memref<10000xf32, #tpu.memory_space<hbm>>
        %dma_start3A_35 = arith.constant 0 : i32
        %dma_start3A_36 = tpu.memref_slice %arg4[%add3A, %run_scoped3A_25, %dma_start3A_35] : memref<17x8x10000xf32, #tpu.memory_space<hbm>> -> memref<1x1x10000xf32, #tpu.memory_space<hbm>>
        %dma_start3A_37 = tpu.memref_squeeze %dma_start3A_36 : memref<1x1x10000xf32, #tpu.memory_space<hbm>> -> memref<10000xf32, #tpu.memory_space<hbm>>
        tpu.enqueue_dma source(%arg11 : memref<10000xf32, #tpu.memory_space<vmem>>) target(%dma_start3A_37 : memref<10000xf32, #tpu.memory_space<hbm>>) target_semaphore(%run_scoped3A_31 : memref<!tpu.dma_semaphore, #tpu.memory_space<semaphore_mem>>)
        %dma_wait3A = arith.constant 0 : i32
        %dma_wait3A_38 = tpu.memref_slice %arg4[%add3A, %run_scoped3A_25, %dma_wait3A] : memref<17x8x10000xf32, #tpu.memory_space<hbm>> -> memref<1x1x10000xf32, #tpu.memory_space<hbm>>
        %dma_wait3A_39 = tpu.memref_squeeze %dma_wait3A_38 : memref<1x1x10000xf32, #tpu.memory_space<hbm>> -> memref<10000xf32, #tpu.memory_space<hbm>>
        %dma_wait3A_40 = arith.constant 0 : i32
        %dma_wait3A_41 = tpu.memref_slice %arg4[%add3A, %run_scoped3A_25, %dma_wait3A_40] : memref<17x8x10000xf32, #tpu.memory_space<hbm>> -> memref<1x1x10000xf32, #tpu.memory_space<hbm>>
        %dma_wait3A_42 = tpu.memref_squeeze %dma_wait3A_41 : memref<1x1x10000xf32, #tpu.memory_space<hbm>> -> memref<10000xf32, #tpu.memory_space<hbm>>
        tpu.wait_dma2 semaphore(%run_scoped3A_31 : memref<!tpu.dma_semaphore, #tpu.memory_space<semaphore_mem>>) src(%arg11 : memref<10000xf32, #tpu.memory_space<vmem>>) dst(%dma_wait3A_42 : memref<10000xf32, #tpu.memory_space<hbm>>)
        tpu.yield
      }) : () -> ()
      %run_scoped3A_26 = arith.constant 3 : i32
      "tpu.region"() ({
        %run_scoped3A_31 = tpu.sem_alloc : memref<!tpu.dma_semaphore, #tpu.memory_space<semaphore_mem>>
        %dma_start3A_32 = arith.constant 0 : i32
        %dma_start3A_33 = tpu.memref_slice %arg4[%add3A, %run_scoped3A_26, %dma_start3A_32] : memref<17x8x10000xf32, #tpu.memory_space<hbm>> -> memref<1x1x10000xf32, #tpu.memory_space<hbm>>
        %dma_start3A_34 = tpu.memref_squeeze %dma_start3A_33 : memref<1x1x10000xf32, #tpu.memory_space<hbm>> -> memref<10000xf32, #tpu.memory_space<hbm>>
        %dma_start3A_35 = arith.constant 0 : i32
        %dma_start3A_36 = tpu.memref_slice %arg4[%add3A, %run_scoped3A_26, %dma_start3A_35] : memref<17x8x10000xf32, #tpu.memory_space<hbm>> -> memref<1x1x10000xf32, #tpu.memory_space<hbm>>
        %dma_start3A_37 = tpu.memref_squeeze %dma_start3A_36 : memref<1x1x10000xf32, #tpu.memory_space<hbm>> -> memref<10000xf32, #tpu.memory_space<hbm>>
        tpu.enqueue_dma source(%arg12 : memref<10000xf32, #tpu.memory_space<vmem>>) target(%dma_start3A_37 : memref<10000xf32, #tpu.memory_space<hbm>>) target_semaphore(%run_scoped3A_31 : memref<!tpu.dma_semaphore, #tpu.memory_space<semaphore_mem>>)
        %dma_wait3A = arith.constant 0 : i32
        %dma_wait3A_38 = tpu.memref_slice %arg4[%add3A, %run_scoped3A_26, %dma_wait3A] : memref<17x8x10000xf32, #tpu.memory_space<hbm>> -> memref<1x1x10000xf32, #tpu.memory_space<hbm>>
        %dma_wait3A_39 = tpu.memref_squeeze %dma_wait3A_38 : memref<1x1x10000xf32, #tpu.memory_space<hbm>> -> memref<10000xf32, #tpu.memory_space<hbm>>
        %dma_wait3A_40 = arith.constant 0 : i32
        %dma_wait3A_41 = tpu.memref_slice %arg4[%add3A, %run_scoped3A_26, %dma_wait3A_40] : memref<17x8x10000xf32, #tpu.memory_space<hbm>> -> memref<1x1x10000xf32, #tpu.memory_space<hbm>>
        %dma_wait3A_42 = tpu.memref_squeeze %dma_wait3A_41 : memref<1x1x10000xf32, #tpu.memory_space<hbm>> -> memref<10000xf32, #tpu.memory_space<hbm>>
        tpu.wait_dma2 semaphore(%run_scoped3A_31 : memref<!tpu.dma_semaphore, #tpu.memory_space<semaphore_mem>>) src(%arg12 : memref<10000xf32, #tpu.memory_space<vmem>>) dst(%dma_wait3A_42 : memref<10000xf32, #tpu.memory_space<hbm>>)
        tpu.yield
      }) : () -> ()
      %run_scoped3A_27 = arith.constant 4 : i32
      "tpu.region"() ({
        %run_scoped3A_31 = tpu.sem_alloc : memref<!tpu.dma_semaphore, #tpu.memory_space<semaphore_mem>>
        %dma_start3A_32 = arith.constant 0 : i32
        %dma_start3A_33 = tpu.memref_slice %arg4[%add3A, %run_scoped3A_27, %dma_start3A_32] : memref<17x8x10000xf32, #tpu.memory_space<hbm>> -> memref<1x1x10000xf32, #tpu.memory_space<hbm>>
        %dma_start3A_34 = tpu.memref_squeeze %dma_start3A_33 : memref<1x1x10000xf32, #tpu.memory_space<hbm>> -> memref<10000xf32, #tpu.memory_space<hbm>>
        %dma_start3A_35 = arith.constant 0 : i32
        %dma_start3A_36 = tpu.memref_slice %arg4[%add3A, %run_scoped3A_27, %dma_start3A_35] : memref<17x8x10000xf32, #tpu.memory_space<hbm>> -> memref<1x1x10000xf32, #tpu.memory_space<hbm>>
        %dma_start3A_37 = tpu.memref_squeeze %dma_start3A_36 : memref<1x1x10000xf32, #tpu.memory_space<hbm>> -> memref<10000xf32, #tpu.memory_space<hbm>>
        tpu.enqueue_dma source(%arg13 : memref<10000xf32, #tpu.memory_space<vmem>>) target(%dma_start3A_37 : memref<10000xf32, #tpu.memory_space<hbm>>) target_semaphore(%run_scoped3A_31 : memref<!tpu.dma_semaphore, #tpu.memory_space<semaphore_mem>>)
        %dma_wait3A = arith.constant 0 : i32
        %dma_wait3A_38 = tpu.memref_slice %arg4[%add3A, %run_scoped3A_27, %dma_wait3A] : memref<17x8x10000xf32, #tpu.memory_space<hbm>> -> memref<1x1x10000xf32, #tpu.memory_space<hbm>>
        %dma_wait3A_39 = tpu.memref_squeeze %dma_wait3A_38 : memref<1x1x10000xf32, #tpu.memory_space<hbm>> -> memref<10000xf32, #tpu.memory_space<hbm>>
        %dma_wait3A_40 = arith.constant 0 : i32
        %dma_wait3A_41 = tpu.memref_slice %arg4[%add3A, %run_scoped3A_27, %dma_wait3A_40] : memref<17x8x10000xf32, #tpu.memory_space<hbm>> -> memref<1x1x10000xf32, #tpu.memory_space<hbm>>
        %dma_wait3A_42 = tpu.memref_squeeze %dma_wait3A_41 : memref<1x1x10000xf32, #tpu.memory_space<hbm>> -> memref<10000xf32, #tpu.memory_space<hbm>>
        tpu.wait_dma2 semaphore(%run_scoped3A_31 : memref<!tpu.dma_semaphore, #tpu.memory_space<semaphore_mem>>) src(%arg13 : memref<10000xf32, #tpu.memory_space<vmem>>) dst(%dma_wait3A_42 : memref<10000xf32, #tpu.memory_space<hbm>>)
        tpu.yield
      }) : () -> ()
      %run_scoped3A_28 = arith.constant 5 : i32
      "tpu.region"() ({
        %run_scoped3A_31 = tpu.sem_alloc : memref<!tpu.dma_semaphore, #tpu.memory_space<semaphore_mem>>
        %dma_start3A_32 = arith.constant 0 : i32
        %dma_start3A_33 = tpu.memref_slice %arg4[%add3A, %run_scoped3A_28, %dma_start3A_32] : memref<17x8x10000xf32, #tpu.memory_space<hbm>> -> memref<1x1x10000xf32, #tpu.memory_space<hbm>>
        %dma_start3A_34 = tpu.memref_squeeze %dma_start3A_33 : memref<1x1x10000xf32, #tpu.memory_space<hbm>> -> memref<10000xf32, #tpu.memory_space<hbm>>
        %dma_start3A_35 = arith.constant 0 : i32
        %dma_start3A_36 = tpu.memref_slice %arg4[%add3A, %run_scoped3A_28, %dma_start3A_35] : memref<17x8x10000xf32, #tpu.memory_space<hbm>> -> memref<1x1x10000xf32, #tpu.memory_space<hbm>>
        %dma_start3A_37 = tpu.memref_squeeze %dma_start3A_36 : memref<1x1x10000xf32, #tpu.memory_space<hbm>> -> memref<10000xf32, #tpu.memory_space<hbm>>
        tpu.enqueue_dma source(%arg14 : memref<10000xf32, #tpu.memory_space<vmem>>) target(%dma_start3A_37 : memref<10000xf32, #tpu.memory_space<hbm>>) target_semaphore(%run_scoped3A_31 : memref<!tpu.dma_semaphore, #tpu.memory_space<semaphore_mem>>)
        %dma_wait3A = arith.constant 0 : i32
        %dma_wait3A_38 = tpu.memref_slice %arg4[%add3A, %run_scoped3A_28, %dma_wait3A] : memref<17x8x10000xf32, #tpu.memory_space<hbm>> -> memref<1x1x10000xf32, #tpu.memory_space<hbm>>
        %dma_wait3A_39 = tpu.memref_squeeze %dma_wait3A_38 : memref<1x1x10000xf32, #tpu.memory_space<hbm>> -> memref<10000xf32, #tpu.memory_space<hbm>>
        %dma_wait3A_40 = arith.constant 0 : i32
        %dma_wait3A_41 = tpu.memref_slice %arg4[%add3A, %run_scoped3A_28, %dma_wait3A_40] : memref<17x8x10000xf32, #tpu.memory_space<hbm>> -> memref<1x1x10000xf32, #tpu.memory_space<hbm>>
        %dma_wait3A_42 = tpu.memref_squeeze %dma_wait3A_41 : memref<1x1x10000xf32, #tpu.memory_space<hbm>> -> memref<10000xf32, #tpu.memory_space<hbm>>
        tpu.wait_dma2 semaphore(%run_scoped3A_31 : memref<!tpu.dma_semaphore, #tpu.memory_space<semaphore_mem>>) src(%arg14 : memref<10000xf32, #tpu.memory_space<vmem>>) dst(%dma_wait3A_42 : memref<10000xf32, #tpu.memory_space<hbm>>)
        tpu.yield
      }) : () -> ()
      %run_scoped3A_29 = arith.constant 6 : i32
      "tpu.region"() ({
        %run_scoped3A_31 = tpu.sem_alloc : memref<!tpu.dma_semaphore, #tpu.memory_space<semaphore_mem>>
        %dma_start3A_32 = arith.constant 0 : i32
        %dma_start3A_33 = tpu.memref_slice %arg4[%add3A, %run_scoped3A_29, %dma_start3A_32] : memref<17x8x10000xf32, #tpu.memory_space<hbm>> -> memref<1x1x10000xf32, #tpu.memory_space<hbm>>
        %dma_start3A_34 = tpu.memref_squeeze %dma_start3A_33 : memref<1x1x10000xf32, #tpu.memory_space<hbm>> -> memref<10000xf32, #tpu.memory_space<hbm>>
        %dma_start3A_35 = arith.constant 0 : i32
        %dma_start3A_36 = tpu.memref_slice %arg4[%add3A, %run_scoped3A_29, %dma_start3A_35] : memref<17x8x10000xf32, #tpu.memory_space<hbm>> -> memref<1x1x10000xf32, #tpu.memory_space<hbm>>
        %dma_start3A_37 = tpu.memref_squeeze %dma_start3A_36 : memref<1x1x10000xf32, #tpu.memory_space<hbm>> -> memref<10000xf32, #tpu.memory_space<hbm>>
        tpu.enqueue_dma source(%arg15 : memref<10000xf32, #tpu.memory_space<vmem>>) target(%dma_start3A_37 : memref<10000xf32, #tpu.memory_space<hbm>>) target_semaphore(%run_scoped3A_31 : memref<!tpu.dma_semaphore, #tpu.memory_space<semaphore_mem>>)
        %dma_wait3A = arith.constant 0 : i32
        %dma_wait3A_38 = tpu.memref_slice %arg4[%add3A, %run_scoped3A_29, %dma_wait3A] : memref<17x8x10000xf32, #tpu.memory_space<hbm>> -> memref<1x1x10000xf32, #tpu.memory_space<hbm>>
        %dma_wait3A_39 = tpu.memref_squeeze %dma_wait3A_38 : memref<1x1x10000xf32, #tpu.memory_space<hbm>> -> memref<10000xf32, #tpu.memory_space<hbm>>
        %dma_wait3A_40 = arith.constant 0 : i32
        %dma_wait3A_41 = tpu.memref_slice %arg4[%add3A, %run_scoped3A_29, %dma_wait3A_40] : memref<17x8x10000xf32, #tpu.memory_space<hbm>> -> memref<1x1x10000xf32, #tpu.memory_space<hbm>>
        %dma_wait3A_42 = tpu.memref_squeeze %dma_wait3A_41 : memref<1x1x10000xf32, #tpu.memory_space<hbm>> -> memref<10000xf32, #tpu.memory_space<hbm>>
        tpu.wait_dma2 semaphore(%run_scoped3A_31 : memref<!tpu.dma_semaphore, #tpu.memory_space<semaphore_mem>>) src(%arg15 : memref<10000xf32, #tpu.memory_space<vmem>>) dst(%dma_wait3A_42 : memref<10000xf32, #tpu.memory_space<hbm>>)
        tpu.yield
      }) : () -> ()
      %run_scoped3A_30 = arith.constant 7 : i32
      "tpu.region"() ({
        %run_scoped3A_31 = tpu.sem_alloc : memref<!tpu.dma_semaphore, #tpu.memory_space<semaphore_mem>>
        %dma_start3A_32 = arith.constant 0 : i32
        %dma_start3A_33 = tpu.memref_slice %arg4[%add3A, %run_scoped3A_30, %dma_start3A_32] : memref<17x8x10000xf32, #tpu.memory_space<hbm>> -> memref<1x1x10000xf32, #tpu.memory_space<hbm>>
        %dma_start3A_34 = tpu.memref_squeeze %dma_start3A_33 : memref<1x1x10000xf32, #tpu.memory_space<hbm>> -> memref<10000xf32, #tpu.memory_space<hbm>>
        %dma_start3A_35 = arith.constant 0 : i32
        %dma_start3A_36 = tpu.memref_slice %arg4[%add3A, %run_scoped3A_30, %dma_start3A_35] : memref<17x8x10000xf32, #tpu.memory_space<hbm>> -> memref<1x1x10000xf32, #tpu.memory_space<hbm>>
        %dma_start3A_37 = tpu.memref_squeeze %dma_start3A_36 : memref<1x1x10000xf32, #tpu.memory_space<hbm>> -> memref<10000xf32, #tpu.memory_space<hbm>>
        tpu.enqueue_dma source(%arg16 : memref<10000xf32, #tpu.memory_space<vmem>>) target(%dma_start3A_37 : memref<10000xf32, #tpu.memory_space<hbm>>) target_semaphore(%run_scoped3A_31 : memref<!tpu.dma_semaphore, #tpu.memory_space<semaphore_mem>>)
        %dma_wait3A = arith.constant 0 : i32
        %dma_wait3A_38 = tpu.memref_slice %arg4[%add3A, %run_scoped3A_30, %dma_wait3A] : memref<17x8x10000xf32, #tpu.memory_space<hbm>> -> memref<1x1x10000xf32, #tpu.memory_space<hbm>>
        %dma_wait3A_39 = tpu.memref_squeeze %dma_wait3A_38 : memref<1x1x10000xf32, #tpu.memory_space<hbm>> -> memref<10000xf32, #tpu.memory_space<hbm>>
        %dma_wait3A_40 = arith.constant 0 : i32
        %dma_wait3A_41 = tpu.memref_slice %arg4[%add3A, %run_scoped3A_30, %dma_wait3A_40] : memref<17x8x10000xf32, #tpu.memory_space<hbm>> -> memref<1x1x10000xf32, #tpu.memory_space<hbm>>
        %dma_wait3A_42 = tpu.memref_squeeze %dma_wait3A_41 : memref<1x1x10000xf32, #tpu.memory_space<hbm>> -> memref<10000xf32, #tpu.memory_space<hbm>>
        tpu.wait_dma2 semaphore(%run_scoped3A_31 : memref<!tpu.dma_semaphore, #tpu.memory_space<semaphore_mem>>) src(%arg16 : memref<10000xf32, #tpu.memory_space<vmem>>) dst(%dma_wait3A_42 : memref<10000xf32, #tpu.memory_space<hbm>>)
        tpu.yield
      }) : () -> ()
    } else {
    }
    return
  }
}

#map = affine_map<(d0, d1) -> (0, 0)>
#map1 = affine_map<(d0, d1) -> (0)>
module attributes {stable_mosaic.version = 14 : i64} {
  func.func @k(%arg0: i32, %arg1: i32, %arg2: memref<10000x128xf32, #tpu.memory_space<hbm>>, %arg3: memref<10000x128xf32, #tpu.memory_space<hbm>>, %arg4: memref<320000xi32, #tpu.memory_space<hbm>>, %arg5: memref<320000xi32, #tpu.memory_space<hbm>>, %arg6: memref<320000x128xf32, #tpu.memory_space<hbm>>, %arg7: memref<320000x128xf32, #tpu.memory_space<hbm>>, %arg8: memref<80xi32, #tpu.memory_space<vmem>>, %arg9: memref<80xi32, #tpu.memory_space<vmem>>, %arg10: memref<80x128xf32, #tpu.memory_space<vmem>>, %arg11: memref<80x128xf32, #tpu.memory_space<vmem>>, %arg12: memref<80xi32, #tpu.memory_space<vmem>>, %arg13: memref<80xi32, #tpu.memory_space<vmem>>, %arg14: memref<80x128xf32, #tpu.memory_space<vmem>>, %arg15: memref<80x128xf32, #tpu.memory_space<vmem>>, %arg16: memref<!tpu.dma_semaphore, #tpu.memory_space<semaphore_mem>>, %arg17: memref<!tpu.dma_semaphore, #tpu.memory_space<semaphore_mem>>, %arg18: memref<!tpu.dma_semaphore, #tpu.memory_space<semaphore_mem>>, %arg19: memref<!tpu.dma_semaphore, #tpu.memory_space<semaphore_mem>>, %arg20: memref<!tpu.dma_semaphore, #tpu.memory_space<semaphore_mem>>, %arg21: memref<!tpu.dma_semaphore, #tpu.memory_space<semaphore_mem>>) attributes {dimension_semantics = [#tpu.dimension_semantics<core_parallel>, #tpu.dimension_semantics<subcore_parallel>], iteration_bounds = array<i64: 2, 16>, scalar_prefetch = 0 : i64, scratch_operands = 14 : i64, tpu.core_type = #tpu.core_type<sc_vector_subcore>, window_params = [{transform_indices = #map}, {transform_indices = #map}, {transform_indices = #map1}, {transform_indices = #map1}, {transform_indices = #map}, {transform_indices = #map}]} {
    %mul3A = arith.constant 2 : i32
    %mul3A_0 = arith.muli %arg1, %mul3A : i32
    %add3A = arith.addi %mul3A_0, %arg0 : i32
    %mul3A_1 = arith.constant 10000 : i32
    %mul3A_2 = arith.muli %add3A, %mul3A_1 : i32
    %add3A_3 = arith.constant 0 : i32
    %add3A_4 = arith.addi %mul3A_2, %add3A_3 : i32
    %dma_start3A = tpu.memref_slice %arg4[%add3A_4] : memref<320000xi32, #tpu.memory_space<hbm>> -> memref<80xi32, #tpu.memory_space<hbm>>
    %dma_start3A_5 = tpu.memref_slice %arg4[%add3A_4] : memref<320000xi32, #tpu.memory_space<hbm>> -> memref<80xi32, #tpu.memory_space<hbm>>
    tpu.enqueue_dma source(%dma_start3A_5 : memref<80xi32, #tpu.memory_space<hbm>>) target(%arg8 : memref<80xi32, #tpu.memory_space<vmem>>) target_semaphore(%arg16 : memref<!tpu.dma_semaphore, #tpu.memory_space<semaphore_mem>>)
    %dma_start3A_6 = tpu.memref_slice %arg5[%add3A_4] : memref<320000xi32, #tpu.memory_space<hbm>> -> memref<80xi32, #tpu.memory_space<hbm>>
    %dma_start3A_7 = tpu.memref_slice %arg5[%add3A_4] : memref<320000xi32, #tpu.memory_space<hbm>> -> memref<80xi32, #tpu.memory_space<hbm>>
    tpu.enqueue_dma source(%dma_start3A_7 : memref<80xi32, #tpu.memory_space<hbm>>) target(%arg9 : memref<80xi32, #tpu.memory_space<vmem>>) target_semaphore(%arg16 : memref<!tpu.dma_semaphore, #tpu.memory_space<semaphore_mem>>)
    %add3A_8 = arith.constant 80 : i32
    %add3A_9 = arith.addi %mul3A_2, %add3A_8 : i32
    %dma_start3A_10 = tpu.memref_slice %arg4[%add3A_9] : memref<320000xi32, #tpu.memory_space<hbm>> -> memref<80xi32, #tpu.memory_space<hbm>>
    %dma_start3A_11 = tpu.memref_slice %arg4[%add3A_9] : memref<320000xi32, #tpu.memory_space<hbm>> -> memref<80xi32, #tpu.memory_space<hbm>>
    tpu.enqueue_dma source(%dma_start3A_11 : memref<80xi32, #tpu.memory_space<hbm>>) target(%arg12 : memref<80xi32, #tpu.memory_space<vmem>>) target_semaphore(%arg19 : memref<!tpu.dma_semaphore, #tpu.memory_space<semaphore_mem>>)
    %dma_start3A_12 = tpu.memref_slice %arg5[%add3A_9] : memref<320000xi32, #tpu.memory_space<hbm>> -> memref<80xi32, #tpu.memory_space<hbm>>
    %dma_start3A_13 = tpu.memref_slice %arg5[%add3A_9] : memref<320000xi32, #tpu.memory_space<hbm>> -> memref<80xi32, #tpu.memory_space<hbm>>
    tpu.enqueue_dma source(%dma_start3A_13 : memref<80xi32, #tpu.memory_space<hbm>>) target(%arg13 : memref<80xi32, #tpu.memory_space<vmem>>) target_semaphore(%arg19 : memref<!tpu.dma_semaphore, #tpu.memory_space<semaphore_mem>>)
    %add3A_14 = arith.constant 0 : i32
    %add3A_15 = arith.addi %mul3A_2, %add3A_14 : i32
    %dma_wait3A = arith.constant 0 : i32
    %dma_wait3A_16 = tpu.memref_slice %arg4[%dma_wait3A] : memref<320000xi32, #tpu.memory_space<hbm>> -> memref<80xi32, #tpu.memory_space<hbm>>
    %dma_wait3A_17 = arith.constant 0 : i32
    %dma_wait3A_18 = tpu.memref_slice %arg4[%dma_wait3A_17] : memref<320000xi32, #tpu.memory_space<hbm>> -> memref<80xi32, #tpu.memory_space<hbm>>
    tpu.wait_dma2 semaphore(%arg16 : memref<!tpu.dma_semaphore, #tpu.memory_space<semaphore_mem>>) src(%dma_wait3A_18 : memref<80xi32, #tpu.memory_space<hbm>>) dst(%arg8 : memref<80xi32, #tpu.memory_space<vmem>>)
    %dma_wait3A_19 = arith.constant 0 : i32
    %dma_wait3A_20 = tpu.memref_slice %arg5[%dma_wait3A_19] : memref<320000xi32, #tpu.memory_space<hbm>> -> memref<80xi32, #tpu.memory_space<hbm>>
    %dma_wait3A_21 = arith.constant 0 : i32
    %dma_wait3A_22 = tpu.memref_slice %arg5[%dma_wait3A_21] : memref<320000xi32, #tpu.memory_space<hbm>> -> memref<80xi32, #tpu.memory_space<hbm>>
    tpu.wait_dma2 semaphore(%arg16 : memref<!tpu.dma_semaphore, #tpu.memory_space<semaphore_mem>>) src(%dma_wait3A_22 : memref<80xi32, #tpu.memory_space<hbm>>) dst(%arg9 : memref<80xi32, #tpu.memory_space<vmem>>)
    %dma_start3A_23 = arith.constant 0 : i32
    %dma_start3A_24 = arith.constant 0 : i32
    %dma_start3A_25 = tpu.memref_slice %arg2[%dma_start3A_23, %dma_start3A_24] : memref<10000x128xf32, #tpu.memory_space<hbm>> -> memref<10000x128xf32, #tpu.memory_space<hbm>>
    tpu.enqueue_indirect_dma source(%dma_start3A_25 : memref<10000x128xf32, #tpu.memory_space<hbm>>) target(%arg10 : memref<80x128xf32, #tpu.memory_space<vmem>>) offsets(%arg8 : memref<80xi32, #tpu.memory_space<vmem>>) semaphore(%arg17 : memref<!tpu.dma_semaphore, #tpu.memory_space<semaphore_mem>>)
    %dma_start3A_26 = arith.constant 0 : i32
    %dma_start3A_27 = arith.constant 0 : i32
    %dma_start3A_28 = tpu.memref_slice %arg3[%dma_start3A_26, %dma_start3A_27] : memref<10000x128xf32, #tpu.memory_space<hbm>> -> memref<10000x128xf32, #tpu.memory_space<hbm>>
    tpu.enqueue_indirect_dma source(%dma_start3A_28 : memref<10000x128xf32, #tpu.memory_space<hbm>>) target(%arg11 : memref<80x128xf32, #tpu.memory_space<vmem>>) offsets(%arg9 : memref<80xi32, #tpu.memory_space<vmem>>) semaphore(%arg17 : memref<!tpu.dma_semaphore, #tpu.memory_space<semaphore_mem>>)
    %dma_wait3A_29 = arith.constant 0 : i32
    %dma_wait3A_30 = arith.constant 0 : i32
    %dma_wait3A_31 = tpu.memref_slice %arg2[%dma_wait3A_29, %dma_wait3A_30] : memref<10000x128xf32, #tpu.memory_space<hbm>> -> memref<10000x128xf32, #tpu.memory_space<hbm>>
    tpu.wait_indirect_dma semaphore(%arg17 : memref<!tpu.dma_semaphore, #tpu.memory_space<semaphore_mem>>) src(%dma_wait3A_31 : memref<10000x128xf32, #tpu.memory_space<hbm>>) dst(%arg10 : memref<80x128xf32, #tpu.memory_space<vmem>>)
    %dma_wait3A_32 = arith.constant 0 : i32
    %dma_wait3A_33 = arith.constant 0 : i32
    %dma_wait3A_34 = tpu.memref_slice %arg3[%dma_wait3A_32, %dma_wait3A_33] : memref<10000x128xf32, #tpu.memory_space<hbm>> -> memref<10000x128xf32, #tpu.memory_space<hbm>>
    tpu.wait_indirect_dma semaphore(%arg17 : memref<!tpu.dma_semaphore, #tpu.memory_space<semaphore_mem>>) src(%dma_wait3A_34 : memref<10000x128xf32, #tpu.memory_space<hbm>>) dst(%arg11 : memref<80x128xf32, #tpu.memory_space<vmem>>)
    %add3A_35 = arith.constant 160 : i32
    %add3A_36 = arith.addi %mul3A_2, %add3A_35 : i32
    %dma_start3A_37 = tpu.memref_slice %arg4[%add3A_36] : memref<320000xi32, #tpu.memory_space<hbm>> -> memref<80xi32, #tpu.memory_space<hbm>>
    %dma_start3A_38 = tpu.memref_slice %arg4[%add3A_36] : memref<320000xi32, #tpu.memory_space<hbm>> -> memref<80xi32, #tpu.memory_space<hbm>>
    tpu.enqueue_dma source(%dma_start3A_38 : memref<80xi32, #tpu.memory_space<hbm>>) target(%arg8 : memref<80xi32, #tpu.memory_space<vmem>>) target_semaphore(%arg16 : memref<!tpu.dma_semaphore, #tpu.memory_space<semaphore_mem>>)
    %dma_start3A_39 = tpu.memref_slice %arg5[%add3A_36] : memref<320000xi32, #tpu.memory_space<hbm>> -> memref<80xi32, #tpu.memory_space<hbm>>
    %dma_start3A_40 = tpu.memref_slice %arg5[%add3A_36] : memref<320000xi32, #tpu.memory_space<hbm>> -> memref<80xi32, #tpu.memory_space<hbm>>
    tpu.enqueue_dma source(%dma_start3A_40 : memref<80xi32, #tpu.memory_space<hbm>>) target(%arg9 : memref<80xi32, #tpu.memory_space<vmem>>) target_semaphore(%arg16 : memref<!tpu.dma_semaphore, #tpu.memory_space<semaphore_mem>>)
    %dma_start3A_41 = arith.constant 0 : i32
    %dma_start3A_42 = tpu.memref_slice %arg6[%add3A_15, %dma_start3A_41] : memref<320000x128xf32, #tpu.memory_space<hbm>> -> memref<80x128xf32, #tpu.memory_space<hbm>>
    %dma_start3A_43 = arith.constant 0 : i32
    %dma_start3A_44 = tpu.memref_slice %arg6[%add3A_15, %dma_start3A_43] : memref<320000x128xf32, #tpu.memory_space<hbm>> -> memref<80x128xf32, #tpu.memory_space<hbm>>
    tpu.enqueue_dma source(%arg10 : memref<80x128xf32, #tpu.memory_space<vmem>>) target(%dma_start3A_44 : memref<80x128xf32, #tpu.memory_space<hbm>>) target_semaphore(%arg18 : memref<!tpu.dma_semaphore, #tpu.memory_space<semaphore_mem>>)
    %dma_start3A_45 = arith.constant 0 : i32
    %dma_start3A_46 = tpu.memref_slice %arg7[%add3A_15, %dma_start3A_45] : memref<320000x128xf32, #tpu.memory_space<hbm>> -> memref<80x128xf32, #tpu.memory_space<hbm>>
    %dma_start3A_47 = arith.constant 0 : i32
    %dma_start3A_48 = tpu.memref_slice %arg7[%add3A_15, %dma_start3A_47] : memref<320000x128xf32, #tpu.memory_space<hbm>> -> memref<80x128xf32, #tpu.memory_space<hbm>>
    tpu.enqueue_dma source(%arg11 : memref<80x128xf32, #tpu.memory_space<vmem>>) target(%dma_start3A_48 : memref<80x128xf32, #tpu.memory_space<hbm>>) target_semaphore(%arg18 : memref<!tpu.dma_semaphore, #tpu.memory_space<semaphore_mem>>)
    %add3A_49 = arith.constant 80 : i32
    %add3A_50 = arith.addi %mul3A_2, %add3A_49 : i32
    %dma_wait3A_51 = arith.constant 0 : i32
    %dma_wait3A_52 = tpu.memref_slice %arg4[%dma_wait3A_51] : memref<320000xi32, #tpu.memory_space<hbm>> -> memref<80xi32, #tpu.memory_space<hbm>>
    %dma_wait3A_53 = arith.constant 0 : i32
    %dma_wait3A_54 = tpu.memref_slice %arg4[%dma_wait3A_53] : memref<320000xi32, #tpu.memory_space<hbm>> -> memref<80xi32, #tpu.memory_space<hbm>>
    tpu.wait_dma2 semaphore(%arg19 : memref<!tpu.dma_semaphore, #tpu.memory_space<semaphore_mem>>) src(%dma_wait3A_54 : memref<80xi32, #tpu.memory_space<hbm>>) dst(%arg12 : memref<80xi32, #tpu.memory_space<vmem>>)
    %dma_wait3A_55 = arith.constant 0 : i32
    %dma_wait3A_56 = tpu.memref_slice %arg5[%dma_wait3A_55] : memref<320000xi32, #tpu.memory_space<hbm>> -> memref<80xi32, #tpu.memory_space<hbm>>
    %dma_wait3A_57 = arith.constant 0 : i32
    %dma_wait3A_58 = tpu.memref_slice %arg5[%dma_wait3A_57] : memref<320000xi32, #tpu.memory_space<hbm>> -> memref<80xi32, #tpu.memory_space<hbm>>
    tpu.wait_dma2 semaphore(%arg19 : memref<!tpu.dma_semaphore, #tpu.memory_space<semaphore_mem>>) src(%dma_wait3A_58 : memref<80xi32, #tpu.memory_space<hbm>>) dst(%arg13 : memref<80xi32, #tpu.memory_space<vmem>>)
    %dma_start3A_59 = arith.constant 0 : i32
    %dma_start3A_60 = arith.constant 0 : i32
    %dma_start3A_61 = tpu.memref_slice %arg2[%dma_start3A_59, %dma_start3A_60] : memref<10000x128xf32, #tpu.memory_space<hbm>> -> memref<10000x128xf32, #tpu.memory_space<hbm>>
    tpu.enqueue_indirect_dma source(%dma_start3A_61 : memref<10000x128xf32, #tpu.memory_space<hbm>>) target(%arg14 : memref<80x128xf32, #tpu.memory_space<vmem>>) offsets(%arg12 : memref<80xi32, #tpu.memory_space<vmem>>) semaphore(%arg20 : memref<!tpu.dma_semaphore, #tpu.memory_space<semaphore_mem>>)
    %dma_start3A_62 = arith.constant 0 : i32
    %dma_start3A_63 = arith.constant 0 : i32
    %dma_start3A_64 = tpu.memref_slice %arg3[%dma_start3A_62, %dma_start3A_63] : memref<10000x128xf32, #tpu.memory_space<hbm>> -> memref<10000x128xf32, #tpu.memory_space<hbm>>
    tpu.enqueue_indirect_dma source(%dma_start3A_64 : memref<10000x128xf32, #tpu.memory_space<hbm>>) target(%arg15 : memref<80x128xf32, #tpu.memory_space<vmem>>) offsets(%arg13 : memref<80xi32, #tpu.memory_space<vmem>>) semaphore(%arg20 : memref<!tpu.dma_semaphore, #tpu.memory_space<semaphore_mem>>)
    %dma_wait3A_65 = arith.constant 0 : i32
    %dma_wait3A_66 = arith.constant 0 : i32
    %dma_wait3A_67 = tpu.memref_slice %arg2[%dma_wait3A_65, %dma_wait3A_66] : memref<10000x128xf32, #tpu.memory_space<hbm>> -> memref<10000x128xf32, #tpu.memory_space<hbm>>
    tpu.wait_indirect_dma semaphore(%arg20 : memref<!tpu.dma_semaphore, #tpu.memory_space<semaphore_mem>>) src(%dma_wait3A_67 : memref<10000x128xf32, #tpu.memory_space<hbm>>) dst(%arg14 : memref<80x128xf32, #tpu.memory_space<vmem>>)
    %dma_wait3A_68 = arith.constant 0 : i32
    %dma_wait3A_69 = arith.constant 0 : i32
    %dma_wait3A_70 = tpu.memref_slice %arg3[%dma_wait3A_68, %dma_wait3A_69] : memref<10000x128xf32, #tpu.memory_space<hbm>> -> memref<10000x128xf32, #tpu.memory_space<hbm>>
    tpu.wait_indirect_dma semaphore(%arg20 : memref<!tpu.dma_semaphore, #tpu.memory_space<semaphore_mem>>) src(%dma_wait3A_70 : memref<10000x128xf32, #tpu.memory_space<hbm>>) dst(%arg15 : memref<80x128xf32, #tpu.memory_space<vmem>>)
    %add3A_71 = arith.constant 240 : i32
    %add3A_72 = arith.addi %mul3A_2, %add3A_71 : i32
    %dma_start3A_73 = tpu.memref_slice %arg4[%add3A_72] : memref<320000xi32, #tpu.memory_space<hbm>> -> memref<80xi32, #tpu.memory_space<hbm>>
    %dma_start3A_74 = tpu.memref_slice %arg4[%add3A_72] : memref<320000xi32, #tpu.memory_space<hbm>> -> memref<80xi32, #tpu.memory_space<hbm>>
    tpu.enqueue_dma source(%dma_start3A_74 : memref<80xi32, #tpu.memory_space<hbm>>) target(%arg12 : memref<80xi32, #tpu.memory_space<vmem>>) target_semaphore(%arg19 : memref<!tpu.dma_semaphore, #tpu.memory_space<semaphore_mem>>)
    %dma_start3A_75 = tpu.memref_slice %arg5[%add3A_72] : memref<320000xi32, #tpu.memory_space<hbm>> -> memref<80xi32, #tpu.memory_space<hbm>>
    %dma_start3A_76 = tpu.memref_slice %arg5[%add3A_72] : memref<320000xi32, #tpu.memory_space<hbm>> -> memref<80xi32, #tpu.memory_space<hbm>>
    tpu.enqueue_dma source(%dma_start3A_76 : memref<80xi32, #tpu.memory_space<hbm>>) target(%arg13 : memref<80xi32, #tpu.memory_space<vmem>>) target_semaphore(%arg19 : memref<!tpu.dma_semaphore, #tpu.memory_space<semaphore_mem>>)
    %dma_start3A_77 = arith.constant 0 : i32
    %dma_start3A_78 = tpu.memref_slice %arg6[%add3A_50, %dma_start3A_77] : memref<320000x128xf32, #tpu.memory_space<hbm>> -> memref<80x128xf32, #tpu.memory_space<hbm>>
    %dma_start3A_79 = arith.constant 0 : i32
    %dma_start3A_80 = tpu.memref_slice %arg6[%add3A_50, %dma_start3A_79] : memref<320000x128xf32, #tpu.memory_space<hbm>> -> memref<80x128xf32, #tpu.memory_space<hbm>>
    tpu.enqueue_dma source(%arg14 : memref<80x128xf32, #tpu.memory_space<vmem>>) target(%dma_start3A_80 : memref<80x128xf32, #tpu.memory_space<hbm>>) target_semaphore(%arg21 : memref<!tpu.dma_semaphore, #tpu.memory_space<semaphore_mem>>)
    %dma_start3A_81 = arith.constant 0 : i32
    %dma_start3A_82 = tpu.memref_slice %arg7[%add3A_50, %dma_start3A_81] : memref<320000x128xf32, #tpu.memory_space<hbm>> -> memref<80x128xf32, #tpu.memory_space<hbm>>
    %dma_start3A_83 = arith.constant 0 : i32
    %dma_start3A_84 = tpu.memref_slice %arg7[%add3A_50, %dma_start3A_83] : memref<320000x128xf32, #tpu.memory_space<hbm>> -> memref<80x128xf32, #tpu.memory_space<hbm>>
    tpu.enqueue_dma source(%arg15 : memref<80x128xf32, #tpu.memory_space<vmem>>) target(%dma_start3A_84 : memref<80x128xf32, #tpu.memory_space<hbm>>) target_semaphore(%arg21 : memref<!tpu.dma_semaphore, #tpu.memory_space<semaphore_mem>>)
    %scan3A = arith.constant 0 : i32
    %scan3A_85 = arith.constant 0 : i32
    %scan3A_86 = arith.constant 60 : i32
    %scan3A_87 = arith.addi %scan3A_85, %scan3A_86 : i32
    %scan3A_88 = arith.constant 1 : i32
    scf.for %scan3A_246 = %scan3A_85 to %scan3A_87 step %scan3A_88  : i32 {
      %mul3A_247 = arith.constant 2 : i32
      %mul3A_248 = arith.muli %scan3A_246, %mul3A_247 : i32
      %add3A_249 = arith.constant 2 : i32
      %add3A_250 = arith.addi %add3A_249, %mul3A_248 : i32
      %mul3A_251 = arith.constant 80 : i32
      %mul3A_252 = arith.muli %add3A_250, %mul3A_251 : i32
      %add3A_253 = arith.addi %mul3A_2, %mul3A_252 : i32
      %dma_wait3A_254 = arith.constant 0 : i32
      %dma_wait3A_255 = arith.constant 0 : i32
      %dma_wait3A_256 = tpu.memref_slice %arg6[%dma_wait3A_254, %dma_wait3A_255] : memref<320000x128xf32, #tpu.memory_space<hbm>> -> memref<80x128xf32, #tpu.memory_space<hbm>>
      %dma_wait3A_257 = arith.constant 0 : i32
      %dma_wait3A_258 = arith.constant 0 : i32
      %dma_wait3A_259 = tpu.memref_slice %arg6[%dma_wait3A_257, %dma_wait3A_258] : memref<320000x128xf32, #tpu.memory_space<hbm>> -> memref<80x128xf32, #tpu.memory_space<hbm>>
      tpu.wait_dma2 semaphore(%arg18 : memref<!tpu.dma_semaphore, #tpu.memory_space<semaphore_mem>>) src(%arg10 : memref<80x128xf32, #tpu.memory_space<vmem>>) dst(%dma_wait3A_259 : memref<80x128xf32, #tpu.memory_space<hbm>>)
      %dma_wait3A_260 = arith.constant 0 : i32
      %dma_wait3A_261 = arith.constant 0 : i32
      %dma_wait3A_262 = tpu.memref_slice %arg7[%dma_wait3A_260, %dma_wait3A_261] : memref<320000x128xf32, #tpu.memory_space<hbm>> -> memref<80x128xf32, #tpu.memory_space<hbm>>
      %dma_wait3A_263 = arith.constant 0 : i32
      %dma_wait3A_264 = arith.constant 0 : i32
      %dma_wait3A_265 = tpu.memref_slice %arg7[%dma_wait3A_263, %dma_wait3A_264] : memref<320000x128xf32, #tpu.memory_space<hbm>> -> memref<80x128xf32, #tpu.memory_space<hbm>>
      tpu.wait_dma2 semaphore(%arg18 : memref<!tpu.dma_semaphore, #tpu.memory_space<semaphore_mem>>) src(%arg11 : memref<80x128xf32, #tpu.memory_space<vmem>>) dst(%dma_wait3A_265 : memref<80x128xf32, #tpu.memory_space<hbm>>)
      %dma_wait3A_266 = arith.constant 0 : i32
      %dma_wait3A_267 = tpu.memref_slice %arg4[%dma_wait3A_266] : memref<320000xi32, #tpu.memory_space<hbm>> -> memref<80xi32, #tpu.memory_space<hbm>>
      %dma_wait3A_268 = arith.constant 0 : i32
      %dma_wait3A_269 = tpu.memref_slice %arg4[%dma_wait3A_268] : memref<320000xi32, #tpu.memory_space<hbm>> -> memref<80xi32, #tpu.memory_space<hbm>>
      tpu.wait_dma2 semaphore(%arg16 : memref<!tpu.dma_semaphore, #tpu.memory_space<semaphore_mem>>) src(%dma_wait3A_269 : memref<80xi32, #tpu.memory_space<hbm>>) dst(%arg8 : memref<80xi32, #tpu.memory_space<vmem>>)
      %dma_wait3A_270 = arith.constant 0 : i32
      %dma_wait3A_271 = tpu.memref_slice %arg5[%dma_wait3A_270] : memref<320000xi32, #tpu.memory_space<hbm>> -> memref<80xi32, #tpu.memory_space<hbm>>
      %dma_wait3A_272 = arith.constant 0 : i32
      %dma_wait3A_273 = tpu.memref_slice %arg5[%dma_wait3A_272] : memref<320000xi32, #tpu.memory_space<hbm>> -> memref<80xi32, #tpu.memory_space<hbm>>
      tpu.wait_dma2 semaphore(%arg16 : memref<!tpu.dma_semaphore, #tpu.memory_space<semaphore_mem>>) src(%dma_wait3A_273 : memref<80xi32, #tpu.memory_space<hbm>>) dst(%arg9 : memref<80xi32, #tpu.memory_space<vmem>>)
      %dma_start3A_274 = arith.constant 0 : i32
      %dma_start3A_275 = arith.constant 0 : i32
      %dma_start3A_276 = tpu.memref_slice %arg2[%dma_start3A_274, %dma_start3A_275] : memref<10000x128xf32, #tpu.memory_space<hbm>> -> memref<10000x128xf32, #tpu.memory_space<hbm>>
      tpu.enqueue_indirect_dma source(%dma_start3A_276 : memref<10000x128xf32, #tpu.memory_space<hbm>>) target(%arg10 : memref<80x128xf32, #tpu.memory_space<vmem>>) offsets(%arg8 : memref<80xi32, #tpu.memory_space<vmem>>) semaphore(%arg17 : memref<!tpu.dma_semaphore, #tpu.memory_space<semaphore_mem>>)
      %dma_start3A_277 = arith.constant 0 : i32
      %dma_start3A_278 = arith.constant 0 : i32
      %dma_start3A_279 = tpu.memref_slice %arg3[%dma_start3A_277, %dma_start3A_278] : memref<10000x128xf32, #tpu.memory_space<hbm>> -> memref<10000x128xf32, #tpu.memory_space<hbm>>
      tpu.enqueue_indirect_dma source(%dma_start3A_279 : memref<10000x128xf32, #tpu.memory_space<hbm>>) target(%arg11 : memref<80x128xf32, #tpu.memory_space<vmem>>) offsets(%arg9 : memref<80xi32, #tpu.memory_space<vmem>>) semaphore(%arg17 : memref<!tpu.dma_semaphore, #tpu.memory_space<semaphore_mem>>)
      %dma_wait3A_280 = arith.constant 0 : i32
      %dma_wait3A_281 = arith.constant 0 : i32
      %dma_wait3A_282 = tpu.memref_slice %arg2[%dma_wait3A_280, %dma_wait3A_281] : memref<10000x128xf32, #tpu.memory_space<hbm>> -> memref<10000x128xf32, #tpu.memory_space<hbm>>
      tpu.wait_indirect_dma semaphore(%arg17 : memref<!tpu.dma_semaphore, #tpu.memory_space<semaphore_mem>>) src(%dma_wait3A_282 : memref<10000x128xf32, #tpu.memory_space<hbm>>) dst(%arg10 : memref<80x128xf32, #tpu.memory_space<vmem>>)
      %dma_wait3A_283 = arith.constant 0 : i32
      %dma_wait3A_284 = arith.constant 0 : i32
      %dma_wait3A_285 = tpu.memref_slice %arg3[%dma_wait3A_283, %dma_wait3A_284] : memref<10000x128xf32, #tpu.memory_space<hbm>> -> memref<10000x128xf32, #tpu.memory_space<hbm>>
      tpu.wait_indirect_dma semaphore(%arg17 : memref<!tpu.dma_semaphore, #tpu.memory_space<semaphore_mem>>) src(%dma_wait3A_285 : memref<10000x128xf32, #tpu.memory_space<hbm>>) dst(%arg11 : memref<80x128xf32, #tpu.memory_space<vmem>>)
      %add3A_286 = arith.constant 2 : i32
      %add3A_287 = arith.addi %add3A_250, %add3A_286 : i32
      %mul3A_288 = arith.constant 80 : i32
      %mul3A_289 = arith.muli %add3A_287, %mul3A_288 : i32
      %add3A_290 = arith.addi %mul3A_2, %mul3A_289 : i32
      %dma_start3A_291 = tpu.memref_slice %arg4[%add3A_290] : memref<320000xi32, #tpu.memory_space<hbm>> -> memref<80xi32, #tpu.memory_space<hbm>>
      %dma_start3A_292 = tpu.memref_slice %arg4[%add3A_290] : memref<320000xi32, #tpu.memory_space<hbm>> -> memref<80xi32, #tpu.memory_space<hbm>>
      tpu.enqueue_dma source(%dma_start3A_292 : memref<80xi32, #tpu.memory_space<hbm>>) target(%arg8 : memref<80xi32, #tpu.memory_space<vmem>>) target_semaphore(%arg16 : memref<!tpu.dma_semaphore, #tpu.memory_space<semaphore_mem>>)
      %dma_start3A_293 = tpu.memref_slice %arg5[%add3A_290] : memref<320000xi32, #tpu.memory_space<hbm>> -> memref<80xi32, #tpu.memory_space<hbm>>
      %dma_start3A_294 = tpu.memref_slice %arg5[%add3A_290] : memref<320000xi32, #tpu.memory_space<hbm>> -> memref<80xi32, #tpu.memory_space<hbm>>
      tpu.enqueue_dma source(%dma_start3A_294 : memref<80xi32, #tpu.memory_space<hbm>>) target(%arg9 : memref<80xi32, #tpu.memory_space<vmem>>) target_semaphore(%arg16 : memref<!tpu.dma_semaphore, #tpu.memory_space<semaphore_mem>>)
      %dma_start3A_295 = arith.constant 0 : i32
      %dma_start3A_296 = tpu.memref_slice %arg6[%add3A_253, %dma_start3A_295] : memref<320000x128xf32, #tpu.memory_space<hbm>> -> memref<80x128xf32, #tpu.memory_space<hbm>>
      %dma_start3A_297 = arith.constant 0 : i32
      %dma_start3A_298 = tpu.memref_slice %arg6[%add3A_253, %dma_start3A_297] : memref<320000x128xf32, #tpu.memory_space<hbm>> -> memref<80x128xf32, #tpu.memory_space<hbm>>
      tpu.enqueue_dma source(%arg10 : memref<80x128xf32, #tpu.memory_space<vmem>>) target(%dma_start3A_298 : memref<80x128xf32, #tpu.memory_space<hbm>>) target_semaphore(%arg18 : memref<!tpu.dma_semaphore, #tpu.memory_space<semaphore_mem>>)
      %dma_start3A_299 = arith.constant 0 : i32
      %dma_start3A_300 = tpu.memref_slice %arg7[%add3A_253, %dma_start3A_299] : memref<320000x128xf32, #tpu.memory_space<hbm>> -> memref<80x128xf32, #tpu.memory_space<hbm>>
      %dma_start3A_301 = arith.constant 0 : i32
      %dma_start3A_302 = tpu.memref_slice %arg7[%add3A_253, %dma_start3A_301] : memref<320000x128xf32, #tpu.memory_space<hbm>> -> memref<80x128xf32, #tpu.memory_space<hbm>>
      tpu.enqueue_dma source(%arg11 : memref<80x128xf32, #tpu.memory_space<vmem>>) target(%dma_start3A_302 : memref<80x128xf32, #tpu.memory_space<hbm>>) target_semaphore(%arg18 : memref<!tpu.dma_semaphore, #tpu.memory_space<semaphore_mem>>)
      %add3A_303 = arith.constant 1 : i32
      %add3A_304 = arith.addi %add3A_250, %add3A_303 : i32
      %mul3A_305 = arith.constant 80 : i32
      %mul3A_306 = arith.muli %add3A_304, %mul3A_305 : i32
      %add3A_307 = arith.addi %mul3A_2, %mul3A_306 : i32
      %dma_wait3A_308 = arith.constant 0 : i32
      %dma_wait3A_309 = arith.constant 0 : i32
      %dma_wait3A_310 = tpu.memref_slice %arg6[%dma_wait3A_308, %dma_wait3A_309] : memref<320000x128xf32, #tpu.memory_space<hbm>> -> memref<80x128xf32, #tpu.memory_space<hbm>>
      %dma_wait3A_311 = arith.constant 0 : i32
      %dma_wait3A_312 = arith.constant 0 : i32
      %dma_wait3A_313 = tpu.memref_slice %arg6[%dma_wait3A_311, %dma_wait3A_312] : memref<320000x128xf32, #tpu.memory_space<hbm>> -> memref<80x128xf32, #tpu.memory_space<hbm>>
      tpu.wait_dma2 semaphore(%arg21 : memref<!tpu.dma_semaphore, #tpu.memory_space<semaphore_mem>>) src(%arg14 : memref<80x128xf32, #tpu.memory_space<vmem>>) dst(%dma_wait3A_313 : memref<80x128xf32, #tpu.memory_space<hbm>>)
      %dma_wait3A_314 = arith.constant 0 : i32
      %dma_wait3A_315 = arith.constant 0 : i32
      %dma_wait3A_316 = tpu.memref_slice %arg7[%dma_wait3A_314, %dma_wait3A_315] : memref<320000x128xf32, #tpu.memory_space<hbm>> -> memref<80x128xf32, #tpu.memory_space<hbm>>
      %dma_wait3A_317 = arith.constant 0 : i32
      %dma_wait3A_318 = arith.constant 0 : i32
      %dma_wait3A_319 = tpu.memref_slice %arg7[%dma_wait3A_317, %dma_wait3A_318] : memref<320000x128xf32, #tpu.memory_space<hbm>> -> memref<80x128xf32, #tpu.memory_space<hbm>>
      tpu.wait_dma2 semaphore(%arg21 : memref<!tpu.dma_semaphore, #tpu.memory_space<semaphore_mem>>) src(%arg15 : memref<80x128xf32, #tpu.memory_space<vmem>>) dst(%dma_wait3A_319 : memref<80x128xf32, #tpu.memory_space<hbm>>)
      %dma_wait3A_320 = arith.constant 0 : i32
      %dma_wait3A_321 = tpu.memref_slice %arg4[%dma_wait3A_320] : memref<320000xi32, #tpu.memory_space<hbm>> -> memref<80xi32, #tpu.memory_space<hbm>>
      %dma_wait3A_322 = arith.constant 0 : i32
      %dma_wait3A_323 = tpu.memref_slice %arg4[%dma_wait3A_322] : memref<320000xi32, #tpu.memory_space<hbm>> -> memref<80xi32, #tpu.memory_space<hbm>>
      tpu.wait_dma2 semaphore(%arg19 : memref<!tpu.dma_semaphore, #tpu.memory_space<semaphore_mem>>) src(%dma_wait3A_323 : memref<80xi32, #tpu.memory_space<hbm>>) dst(%arg12 : memref<80xi32, #tpu.memory_space<vmem>>)
      %dma_wait3A_324 = arith.constant 0 : i32
      %dma_wait3A_325 = tpu.memref_slice %arg5[%dma_wait3A_324] : memref<320000xi32, #tpu.memory_space<hbm>> -> memref<80xi32, #tpu.memory_space<hbm>>
      %dma_wait3A_326 = arith.constant 0 : i32
      %dma_wait3A_327 = tpu.memref_slice %arg5[%dma_wait3A_326] : memref<320000xi32, #tpu.memory_space<hbm>> -> memref<80xi32, #tpu.memory_space<hbm>>
      tpu.wait_dma2 semaphore(%arg19 : memref<!tpu.dma_semaphore, #tpu.memory_space<semaphore_mem>>) src(%dma_wait3A_327 : memref<80xi32, #tpu.memory_space<hbm>>) dst(%arg13 : memref<80xi32, #tpu.memory_space<vmem>>)
      %dma_start3A_328 = arith.constant 0 : i32
      %dma_start3A_329 = arith.constant 0 : i32
      %dma_start3A_330 = tpu.memref_slice %arg2[%dma_start3A_328, %dma_start3A_329] : memref<10000x128xf32, #tpu.memory_space<hbm>> -> memref<10000x128xf32, #tpu.memory_space<hbm>>
      tpu.enqueue_indirect_dma source(%dma_start3A_330 : memref<10000x128xf32, #tpu.memory_space<hbm>>) target(%arg14 : memref<80x128xf32, #tpu.memory_space<vmem>>) offsets(%arg12 : memref<80xi32, #tpu.memory_space<vmem>>) semaphore(%arg20 : memref<!tpu.dma_semaphore, #tpu.memory_space<semaphore_mem>>)
      %dma_start3A_331 = arith.constant 0 : i32
      %dma_start3A_332 = arith.constant 0 : i32
      %dma_start3A_333 = tpu.memref_slice %arg3[%dma_start3A_331, %dma_start3A_332] : memref<10000x128xf32, #tpu.memory_space<hbm>> -> memref<10000x128xf32, #tpu.memory_space<hbm>>
      tpu.enqueue_indirect_dma source(%dma_start3A_333 : memref<10000x128xf32, #tpu.memory_space<hbm>>) target(%arg15 : memref<80x128xf32, #tpu.memory_space<vmem>>) offsets(%arg13 : memref<80xi32, #tpu.memory_space<vmem>>) semaphore(%arg20 : memref<!tpu.dma_semaphore, #tpu.memory_space<semaphore_mem>>)
      %dma_wait3A_334 = arith.constant 0 : i32
      %dma_wait3A_335 = arith.constant 0 : i32
      %dma_wait3A_336 = tpu.memref_slice %arg2[%dma_wait3A_334, %dma_wait3A_335] : memref<10000x128xf32, #tpu.memory_space<hbm>> -> memref<10000x128xf32, #tpu.memory_space<hbm>>
      tpu.wait_indirect_dma semaphore(%arg20 : memref<!tpu.dma_semaphore, #tpu.memory_space<semaphore_mem>>) src(%dma_wait3A_336 : memref<10000x128xf32, #tpu.memory_space<hbm>>) dst(%arg14 : memref<80x128xf32, #tpu.memory_space<vmem>>)
      %dma_wait3A_337 = arith.constant 0 : i32
      %dma_wait3A_338 = arith.constant 0 : i32
      %dma_wait3A_339 = tpu.memref_slice %arg3[%dma_wait3A_337, %dma_wait3A_338] : memref<10000x128xf32, #tpu.memory_space<hbm>> -> memref<10000x128xf32, #tpu.memory_space<hbm>>
      tpu.wait_indirect_dma semaphore(%arg20 : memref<!tpu.dma_semaphore, #tpu.memory_space<semaphore_mem>>) src(%dma_wait3A_339 : memref<10000x128xf32, #tpu.memory_space<hbm>>) dst(%arg15 : memref<80x128xf32, #tpu.memory_space<vmem>>)
      %add3A_340 = arith.constant 2 : i32
      %add3A_341 = arith.addi %add3A_304, %add3A_340 : i32
      %mul3A_342 = arith.constant 80 : i32
      %mul3A_343 = arith.muli %add3A_341, %mul3A_342 : i32
      %add3A_344 = arith.addi %mul3A_2, %mul3A_343 : i32
      %dma_start3A_345 = tpu.memref_slice %arg4[%add3A_344] : memref<320000xi32, #tpu.memory_space<hbm>> -> memref<80xi32, #tpu.memory_space<hbm>>
      %dma_start3A_346 = tpu.memref_slice %arg4[%add3A_344] : memref<320000xi32, #tpu.memory_space<hbm>> -> memref<80xi32, #tpu.memory_space<hbm>>
      tpu.enqueue_dma source(%dma_start3A_346 : memref<80xi32, #tpu.memory_space<hbm>>) target(%arg12 : memref<80xi32, #tpu.memory_space<vmem>>) target_semaphore(%arg19 : memref<!tpu.dma_semaphore, #tpu.memory_space<semaphore_mem>>)
      %dma_start3A_347 = tpu.memref_slice %arg5[%add3A_344] : memref<320000xi32, #tpu.memory_space<hbm>> -> memref<80xi32, #tpu.memory_space<hbm>>
      %dma_start3A_348 = tpu.memref_slice %arg5[%add3A_344] : memref<320000xi32, #tpu.memory_space<hbm>> -> memref<80xi32, #tpu.memory_space<hbm>>
      tpu.enqueue_dma source(%dma_start3A_348 : memref<80xi32, #tpu.memory_space<hbm>>) target(%arg13 : memref<80xi32, #tpu.memory_space<vmem>>) target_semaphore(%arg19 : memref<!tpu.dma_semaphore, #tpu.memory_space<semaphore_mem>>)
      %dma_start3A_349 = arith.constant 0 : i32
      %dma_start3A_350 = tpu.memref_slice %arg6[%add3A_307, %dma_start3A_349] : memref<320000x128xf32, #tpu.memory_space<hbm>> -> memref<80x128xf32, #tpu.memory_space<hbm>>
      %dma_start3A_351 = arith.constant 0 : i32
      %dma_start3A_352 = tpu.memref_slice %arg6[%add3A_307, %dma_start3A_351] : memref<320000x128xf32, #tpu.memory_space<hbm>> -> memref<80x128xf32, #tpu.memory_space<hbm>>
      tpu.enqueue_dma source(%arg14 : memref<80x128xf32, #tpu.memory_space<vmem>>) target(%dma_start3A_352 : memref<80x128xf32, #tpu.memory_space<hbm>>) target_semaphore(%arg21 : memref<!tpu.dma_semaphore, #tpu.memory_space<semaphore_mem>>)
      %dma_start3A_353 = arith.constant 0 : i32
      %dma_start3A_354 = tpu.memref_slice %arg7[%add3A_307, %dma_start3A_353] : memref<320000x128xf32, #tpu.memory_space<hbm>> -> memref<80x128xf32, #tpu.memory_space<hbm>>
      %dma_start3A_355 = arith.constant 0 : i32
      %dma_start3A_356 = tpu.memref_slice %arg7[%add3A_307, %dma_start3A_355] : memref<320000x128xf32, #tpu.memory_space<hbm>> -> memref<80x128xf32, #tpu.memory_space<hbm>>
      tpu.enqueue_dma source(%arg15 : memref<80x128xf32, #tpu.memory_space<vmem>>) target(%dma_start3A_356 : memref<80x128xf32, #tpu.memory_space<hbm>>) target_semaphore(%arg21 : memref<!tpu.dma_semaphore, #tpu.memory_space<semaphore_mem>>)
    }
    %scan3A_89 = arith.constant 60 : i32
    %add3A_90 = arith.constant 9760 : i32
    %add3A_91 = arith.addi %mul3A_2, %add3A_90 : i32
    %dma_wait3A_92 = arith.constant 0 : i32
    %dma_wait3A_93 = arith.constant 0 : i32
    %dma_wait3A_94 = tpu.memref_slice %arg6[%dma_wait3A_92, %dma_wait3A_93] : memref<320000x128xf32, #tpu.memory_space<hbm>> -> memref<80x128xf32, #tpu.memory_space<hbm>>
    %dma_wait3A_95 = arith.constant 0 : i32
    %dma_wait3A_96 = arith.constant 0 : i32
    %dma_wait3A_97 = tpu.memref_slice %arg6[%dma_wait3A_95, %dma_wait3A_96] : memref<320000x128xf32, #tpu.memory_space<hbm>> -> memref<80x128xf32, #tpu.memory_space<hbm>>
    tpu.wait_dma2 semaphore(%arg18 : memref<!tpu.dma_semaphore, #tpu.memory_space<semaphore_mem>>) src(%arg10 : memref<80x128xf32, #tpu.memory_space<vmem>>) dst(%dma_wait3A_97 : memref<80x128xf32, #tpu.memory_space<hbm>>)
    %dma_wait3A_98 = arith.constant 0 : i32
    %dma_wait3A_99 = arith.constant 0 : i32
    %dma_wait3A_100 = tpu.memref_slice %arg7[%dma_wait3A_98, %dma_wait3A_99] : memref<320000x128xf32, #tpu.memory_space<hbm>> -> memref<80x128xf32, #tpu.memory_space<hbm>>
    %dma_wait3A_101 = arith.constant 0 : i32
    %dma_wait3A_102 = arith.constant 0 : i32
    %dma_wait3A_103 = tpu.memref_slice %arg7[%dma_wait3A_101, %dma_wait3A_102] : memref<320000x128xf32, #tpu.memory_space<hbm>> -> memref<80x128xf32, #tpu.memory_space<hbm>>
    tpu.wait_dma2 semaphore(%arg18 : memref<!tpu.dma_semaphore, #tpu.memory_space<semaphore_mem>>) src(%arg11 : memref<80x128xf32, #tpu.memory_space<vmem>>) dst(%dma_wait3A_103 : memref<80x128xf32, #tpu.memory_space<hbm>>)
    %dma_wait3A_104 = arith.constant 0 : i32
    %dma_wait3A_105 = tpu.memref_slice %arg4[%dma_wait3A_104] : memref<320000xi32, #tpu.memory_space<hbm>> -> memref<80xi32, #tpu.memory_space<hbm>>
    %dma_wait3A_106 = arith.constant 0 : i32
    %dma_wait3A_107 = tpu.memref_slice %arg4[%dma_wait3A_106] : memref<320000xi32, #tpu.memory_space<hbm>> -> memref<80xi32, #tpu.memory_space<hbm>>
    tpu.wait_dma2 semaphore(%arg16 : memref<!tpu.dma_semaphore, #tpu.memory_space<semaphore_mem>>) src(%dma_wait3A_107 : memref<80xi32, #tpu.memory_space<hbm>>) dst(%arg8 : memref<80xi32, #tpu.memory_space<vmem>>)
    %dma_wait3A_108 = arith.constant 0 : i32
    %dma_wait3A_109 = tpu.memref_slice %arg5[%dma_wait3A_108] : memref<320000xi32, #tpu.memory_space<hbm>> -> memref<80xi32, #tpu.memory_space<hbm>>
    %dma_wait3A_110 = arith.constant 0 : i32
    %dma_wait3A_111 = tpu.memref_slice %arg5[%dma_wait3A_110] : memref<320000xi32, #tpu.memory_space<hbm>> -> memref<80xi32, #tpu.memory_space<hbm>>
    tpu.wait_dma2 semaphore(%arg16 : memref<!tpu.dma_semaphore, #tpu.memory_space<semaphore_mem>>) src(%dma_wait3A_111 : memref<80xi32, #tpu.memory_space<hbm>>) dst(%arg9 : memref<80xi32, #tpu.memory_space<vmem>>)
    %dma_start3A_112 = arith.constant 0 : i32
    %dma_start3A_113 = arith.constant 0 : i32
    %dma_start3A_114 = tpu.memref_slice %arg2[%dma_start3A_112, %dma_start3A_113] : memref<10000x128xf32, #tpu.memory_space<hbm>> -> memref<10000x128xf32, #tpu.memory_space<hbm>>
    tpu.enqueue_indirect_dma source(%dma_start3A_114 : memref<10000x128xf32, #tpu.memory_space<hbm>>) target(%arg10 : memref<80x128xf32, #tpu.memory_space<vmem>>) offsets(%arg8 : memref<80xi32, #tpu.memory_space<vmem>>) semaphore(%arg17 : memref<!tpu.dma_semaphore, #tpu.memory_space<semaphore_mem>>)
    %dma_start3A_115 = arith.constant 0 : i32
    %dma_start3A_116 = arith.constant 0 : i32
    %dma_start3A_117 = tpu.memref_slice %arg3[%dma_start3A_115, %dma_start3A_116] : memref<10000x128xf32, #tpu.memory_space<hbm>> -> memref<10000x128xf32, #tpu.memory_space<hbm>>
    tpu.enqueue_indirect_dma source(%dma_start3A_117 : memref<10000x128xf32, #tpu.memory_space<hbm>>) target(%arg11 : memref<80x128xf32, #tpu.memory_space<vmem>>) offsets(%arg9 : memref<80xi32, #tpu.memory_space<vmem>>) semaphore(%arg17 : memref<!tpu.dma_semaphore, #tpu.memory_space<semaphore_mem>>)
    %dma_wait3A_118 = arith.constant 0 : i32
    %dma_wait3A_119 = arith.constant 0 : i32
    %dma_wait3A_120 = tpu.memref_slice %arg2[%dma_wait3A_118, %dma_wait3A_119] : memref<10000x128xf32, #tpu.memory_space<hbm>> -> memref<10000x128xf32, #tpu.memory_space<hbm>>
    tpu.wait_indirect_dma semaphore(%arg17 : memref<!tpu.dma_semaphore, #tpu.memory_space<semaphore_mem>>) src(%dma_wait3A_120 : memref<10000x128xf32, #tpu.memory_space<hbm>>) dst(%arg10 : memref<80x128xf32, #tpu.memory_space<vmem>>)
    %dma_wait3A_121 = arith.constant 0 : i32
    %dma_wait3A_122 = arith.constant 0 : i32
    %dma_wait3A_123 = tpu.memref_slice %arg3[%dma_wait3A_121, %dma_wait3A_122] : memref<10000x128xf32, #tpu.memory_space<hbm>> -> memref<10000x128xf32, #tpu.memory_space<hbm>>
    tpu.wait_indirect_dma semaphore(%arg17 : memref<!tpu.dma_semaphore, #tpu.memory_space<semaphore_mem>>) src(%dma_wait3A_123 : memref<10000x128xf32, #tpu.memory_space<hbm>>) dst(%arg11 : memref<80x128xf32, #tpu.memory_space<vmem>>)
    %add3A_124 = arith.constant 9920 : i32
    %add3A_125 = arith.addi %mul3A_2, %add3A_124 : i32
    %dma_start3A_126 = tpu.memref_slice %arg4[%add3A_125] : memref<320000xi32, #tpu.memory_space<hbm>> -> memref<80xi32, #tpu.memory_space<hbm>>
    %dma_start3A_127 = tpu.memref_slice %arg4[%add3A_125] : memref<320000xi32, #tpu.memory_space<hbm>> -> memref<80xi32, #tpu.memory_space<hbm>>
    tpu.enqueue_dma source(%dma_start3A_127 : memref<80xi32, #tpu.memory_space<hbm>>) target(%arg8 : memref<80xi32, #tpu.memory_space<vmem>>) target_semaphore(%arg16 : memref<!tpu.dma_semaphore, #tpu.memory_space<semaphore_mem>>)
    %dma_start3A_128 = tpu.memref_slice %arg5[%add3A_125] : memref<320000xi32, #tpu.memory_space<hbm>> -> memref<80xi32, #tpu.memory_space<hbm>>
    %dma_start3A_129 = tpu.memref_slice %arg5[%add3A_125] : memref<320000xi32, #tpu.memory_space<hbm>> -> memref<80xi32, #tpu.memory_space<hbm>>
    tpu.enqueue_dma source(%dma_start3A_129 : memref<80xi32, #tpu.memory_space<hbm>>) target(%arg9 : memref<80xi32, #tpu.memory_space<vmem>>) target_semaphore(%arg16 : memref<!tpu.dma_semaphore, #tpu.memory_space<semaphore_mem>>)
    %dma_start3A_130 = arith.constant 0 : i32
    %dma_start3A_131 = tpu.memref_slice %arg6[%add3A_91, %dma_start3A_130] : memref<320000x128xf32, #tpu.memory_space<hbm>> -> memref<80x128xf32, #tpu.memory_space<hbm>>
    %dma_start3A_132 = arith.constant 0 : i32
    %dma_start3A_133 = tpu.memref_slice %arg6[%add3A_91, %dma_start3A_132] : memref<320000x128xf32, #tpu.memory_space<hbm>> -> memref<80x128xf32, #tpu.memory_space<hbm>>
    tpu.enqueue_dma source(%arg10 : memref<80x128xf32, #tpu.memory_space<vmem>>) target(%dma_start3A_133 : memref<80x128xf32, #tpu.memory_space<hbm>>) target_semaphore(%arg18 : memref<!tpu.dma_semaphore, #tpu.memory_space<semaphore_mem>>)
    %dma_start3A_134 = arith.constant 0 : i32
    %dma_start3A_135 = tpu.memref_slice %arg7[%add3A_91, %dma_start3A_134] : memref<320000x128xf32, #tpu.memory_space<hbm>> -> memref<80x128xf32, #tpu.memory_space<hbm>>
    %dma_start3A_136 = arith.constant 0 : i32
    %dma_start3A_137 = tpu.memref_slice %arg7[%add3A_91, %dma_start3A_136] : memref<320000x128xf32, #tpu.memory_space<hbm>> -> memref<80x128xf32, #tpu.memory_space<hbm>>
    tpu.enqueue_dma source(%arg11 : memref<80x128xf32, #tpu.memory_space<vmem>>) target(%dma_start3A_137 : memref<80x128xf32, #tpu.memory_space<hbm>>) target_semaphore(%arg18 : memref<!tpu.dma_semaphore, #tpu.memory_space<semaphore_mem>>)
    %add3A_138 = arith.constant 9840 : i32
    %add3A_139 = arith.addi %mul3A_2, %add3A_138 : i32
    %dma_wait3A_140 = arith.constant 0 : i32
    %dma_wait3A_141 = arith.constant 0 : i32
    %dma_wait3A_142 = tpu.memref_slice %arg6[%dma_wait3A_140, %dma_wait3A_141] : memref<320000x128xf32, #tpu.memory_space<hbm>> -> memref<80x128xf32, #tpu.memory_space<hbm>>
    %dma_wait3A_143 = arith.constant 0 : i32
    %dma_wait3A_144 = arith.constant 0 : i32
    %dma_wait3A_145 = tpu.memref_slice %arg6[%dma_wait3A_143, %dma_wait3A_144] : memref<320000x128xf32, #tpu.memory_space<hbm>> -> memref<80x128xf32, #tpu.memory_space<hbm>>
    tpu.wait_dma2 semaphore(%arg21 : memref<!tpu.dma_semaphore, #tpu.memory_space<semaphore_mem>>) src(%arg14 : memref<80x128xf32, #tpu.memory_space<vmem>>) dst(%dma_wait3A_145 : memref<80x128xf32, #tpu.memory_space<hbm>>)
    %dma_wait3A_146 = arith.constant 0 : i32
    %dma_wait3A_147 = arith.constant 0 : i32
    %dma_wait3A_148 = tpu.memref_slice %arg7[%dma_wait3A_146, %dma_wait3A_147] : memref<320000x128xf32, #tpu.memory_space<hbm>> -> memref<80x128xf32, #tpu.memory_space<hbm>>
    %dma_wait3A_149 = arith.constant 0 : i32
    %dma_wait3A_150 = arith.constant 0 : i32
    %dma_wait3A_151 = tpu.memref_slice %arg7[%dma_wait3A_149, %dma_wait3A_150] : memref<320000x128xf32, #tpu.memory_space<hbm>> -> memref<80x128xf32, #tpu.memory_space<hbm>>
    tpu.wait_dma2 semaphore(%arg21 : memref<!tpu.dma_semaphore, #tpu.memory_space<semaphore_mem>>) src(%arg15 : memref<80x128xf32, #tpu.memory_space<vmem>>) dst(%dma_wait3A_151 : memref<80x128xf32, #tpu.memory_space<hbm>>)
    %dma_wait3A_152 = arith.constant 0 : i32
    %dma_wait3A_153 = tpu.memref_slice %arg4[%dma_wait3A_152] : memref<320000xi32, #tpu.memory_space<hbm>> -> memref<80xi32, #tpu.memory_space<hbm>>
    %dma_wait3A_154 = arith.constant 0 : i32
    %dma_wait3A_155 = tpu.memref_slice %arg4[%dma_wait3A_154] : memref<320000xi32, #tpu.memory_space<hbm>> -> memref<80xi32, #tpu.memory_space<hbm>>
    tpu.wait_dma2 semaphore(%arg19 : memref<!tpu.dma_semaphore, #tpu.memory_space<semaphore_mem>>) src(%dma_wait3A_155 : memref<80xi32, #tpu.memory_space<hbm>>) dst(%arg12 : memref<80xi32, #tpu.memory_space<vmem>>)
    %dma_wait3A_156 = arith.constant 0 : i32
    %dma_wait3A_157 = tpu.memref_slice %arg5[%dma_wait3A_156] : memref<320000xi32, #tpu.memory_space<hbm>> -> memref<80xi32, #tpu.memory_space<hbm>>
    %dma_wait3A_158 = arith.constant 0 : i32
    %dma_wait3A_159 = tpu.memref_slice %arg5[%dma_wait3A_158] : memref<320000xi32, #tpu.memory_space<hbm>> -> memref<80xi32, #tpu.memory_space<hbm>>
    tpu.wait_dma2 semaphore(%arg19 : memref<!tpu.dma_semaphore, #tpu.memory_space<semaphore_mem>>) src(%dma_wait3A_159 : memref<80xi32, #tpu.memory_space<hbm>>) dst(%arg13 : memref<80xi32, #tpu.memory_space<vmem>>)
    %dma_start3A_160 = arith.constant 0 : i32
    %dma_start3A_161 = arith.constant 0 : i32
    %dma_start3A_162 = tpu.memref_slice %arg2[%dma_start3A_160, %dma_start3A_161] : memref<10000x128xf32, #tpu.memory_space<hbm>> -> memref<10000x128xf32, #tpu.memory_space<hbm>>
    tpu.enqueue_indirect_dma source(%dma_start3A_162 : memref<10000x128xf32, #tpu.memory_space<hbm>>) target(%arg14 : memref<80x128xf32, #tpu.memory_space<vmem>>) offsets(%arg12 : memref<80xi32, #tpu.memory_space<vmem>>) semaphore(%arg20 : memref<!tpu.dma_semaphore, #tpu.memory_space<semaphore_mem>>)
    %dma_start3A_163 = arith.constant 0 : i32
    %dma_start3A_164 = arith.constant 0 : i32
    %dma_start3A_165 = tpu.memref_slice %arg3[%dma_start3A_163, %dma_start3A_164] : memref<10000x128xf32, #tpu.memory_space<hbm>> -> memref<10000x128xf32, #tpu.memory_space<hbm>>
    tpu.enqueue_indirect_dma source(%dma_start3A_165 : memref<10000x128xf32, #tpu.memory_space<hbm>>) target(%arg15 : memref<80x128xf32, #tpu.memory_space<vmem>>) offsets(%arg13 : memref<80xi32, #tpu.memory_space<vmem>>) semaphore(%arg20 : memref<!tpu.dma_semaphore, #tpu.memory_space<semaphore_mem>>)
    %dma_wait3A_166 = arith.constant 0 : i32
    %dma_wait3A_167 = arith.constant 0 : i32
    %dma_wait3A_168 = tpu.memref_slice %arg2[%dma_wait3A_166, %dma_wait3A_167] : memref<10000x128xf32, #tpu.memory_space<hbm>> -> memref<10000x128xf32, #tpu.memory_space<hbm>>
    tpu.wait_indirect_dma semaphore(%arg20 : memref<!tpu.dma_semaphore, #tpu.memory_space<semaphore_mem>>) src(%dma_wait3A_168 : memref<10000x128xf32, #tpu.memory_space<hbm>>) dst(%arg14 : memref<80x128xf32, #tpu.memory_space<vmem>>)
    %dma_wait3A_169 = arith.constant 0 : i32
    %dma_wait3A_170 = arith.constant 0 : i32
    %dma_wait3A_171 = tpu.memref_slice %arg3[%dma_wait3A_169, %dma_wait3A_170] : memref<10000x128xf32, #tpu.memory_space<hbm>> -> memref<10000x128xf32, #tpu.memory_space<hbm>>
    tpu.wait_indirect_dma semaphore(%arg20 : memref<!tpu.dma_semaphore, #tpu.memory_space<semaphore_mem>>) src(%dma_wait3A_171 : memref<10000x128xf32, #tpu.memory_space<hbm>>) dst(%arg15 : memref<80x128xf32, #tpu.memory_space<vmem>>)
    %dma_start3A_172 = arith.constant 0 : i32
    %dma_start3A_173 = tpu.memref_slice %arg6[%add3A_139, %dma_start3A_172] : memref<320000x128xf32, #tpu.memory_space<hbm>> -> memref<80x128xf32, #tpu.memory_space<hbm>>
    %dma_start3A_174 = arith.constant 0 : i32
    %dma_start3A_175 = tpu.memref_slice %arg6[%add3A_139, %dma_start3A_174] : memref<320000x128xf32, #tpu.memory_space<hbm>> -> memref<80x128xf32, #tpu.memory_space<hbm>>
    tpu.enqueue_dma source(%arg14 : memref<80x128xf32, #tpu.memory_space<vmem>>) target(%dma_start3A_175 : memref<80x128xf32, #tpu.memory_space<hbm>>) target_semaphore(%arg21 : memref<!tpu.dma_semaphore, #tpu.memory_space<semaphore_mem>>)
    %dma_start3A_176 = arith.constant 0 : i32
    %dma_start3A_177 = tpu.memref_slice %arg7[%add3A_139, %dma_start3A_176] : memref<320000x128xf32, #tpu.memory_space<hbm>> -> memref<80x128xf32, #tpu.memory_space<hbm>>
    %dma_start3A_178 = arith.constant 0 : i32
    %dma_start3A_179 = tpu.memref_slice %arg7[%add3A_139, %dma_start3A_178] : memref<320000x128xf32, #tpu.memory_space<hbm>> -> memref<80x128xf32, #tpu.memory_space<hbm>>
    tpu.enqueue_dma source(%arg15 : memref<80x128xf32, #tpu.memory_space<vmem>>) target(%dma_start3A_179 : memref<80x128xf32, #tpu.memory_space<hbm>>) target_semaphore(%arg21 : memref<!tpu.dma_semaphore, #tpu.memory_space<semaphore_mem>>)
    %add3A_180 = arith.constant 9920 : i32
    %add3A_181 = arith.addi %mul3A_2, %add3A_180 : i32
    %dma_wait3A_182 = arith.constant 0 : i32
    %dma_wait3A_183 = arith.constant 0 : i32
    %dma_wait3A_184 = tpu.memref_slice %arg6[%dma_wait3A_182, %dma_wait3A_183] : memref<320000x128xf32, #tpu.memory_space<hbm>> -> memref<80x128xf32, #tpu.memory_space<hbm>>
    %dma_wait3A_185 = arith.constant 0 : i32
    %dma_wait3A_186 = arith.constant 0 : i32
    %dma_wait3A_187 = tpu.memref_slice %arg6[%dma_wait3A_185, %dma_wait3A_186] : memref<320000x128xf32, #tpu.memory_space<hbm>> -> memref<80x128xf32, #tpu.memory_space<hbm>>
    tpu.wait_dma2 semaphore(%arg18 : memref<!tpu.dma_semaphore, #tpu.memory_space<semaphore_mem>>) src(%arg10 : memref<80x128xf32, #tpu.memory_space<vmem>>) dst(%dma_wait3A_187 : memref<80x128xf32, #tpu.memory_space<hbm>>)
    %dma_wait3A_188 = arith.constant 0 : i32
    %dma_wait3A_189 = arith.constant 0 : i32
    %dma_wait3A_190 = tpu.memref_slice %arg7[%dma_wait3A_188, %dma_wait3A_189] : memref<320000x128xf32, #tpu.memory_space<hbm>> -> memref<80x128xf32, #tpu.memory_space<hbm>>
    %dma_wait3A_191 = arith.constant 0 : i32
    %dma_wait3A_192 = arith.constant 0 : i32
    %dma_wait3A_193 = tpu.memref_slice %arg7[%dma_wait3A_191, %dma_wait3A_192] : memref<320000x128xf32, #tpu.memory_space<hbm>> -> memref<80x128xf32, #tpu.memory_space<hbm>>
    tpu.wait_dma2 semaphore(%arg18 : memref<!tpu.dma_semaphore, #tpu.memory_space<semaphore_mem>>) src(%arg11 : memref<80x128xf32, #tpu.memory_space<vmem>>) dst(%dma_wait3A_193 : memref<80x128xf32, #tpu.memory_space<hbm>>)
    %dma_wait3A_194 = arith.constant 0 : i32
    %dma_wait3A_195 = tpu.memref_slice %arg4[%dma_wait3A_194] : memref<320000xi32, #tpu.memory_space<hbm>> -> memref<80xi32, #tpu.memory_space<hbm>>
    %dma_wait3A_196 = arith.constant 0 : i32
    %dma_wait3A_197 = tpu.memref_slice %arg4[%dma_wait3A_196] : memref<320000xi32, #tpu.memory_space<hbm>> -> memref<80xi32, #tpu.memory_space<hbm>>
    tpu.wait_dma2 semaphore(%arg16 : memref<!tpu.dma_semaphore, #tpu.memory_space<semaphore_mem>>) src(%dma_wait3A_197 : memref<80xi32, #tpu.memory_space<hbm>>) dst(%arg8 : memref<80xi32, #tpu.memory_space<vmem>>)
    %dma_wait3A_198 = arith.constant 0 : i32
    %dma_wait3A_199 = tpu.memref_slice %arg5[%dma_wait3A_198] : memref<320000xi32, #tpu.memory_space<hbm>> -> memref<80xi32, #tpu.memory_space<hbm>>
    %dma_wait3A_200 = arith.constant 0 : i32
    %dma_wait3A_201 = tpu.memref_slice %arg5[%dma_wait3A_200] : memref<320000xi32, #tpu.memory_space<hbm>> -> memref<80xi32, #tpu.memory_space<hbm>>
    tpu.wait_dma2 semaphore(%arg16 : memref<!tpu.dma_semaphore, #tpu.memory_space<semaphore_mem>>) src(%dma_wait3A_201 : memref<80xi32, #tpu.memory_space<hbm>>) dst(%arg9 : memref<80xi32, #tpu.memory_space<vmem>>)
    %dma_start3A_202 = arith.constant 0 : i32
    %dma_start3A_203 = arith.constant 0 : i32
    %dma_start3A_204 = tpu.memref_slice %arg2[%dma_start3A_202, %dma_start3A_203] : memref<10000x128xf32, #tpu.memory_space<hbm>> -> memref<10000x128xf32, #tpu.memory_space<hbm>>
    tpu.enqueue_indirect_dma source(%dma_start3A_204 : memref<10000x128xf32, #tpu.memory_space<hbm>>) target(%arg10 : memref<80x128xf32, #tpu.memory_space<vmem>>) offsets(%arg8 : memref<80xi32, #tpu.memory_space<vmem>>) semaphore(%arg17 : memref<!tpu.dma_semaphore, #tpu.memory_space<semaphore_mem>>)
    %dma_start3A_205 = arith.constant 0 : i32
    %dma_start3A_206 = arith.constant 0 : i32
    %dma_start3A_207 = tpu.memref_slice %arg3[%dma_start3A_205, %dma_start3A_206] : memref<10000x128xf32, #tpu.memory_space<hbm>> -> memref<10000x128xf32, #tpu.memory_space<hbm>>
    tpu.enqueue_indirect_dma source(%dma_start3A_207 : memref<10000x128xf32, #tpu.memory_space<hbm>>) target(%arg11 : memref<80x128xf32, #tpu.memory_space<vmem>>) offsets(%arg9 : memref<80xi32, #tpu.memory_space<vmem>>) semaphore(%arg17 : memref<!tpu.dma_semaphore, #tpu.memory_space<semaphore_mem>>)
    %dma_wait3A_208 = arith.constant 0 : i32
    %dma_wait3A_209 = arith.constant 0 : i32
    %dma_wait3A_210 = tpu.memref_slice %arg2[%dma_wait3A_208, %dma_wait3A_209] : memref<10000x128xf32, #tpu.memory_space<hbm>> -> memref<10000x128xf32, #tpu.memory_space<hbm>>
    tpu.wait_indirect_dma semaphore(%arg17 : memref<!tpu.dma_semaphore, #tpu.memory_space<semaphore_mem>>) src(%dma_wait3A_210 : memref<10000x128xf32, #tpu.memory_space<hbm>>) dst(%arg10 : memref<80x128xf32, #tpu.memory_space<vmem>>)
    %dma_wait3A_211 = arith.constant 0 : i32
    %dma_wait3A_212 = arith.constant 0 : i32
    %dma_wait3A_213 = tpu.memref_slice %arg3[%dma_wait3A_211, %dma_wait3A_212] : memref<10000x128xf32, #tpu.memory_space<hbm>> -> memref<10000x128xf32, #tpu.memory_space<hbm>>
    tpu.wait_indirect_dma semaphore(%arg17 : memref<!tpu.dma_semaphore, #tpu.memory_space<semaphore_mem>>) src(%dma_wait3A_213 : memref<10000x128xf32, #tpu.memory_space<hbm>>) dst(%arg11 : memref<80x128xf32, #tpu.memory_space<vmem>>)
    %dma_start3A_214 = arith.constant 0 : i32
    %dma_start3A_215 = tpu.memref_slice %arg6[%add3A_181, %dma_start3A_214] : memref<320000x128xf32, #tpu.memory_space<hbm>> -> memref<80x128xf32, #tpu.memory_space<hbm>>
    %dma_start3A_216 = arith.constant 0 : i32
    %dma_start3A_217 = tpu.memref_slice %arg6[%add3A_181, %dma_start3A_216] : memref<320000x128xf32, #tpu.memory_space<hbm>> -> memref<80x128xf32, #tpu.memory_space<hbm>>
    tpu.enqueue_dma source(%arg10 : memref<80x128xf32, #tpu.memory_space<vmem>>) target(%dma_start3A_217 : memref<80x128xf32, #tpu.memory_space<hbm>>) target_semaphore(%arg18 : memref<!tpu.dma_semaphore, #tpu.memory_space<semaphore_mem>>)
    %dma_start3A_218 = arith.constant 0 : i32
    %dma_start3A_219 = tpu.memref_slice %arg7[%add3A_181, %dma_start3A_218] : memref<320000x128xf32, #tpu.memory_space<hbm>> -> memref<80x128xf32, #tpu.memory_space<hbm>>
    %dma_start3A_220 = arith.constant 0 : i32
    %dma_start3A_221 = tpu.memref_slice %arg7[%add3A_181, %dma_start3A_220] : memref<320000x128xf32, #tpu.memory_space<hbm>> -> memref<80x128xf32, #tpu.memory_space<hbm>>
    tpu.enqueue_dma source(%arg11 : memref<80x128xf32, #tpu.memory_space<vmem>>) target(%dma_start3A_221 : memref<80x128xf32, #tpu.memory_space<hbm>>) target_semaphore(%arg18 : memref<!tpu.dma_semaphore, #tpu.memory_space<semaphore_mem>>)
    %dma_wait3A_222 = arith.constant 0 : i32
    %dma_wait3A_223 = arith.constant 0 : i32
    %dma_wait3A_224 = tpu.memref_slice %arg6[%dma_wait3A_222, %dma_wait3A_223] : memref<320000x128xf32, #tpu.memory_space<hbm>> -> memref<80x128xf32, #tpu.memory_space<hbm>>
    %dma_wait3A_225 = arith.constant 0 : i32
    %dma_wait3A_226 = arith.constant 0 : i32
    %dma_wait3A_227 = tpu.memref_slice %arg6[%dma_wait3A_225, %dma_wait3A_226] : memref<320000x128xf32, #tpu.memory_space<hbm>> -> memref<80x128xf32, #tpu.memory_space<hbm>>
    tpu.wait_dma2 semaphore(%arg18 : memref<!tpu.dma_semaphore, #tpu.memory_space<semaphore_mem>>) src(%arg10 : memref<80x128xf32, #tpu.memory_space<vmem>>) dst(%dma_wait3A_227 : memref<80x128xf32, #tpu.memory_space<hbm>>)
    %dma_wait3A_228 = arith.constant 0 : i32
    %dma_wait3A_229 = arith.constant 0 : i32
    %dma_wait3A_230 = tpu.memref_slice %arg7[%dma_wait3A_228, %dma_wait3A_229] : memref<320000x128xf32, #tpu.memory_space<hbm>> -> memref<80x128xf32, #tpu.memory_space<hbm>>
    %dma_wait3A_231 = arith.constant 0 : i32
    %dma_wait3A_232 = arith.constant 0 : i32
    %dma_wait3A_233 = tpu.memref_slice %arg7[%dma_wait3A_231, %dma_wait3A_232] : memref<320000x128xf32, #tpu.memory_space<hbm>> -> memref<80x128xf32, #tpu.memory_space<hbm>>
    tpu.wait_dma2 semaphore(%arg18 : memref<!tpu.dma_semaphore, #tpu.memory_space<semaphore_mem>>) src(%arg11 : memref<80x128xf32, #tpu.memory_space<vmem>>) dst(%dma_wait3A_233 : memref<80x128xf32, #tpu.memory_space<hbm>>)
    %dma_wait3A_234 = arith.constant 0 : i32
    %dma_wait3A_235 = arith.constant 0 : i32
    %dma_wait3A_236 = tpu.memref_slice %arg6[%dma_wait3A_234, %dma_wait3A_235] : memref<320000x128xf32, #tpu.memory_space<hbm>> -> memref<80x128xf32, #tpu.memory_space<hbm>>
    %dma_wait3A_237 = arith.constant 0 : i32
    %dma_wait3A_238 = arith.constant 0 : i32
    %dma_wait3A_239 = tpu.memref_slice %arg6[%dma_wait3A_237, %dma_wait3A_238] : memref<320000x128xf32, #tpu.memory_space<hbm>> -> memref<80x128xf32, #tpu.memory_space<hbm>>
    tpu.wait_dma2 semaphore(%arg21 : memref<!tpu.dma_semaphore, #tpu.memory_space<semaphore_mem>>) src(%arg14 : memref<80x128xf32, #tpu.memory_space<vmem>>) dst(%dma_wait3A_239 : memref<80x128xf32, #tpu.memory_space<hbm>>)
    %dma_wait3A_240 = arith.constant 0 : i32
    %dma_wait3A_241 = arith.constant 0 : i32
    %dma_wait3A_242 = tpu.memref_slice %arg7[%dma_wait3A_240, %dma_wait3A_241] : memref<320000x128xf32, #tpu.memory_space<hbm>> -> memref<80x128xf32, #tpu.memory_space<hbm>>
    %dma_wait3A_243 = arith.constant 0 : i32
    %dma_wait3A_244 = arith.constant 0 : i32
    %dma_wait3A_245 = tpu.memref_slice %arg7[%dma_wait3A_243, %dma_wait3A_244] : memref<320000x128xf32, #tpu.memory_space<hbm>> -> memref<80x128xf32, #tpu.memory_space<hbm>>
    tpu.wait_dma2 semaphore(%arg21 : memref<!tpu.dma_semaphore, #tpu.memory_space<semaphore_mem>>) src(%arg15 : memref<80x128xf32, #tpu.memory_space<vmem>>) dst(%dma_wait3A_245 : memref<80x128xf32, #tpu.memory_space<hbm>>)
    return
  }
}

module attributes {stable_mosaic.version = 14 : i64} {
  func.func @body(%arg0: i32, %arg1: memref<1280x128xf32, #tpu.memory_space<vmem>>, %arg2: memref<1280x128xf32, #tpu.memory_space<vmem>>, %arg3: memref<1280x128xf32, #tpu.memory_space<vmem>>, %arg4: memref<128x128xf32, #tpu.memory_space<vmem>>, %arg5: memref<128x128xf32, #tpu.memory_space<vmem>>, %arg6: memref<128x128xf32, #tpu.memory_space<vmem>>, %arg7: memref<1x128xf32, #tpu.memory_space<vmem>>, %arg8: memref<128x128xf32, #tpu.memory_space<vmem>>, %arg9: memref<1x128xf32, #tpu.memory_space<vmem>>, %arg10: memref<128x4xf32, #tpu.memory_space<vmem>>, %arg11: memref<1x4xf32, #tpu.memory_space<vmem>>, %arg12: memref<128x128xf32, #tpu.memory_space<vmem>>, %arg13: memref<128x128xf32, #tpu.memory_space<vmem>>, %arg14: memref<1x128xf32, #tpu.memory_space<vmem>>, %arg15: memref<128x128xf32, #tpu.memory_space<vmem>>, %arg16: memref<1x128xf32, #tpu.memory_space<vmem>>, %arg17: memref<128x128xf32, #tpu.memory_space<vmem>>, %arg18: memref<1x128xf32, #tpu.memory_space<vmem>>, %arg19: memref<136x1280xf32, #tpu.memory_space<vmem>>) attributes {dimension_semantics = [#tpu.dimension_semantics<arbitrary>], iteration_bounds = array<i64: 250>, scalar_prefetch = 0 : i64, scratch_operands = 0 : i64, tpu.core_type = #tpu.core_type<tc>, window_params = [{transform_indices = @transform_0, window_bounds = array<i64: 1280, 128>}, {transform_indices = @transform_1, window_bounds = array<i64: 1280, 128>}, {transform_indices = @transform_2, window_bounds = array<i64: 1280, 128>}, {pipeline_mode = #tpu.pipeline_mode<synchronous>, transform_indices = @transform_3, window_bounds = array<i64: 128, 128>}, {pipeline_mode = #tpu.pipeline_mode<synchronous>, transform_indices = @transform_4, window_bounds = array<i64: 128, 128>}, {pipeline_mode = #tpu.pipeline_mode<synchronous>, transform_indices = @transform_5, window_bounds = array<i64: 128, 128>}, {pipeline_mode = #tpu.pipeline_mode<synchronous>, transform_indices = @transform_6, window_bounds = array<i64: 1, 128>}, {pipeline_mode = #tpu.pipeline_mode<synchronous>, transform_indices = @transform_7, window_bounds = array<i64: 128, 128>}, {pipeline_mode = #tpu.pipeline_mode<synchronous>, transform_indices = @transform_8, window_bounds = array<i64: 1, 128>}, {pipeline_mode = #tpu.pipeline_mode<synchronous>, transform_indices = @transform_9, window_bounds = array<i64: 128, 4>}, {pipeline_mode = #tpu.pipeline_mode<synchronous>, transform_indices = @transform_10, window_bounds = array<i64: 1, 4>}, {pipeline_mode = #tpu.pipeline_mode<synchronous>, transform_indices = @transform_11, window_bounds = array<i64: 128, 128>}, {pipeline_mode = #tpu.pipeline_mode<synchronous>, transform_indices = @transform_12, window_bounds = array<i64: 128, 128>}, {pipeline_mode = #tpu.pipeline_mode<synchronous>, transform_indices = @transform_13, window_bounds = array<i64: 1, 128>}, {pipeline_mode = #tpu.pipeline_mode<synchronous>, transform_indices = @transform_14, window_bounds = array<i64: 128, 128>}, {pipeline_mode = #tpu.pipeline_mode<synchronous>, transform_indices = @transform_15, window_bounds = array<i64: 1, 128>}, {pipeline_mode = #tpu.pipeline_mode<synchronous>, transform_indices = @transform_16, window_bounds = array<i64: 128, 128>}, {pipeline_mode = #tpu.pipeline_mode<synchronous>, transform_indices = @transform_17, window_bounds = array<i64: 1, 128>}, {transform_indices = @transform_18, window_bounds = array<i64: 136, 1280>}]} {
    %get3A = arith.constant 0 : index
    %get3A_0 = arith.constant 0 : index
    %get3A_1 = vector.load %arg1[%get3A, %get3A_0] : memref<1280x128xf32, #tpu.memory_space<vmem>>, vector<1280x128xf32>
    %get3A_2 = arith.constant 0 : index
    %get3A_3 = arith.constant 0 : index
    %get3A_4 = vector.load %arg2[%get3A_2, %get3A_3] : memref<1280x128xf32, #tpu.memory_space<vmem>>, vector<1280x128xf32>
    %get3A_5 = arith.constant 0 : index
    %get3A_6 = arith.constant 0 : index
    %get3A_7 = vector.load %arg3[%get3A_5, %get3A_6] : memref<1280x128xf32, #tpu.memory_space<vmem>>, vector<1280x128xf32>
    %get3A_8 = arith.constant 0 : index
    %get3A_9 = arith.constant 0 : index
    %get3A_10 = vector.load %arg4[%get3A_8, %get3A_9] : memref<128x128xf32, #tpu.memory_space<vmem>>, vector<128x128xf32>
    %dot_general3A = arith.constant dense<0.000000e+00> : vector<1280x128xf32>
    %dot_general3A_11 = tpu.matmul %get3A_1, %get3A_10, %dot_general3A {dimension_numbers = #tpu.dot_dimension_numbers<[1], [0], [0], [1], [0, 0, 1, 1], [], []>, transpose_lhs_hint = false} : vector<1280x128xf32>, vector<128x128xf32>, vector<1280x128xf32> -> vector<1280x128xf32>
    %get3A_12 = arith.constant 0 : index
    %get3A_13 = arith.constant 0 : index
    %get3A_14 = vector.load %arg5[%get3A_12, %get3A_13] : memref<128x128xf32, #tpu.memory_space<vmem>>, vector<128x128xf32>
    %dot_general3A_15 = arith.constant dense<0.000000e+00> : vector<1280x128xf32>
    %dot_general3A_16 = tpu.matmul %get3A_7, %get3A_14, %dot_general3A_15 {dimension_numbers = #tpu.dot_dimension_numbers<[1], [0], [0], [1], [0, 0, 1, 1], [], []>, transpose_lhs_hint = false} : vector<1280x128xf32>, vector<128x128xf32>, vector<1280x128xf32> -> vector<1280x128xf32>
    %add3A = arith.addf %dot_general3A_11, %dot_general3A_16 : vector<1280x128xf32>
    %get3A_17 = arith.constant 0 : index
    %get3A_18 = arith.constant 0 : index
    %get3A_19 = vector.load %arg6[%get3A_17, %get3A_18] : memref<128x128xf32, #tpu.memory_space<vmem>>, vector<128x128xf32>
    %dot_general3A_20 = arith.constant dense<0.000000e+00> : vector<1280x128xf32>
    %dot_general3A_21 = tpu.matmul %get3A_4, %get3A_19, %dot_general3A_20 {dimension_numbers = #tpu.dot_dimension_numbers<[1], [0], [0], [1], [0, 0, 1, 1], [], []>, transpose_lhs_hint = false} : vector<1280x128xf32>, vector<128x128xf32>, vector<1280x128xf32> -> vector<1280x128xf32>
    %add3A_22 = arith.addf %add3A, %dot_general3A_21 : vector<1280x128xf32>
    %get3A_23 = arith.constant 0 : index
    %get3A_24 = arith.constant 0 : index
    %get3A_25 = vector.load %arg7[%get3A_23, %get3A_24] : memref<1x128xf32, #tpu.memory_space<vmem>>, vector<1x128xf32>
    %add3A_26 = vector.broadcast %get3A_25 : vector<1x128xf32> to vector<1280x128xf32>
    %add3A_27 = arith.addf %add3A_22, %add3A_26 : vector<1280x128xf32>
    %max3A = arith.constant 0.000000e+00 : f32
    %max3A_28 = vector.broadcast %max3A : f32 to vector<1280x128xf32>
    %max3A_29 = arith.maximumf %add3A_27, %max3A_28 : vector<1280x128xf32>
    %get3A_30 = arith.constant 0 : index
    %get3A_31 = arith.constant 0 : index
    %get3A_32 = vector.load %arg8[%get3A_30, %get3A_31] : memref<128x128xf32, #tpu.memory_space<vmem>>, vector<128x128xf32>
    %dot_general3A_33 = arith.constant dense<0.000000e+00> : vector<1280x128xf32>
    %dot_general3A_34 = tpu.matmul %max3A_29, %get3A_32, %dot_general3A_33 {dimension_numbers = #tpu.dot_dimension_numbers<[1], [0], [0], [1], [0, 0, 1, 1], [], []>, transpose_lhs_hint = false} : vector<1280x128xf32>, vector<128x128xf32>, vector<1280x128xf32> -> vector<1280x128xf32>
    %get3A_35 = arith.constant 0 : index
    %get3A_36 = arith.constant 0 : index
    %get3A_37 = vector.load %arg9[%get3A_35, %get3A_36] : memref<1x128xf32, #tpu.memory_space<vmem>>, vector<1x128xf32>
    %add3A_38 = vector.broadcast %get3A_37 : vector<1x128xf32> to vector<1280x128xf32>
    %add3A_39 = arith.addf %dot_general3A_34, %add3A_38 : vector<1280x128xf32>
    %max3A_40 = arith.constant 0.000000e+00 : f32
    %max3A_41 = vector.broadcast %max3A_40 : f32 to vector<1280x128xf32>
    %max3A_42 = arith.maximumf %add3A_39, %max3A_41 : vector<1280x128xf32>
    %get3A_43 = arith.constant 0 : index
    %get3A_44 = arith.constant 0 : index
    %get3A_45 = vector.load %arg10[%get3A_43, %get3A_44] : memref<128x4xf32, #tpu.memory_space<vmem>>, vector<128x4xf32>
    %dot_general3A_46 = arith.constant dense<0.000000e+00> : vector<1280x4xf32>
    %dot_general3A_47 = tpu.matmul %max3A_42, %get3A_45, %dot_general3A_46 {dimension_numbers = #tpu.dot_dimension_numbers<[1], [0], [0], [1], [0, 0, 1, 1], [], []>, transpose_lhs_hint = false} : vector<1280x128xf32>, vector<128x4xf32>, vector<1280x4xf32> -> vector<1280x4xf32>
    %get3A_48 = arith.constant 0 : index
    %get3A_49 = arith.constant 0 : index
    %get3A_50 = vector.load %arg11[%get3A_48, %get3A_49] : memref<1x4xf32, #tpu.memory_space<vmem>>, vector<1x4xf32>
    %add3A_51 = vector.broadcast %get3A_50 : vector<1x4xf32> to vector<1280x4xf32>
    %add3A_52 = arith.addf %dot_general3A_47, %add3A_51 : vector<1280x4xf32>
    %mul3A = arith.constant 0.176776692 : f32
    %mul3A_53 = vector.broadcast %mul3A : f32 to vector<1280x4xf32>
    %mul3A_54 = arith.mulf %add3A_52, %mul3A_53 : vector<1280x4xf32>
    %jit3A = arith.constant -6.000000e+01 : f32
    %jit3A_55 = arith.constant 6.000000e+01 : f32
    %max3A_56 = vector.broadcast %jit3A : f32 to vector<1280x4xf32>
    %max3A_57 = arith.maximumf %max3A_56, %mul3A_54 : vector<1280x4xf32>
    %min3A = vector.broadcast %jit3A_55 : f32 to vector<1280x4xf32>
    %min3A_58 = arith.minimumf %min3A, %max3A_57 : vector<1280x4xf32>
    %exp3A = math.exp %min3A_58 : vector<1280x4xf32>
    %get3A_59 = arith.constant 0 : index
    %get3A_60 = arith.constant 0 : index
    %get3A_61 = vector.load %arg12[%get3A_59, %get3A_60] : memref<128x128xf32, #tpu.memory_space<vmem>>, vector<128x128xf32>
    %dot_general3A_62 = arith.constant dense<0.000000e+00> : vector<1280x128xf32>
    %dot_general3A_63 = tpu.matmul %get3A_1, %get3A_61, %dot_general3A_62 {dimension_numbers = #tpu.dot_dimension_numbers<[1], [0], [0], [1], [0, 0, 1, 1], [], []>, transpose_lhs_hint = false} : vector<1280x128xf32>, vector<128x128xf32>, vector<1280x128xf32> -> vector<1280x128xf32>
    %get3A_64 = arith.constant 0 : index
    %get3A_65 = arith.constant 0 : index
    %get3A_66 = vector.load %arg13[%get3A_64, %get3A_65] : memref<128x128xf32, #tpu.memory_space<vmem>>, vector<128x128xf32>
    %dot_general3A_67 = arith.constant dense<0.000000e+00> : vector<1280x128xf32>
    %dot_general3A_68 = tpu.matmul %get3A_7, %get3A_66, %dot_general3A_67 {dimension_numbers = #tpu.dot_dimension_numbers<[1], [0], [0], [1], [0, 0, 1, 1], [], []>, transpose_lhs_hint = false} : vector<1280x128xf32>, vector<128x128xf32>, vector<1280x128xf32> -> vector<1280x128xf32>
    %add3A_69 = arith.addf %dot_general3A_63, %dot_general3A_68 : vector<1280x128xf32>
    %get3A_70 = arith.constant 0 : index
    %get3A_71 = arith.constant 0 : index
    %get3A_72 = vector.load %arg14[%get3A_70, %get3A_71] : memref<1x128xf32, #tpu.memory_space<vmem>>, vector<1x128xf32>
    %add3A_73 = vector.broadcast %get3A_72 : vector<1x128xf32> to vector<1280x128xf32>
    %add3A_74 = arith.addf %add3A_69, %add3A_73 : vector<1280x128xf32>
    %mul3A_75 = arith.constant 5.000000e-01 : f32
    %mul3A_76 = vector.broadcast %mul3A_75 : f32 to vector<1280x128xf32>
    %mul3A_77 = arith.mulf %mul3A_76, %add3A_74 : vector<1280x128xf32>
    %mul3A_78 = arith.constant 0.707106769 : f32
    %mul3A_79 = vector.broadcast %mul3A_78 : f32 to vector<1280x128xf32>
    %mul3A_80 = arith.mulf %add3A_74, %mul3A_79 : vector<1280x128xf32>
    %erf3A = math.erf %mul3A_80 : vector<1280x128xf32>
    %add3A_81 = arith.constant 1.000000e+00 : f32
    %add3A_82 = vector.broadcast %add3A_81 : f32 to vector<1280x128xf32>
    %add3A_83 = arith.addf %add3A_82, %erf3A : vector<1280x128xf32>
    %mul3A_84 = arith.mulf %mul3A_77, %add3A_83 : vector<1280x128xf32>
    %get3A_85 = arith.constant 0 : index
    %get3A_86 = arith.constant 0 : index
    %get3A_87 = vector.load %arg15[%get3A_85, %get3A_86] : memref<128x128xf32, #tpu.memory_space<vmem>>, vector<128x128xf32>
    %dot_general3A_88 = arith.constant dense<0.000000e+00> : vector<1280x128xf32>
    %dot_general3A_89 = tpu.matmul %mul3A_84, %get3A_87, %dot_general3A_88 {dimension_numbers = #tpu.dot_dimension_numbers<[1], [0], [0], [1], [0, 0, 1, 1], [], []>, transpose_lhs_hint = false} : vector<1280x128xf32>, vector<128x128xf32>, vector<1280x128xf32> -> vector<1280x128xf32>
    %get3A_90 = arith.constant 0 : index
    %get3A_91 = arith.constant 0 : index
    %get3A_92 = vector.load %arg16[%get3A_90, %get3A_91] : memref<1x128xf32, #tpu.memory_space<vmem>>, vector<1x128xf32>
    %add3A_93 = vector.broadcast %get3A_92 : vector<1x128xf32> to vector<1280x128xf32>
    %add3A_94 = arith.addf %dot_general3A_89, %add3A_93 : vector<1280x128xf32>
    %mul3A_95 = arith.constant 5.000000e-01 : f32
    %mul3A_96 = vector.broadcast %mul3A_95 : f32 to vector<1280x128xf32>
    %mul3A_97 = arith.mulf %mul3A_96, %add3A_94 : vector<1280x128xf32>
    %mul3A_98 = arith.constant 0.707106769 : f32
    %mul3A_99 = vector.broadcast %mul3A_98 : f32 to vector<1280x128xf32>
    %mul3A_100 = arith.mulf %add3A_94, %mul3A_99 : vector<1280x128xf32>
    %erf3A_101 = math.erf %mul3A_100 : vector<1280x128xf32>
    %add3A_102 = arith.constant 1.000000e+00 : f32
    %add3A_103 = vector.broadcast %add3A_102 : f32 to vector<1280x128xf32>
    %add3A_104 = arith.addf %add3A_103, %erf3A_101 : vector<1280x128xf32>
    %mul3A_105 = arith.mulf %mul3A_97, %add3A_104 : vector<1280x128xf32>
    %get3A_106 = arith.constant 0 : index
    %get3A_107 = arith.constant 0 : index
    %get3A_108 = vector.load %arg17[%get3A_106, %get3A_107] : memref<128x128xf32, #tpu.memory_space<vmem>>, vector<128x128xf32>
    %dot_general3A_109 = arith.constant dense<0.000000e+00> : vector<1280x128xf32>
    %dot_general3A_110 = tpu.matmul %mul3A_105, %get3A_108, %dot_general3A_109 {dimension_numbers = #tpu.dot_dimension_numbers<[1], [0], [0], [1], [0, 0, 1, 1], [], []>, transpose_lhs_hint = false} : vector<1280x128xf32>, vector<128x128xf32>, vector<1280x128xf32> -> vector<1280x128xf32>
    %get3A_111 = arith.constant 0 : index
    %get3A_112 = arith.constant 0 : index
    %get3A_113 = vector.load %arg18[%get3A_111, %get3A_112] : memref<1x128xf32, #tpu.memory_space<vmem>>, vector<1x128xf32>
    %add3A_114 = vector.broadcast %get3A_113 : vector<1x128xf32> to vector<1280x128xf32>
    %add3A_115 = arith.addf %dot_general3A_110, %add3A_114 : vector<1280x128xf32>
    %iota3A = tpu.iota {dimensions = array<i32: 0>} : vector<4x128xi32>
    %iota3A_116 = tpu.iota {dimensions = array<i32: 1>} : vector<4x128xi32>
    %jit3A_117 = arith.constant 32 : i32
    %div3A = vector.broadcast %jit3A_117 : i32 to vector<4x128xi32>
    %div3A_118 = arith.divsi %iota3A_116, %div3A : vector<4x128xi32>
    %sign3A = arith.constant 0 : i32
    %sign3A_119 = vector.broadcast %sign3A : i32 to vector<4x128xi32>
    %sign3A_120 = arith.cmpi sgt, %iota3A_116, %sign3A_119 : vector<4x128xi32>
    %sign3A_121 = arith.extui %sign3A_120 : vector<4x128xi1> to vector<4x128xi32>
    %sign3A_122 = arith.constant 0 : i32
    %sign3A_123 = vector.broadcast %sign3A_122 : i32 to vector<4x128xi32>
    %sign3A_124 = arith.cmpi slt, %iota3A_116, %sign3A_123 : vector<4x128xi32>
    %sign3A_125 = arith.extui %sign3A_124 : vector<4x128xi1> to vector<4x128xi32>
    %sign3A_126 = arith.subi %sign3A_121, %sign3A_125 : vector<4x128xi32>
    %sign3A_127 = arith.constant 0 : i32
    %sign3A_128 = arith.cmpi sgt, %jit3A_117, %sign3A_127 : i32
    %sign3A_129 = arith.extui %sign3A_128 : i1 to i32
    %sign3A_130 = arith.constant 0 : i32
    %sign3A_131 = arith.cmpi slt, %jit3A_117, %sign3A_130 : i32
    %sign3A_132 = arith.extui %sign3A_131 : i1 to i32
    %sign3A_133 = arith.subi %sign3A_129, %sign3A_132 : i32
    %ne3A = vector.broadcast %sign3A_133 : i32 to vector<4x128xi32>
    %ne3A_134 = arith.cmpi ne, %sign3A_126, %ne3A : vector<4x128xi32>
    %rem3A = vector.broadcast %jit3A_117 : i32 to vector<4x128xi32>
    %rem3A_135 = arith.remsi %iota3A_116, %rem3A : vector<4x128xi32>
    %ne3A_136 = arith.constant 0 : i32
    %ne3A_137 = vector.broadcast %ne3A_136 : i32 to vector<4x128xi32>
    %ne3A_138 = arith.cmpi ne, %rem3A_135, %ne3A_137 : vector<4x128xi32>
    %and3A = arith.andi %ne3A_134, %ne3A_138 : vector<4x128xi1>
    %sub3A = arith.constant 1 : i32
    %sub3A_139 = vector.broadcast %sub3A : i32 to vector<4x128xi32>
    %sub3A_140 = arith.subi %div3A_118, %sub3A_139 : vector<4x128xi32>
    %select_n3A = arith.select %and3A, %sub3A_140, %div3A_118 : vector<4x128xi1>, vector<4x128xi32>
    %eq3A = arith.cmpi eq, %iota3A, %select_n3A : vector<4x128xi32>
    %jit3A_141 = arith.constant 1.000000e+00 : f32
    %jit3A_142 = arith.constant 0.000000e+00 : f32
    %broadcast_in_dim3A = vector.broadcast %jit3A_141 : f32 to vector<4x128xf32>
    %broadcast_in_dim3A_143 = vector.broadcast %jit3A_142 : f32 to vector<4x128xf32>
    %select_n3A_144 = arith.select %eq3A, %broadcast_in_dim3A, %broadcast_in_dim3A_143 : vector<4x128xi1>, vector<4x128xf32>
    %dot_general3A_145 = arith.constant dense<0.000000e+00> : vector<1280x128xf32>
    %dot_general3A_146 = tpu.matmul %exp3A, %select_n3A_144, %dot_general3A_145 {dimension_numbers = #tpu.dot_dimension_numbers<[1], [0], [0], [1], [0, 0, 1, 1], [], []>, transpose_lhs_hint = false} : vector<1280x4xf32>, vector<4x128xf32>, vector<1280x128xf32> -> vector<1280x128xf32>
    %mul3A_147 = arith.mulf %add3A_115, %dot_general3A_146 : vector<1280x128xf32>
    %iota3A_148 = tpu.iota {dimensions = array<i32: 0>} : vector<4x8xi32>
    %iota3A_149 = tpu.iota {dimensions = array<i32: 1>} : vector<4x8xi32>
    %eq3A_150 = arith.cmpi eq, %iota3A_148, %iota3A_149 : vector<4x8xi32>
    %jit3A_151 = arith.constant 1.000000e+00 : f32
    %jit3A_152 = arith.constant 0.000000e+00 : f32
    %broadcast_in_dim3A_153 = vector.broadcast %jit3A_151 : f32 to vector<4x8xf32>
    %broadcast_in_dim3A_154 = vector.broadcast %jit3A_152 : f32 to vector<4x8xf32>
    %select_n3A_155 = arith.select %eq3A_150, %broadcast_in_dim3A_153, %broadcast_in_dim3A_154 : vector<4x8xi1>, vector<4x8xf32>
    %dot_general3A_156 = arith.constant dense<0.000000e+00> : vector<1280x8xf32>
    %dot_general3A_157 = tpu.matmul %exp3A, %select_n3A_155, %dot_general3A_156 {dimension_numbers = #tpu.dot_dimension_numbers<[1], [0], [0], [1], [0, 0, 1, 1], [], []>, transpose_lhs_hint = false} : vector<1280x4xf32>, vector<4x8xf32>, vector<1280x8xf32> -> vector<1280x8xf32>
    %transpose3A = tpu.transpose %mul3A_147, [1, 0] : vector<1280x128xf32> -> vector<128x1280xf32>
    %transpose3A_158 = tpu.transpose %dot_general3A_157, [1, 0] : vector<1280x8xf32> -> vector<8x1280xf32>
    %concatenate3A = tpu.concatenate %transpose3A, %transpose3A_158 in 0 : vector<128x1280xf32>, vector<8x1280xf32> -> vector<136x1280xf32>
    %swap3A = arith.constant 0 : index
    %swap3A_159 = arith.constant 0 : index
    %swap3A_160 = vector.load %arg19[%swap3A, %swap3A_159] : memref<136x1280xf32, #tpu.memory_space<vmem>>, vector<136x1280xf32>
    tpu.vector_store %arg19[%swap3A, %swap3A_159], %concatenate3A {strides = array<i32>} : memref<136x1280xf32, #tpu.memory_space<vmem>>, vector<136x1280xf32>,
    return
  }
  func.func @transform_0(%arg0: i32) -> (i32, i32) {
    %c0_i32 = arith.constant 0 : i32
    %c0_i32_0 = arith.constant 0 : i32
    return %arg0, %c0_i32 : i32, i32
  }
  func.func @transform_1(%arg0: i32) -> (i32, i32) {
    %c0_i32 = arith.constant 0 : i32
    %c0_i32_0 = arith.constant 0 : i32
    return %arg0, %c0_i32 : i32, i32
  }
  func.func @transform_2(%arg0: i32) -> (i32, i32) {
    %c0_i32 = arith.constant 0 : i32
    %c0_i32_0 = arith.constant 0 : i32
    return %arg0, %c0_i32 : i32, i32
  }
  func.func @transform_3(%arg0: i32) -> (i32, i32) {
    %c0_i32 = arith.constant 0 : i32
    %c0_i32_0 = arith.constant 0 : i32
    %c0_i32_1 = arith.constant 0 : i32
    return %c0_i32, %c0_i32_0 : i32, i32
  }
  func.func @transform_4(%arg0: i32) -> (i32, i32) {
    %c0_i32 = arith.constant 0 : i32
    %c0_i32_0 = arith.constant 0 : i32
    %c0_i32_1 = arith.constant 0 : i32
    return %c0_i32, %c0_i32_0 : i32, i32
  }
  func.func @transform_5(%arg0: i32) -> (i32, i32) {
    %c0_i32 = arith.constant 0 : i32
    %c0_i32_0 = arith.constant 0 : i32
    %c0_i32_1 = arith.constant 0 : i32
    return %c0_i32, %c0_i32_0 : i32, i32
  }
  func.func @transform_6(%arg0: i32) -> (i32, i32) {
    %c0_i32 = arith.constant 0 : i32
    %c0_i32_0 = arith.constant 0 : i32
    %c0_i32_1 = arith.constant 0 : i32
    return %c0_i32, %c0_i32_0 : i32, i32
  }
  func.func @transform_7(%arg0: i32) -> (i32, i32) {
    %c0_i32 = arith.constant 0 : i32
    %c0_i32_0 = arith.constant 0 : i32
    %c0_i32_1 = arith.constant 0 : i32
    return %c0_i32, %c0_i32_0 : i32, i32
  }
  func.func @transform_8(%arg0: i32) -> (i32, i32) {
    %c0_i32 = arith.constant 0 : i32
    %c0_i32_0 = arith.constant 0 : i32
    %c0_i32_1 = arith.constant 0 : i32
    return %c0_i32, %c0_i32_0 : i32, i32
  }
  func.func @transform_9(%arg0: i32) -> (i32, i32) {
    %c0_i32 = arith.constant 0 : i32
    %c0_i32_0 = arith.constant 0 : i32
    %c0_i32_1 = arith.constant 0 : i32
    return %c0_i32, %c0_i32_0 : i32, i32
  }
  func.func @transform_10(%arg0: i32) -> (i32, i32) {
    %c0_i32 = arith.constant 0 : i32
    %c0_i32_0 = arith.constant 0 : i32
    %c0_i32_1 = arith.constant 0 : i32
    return %c0_i32, %c0_i32_0 : i32, i32
  }
  func.func @transform_11(%arg0: i32) -> (i32, i32) {
    %c0_i32 = arith.constant 0 : i32
    %c0_i32_0 = arith.constant 0 : i32
    %c0_i32_1 = arith.constant 0 : i32
    return %c0_i32, %c0_i32_0 : i32, i32
  }
  func.func @transform_12(%arg0: i32) -> (i32, i32) {
    %c0_i32 = arith.constant 0 : i32
    %c0_i32_0 = arith.constant 0 : i32
    %c0_i32_1 = arith.constant 0 : i32
    return %c0_i32, %c0_i32_0 : i32, i32
  }
  func.func @transform_13(%arg0: i32) -> (i32, i32) {
    %c0_i32 = arith.constant 0 : i32
    %c0_i32_0 = arith.constant 0 : i32
    %c0_i32_1 = arith.constant 0 : i32
    return %c0_i32, %c0_i32_0 : i32, i32
  }
  func.func @transform_14(%arg0: i32) -> (i32, i32) {
    %c0_i32 = arith.constant 0 : i32
    %c0_i32_0 = arith.constant 0 : i32
    %c0_i32_1 = arith.constant 0 : i32
    return %c0_i32, %c0_i32_0 : i32, i32
  }
  func.func @transform_15(%arg0: i32) -> (i32, i32) {
    %c0_i32 = arith.constant 0 : i32
    %c0_i32_0 = arith.constant 0 : i32
    %c0_i32_1 = arith.constant 0 : i32
    return %c0_i32, %c0_i32_0 : i32, i32
  }
  func.func @transform_16(%arg0: i32) -> (i32, i32) {
    %c0_i32 = arith.constant 0 : i32
    %c0_i32_0 = arith.constant 0 : i32
    %c0_i32_1 = arith.constant 0 : i32
    return %c0_i32, %c0_i32_0 : i32, i32
  }
  func.func @transform_17(%arg0: i32) -> (i32, i32) {
    %c0_i32 = arith.constant 0 : i32
    %c0_i32_0 = arith.constant 0 : i32
    %c0_i32_1 = arith.constant 0 : i32
    return %c0_i32, %c0_i32_0 : i32, i32
  }
  func.func @transform_18(%arg0: i32) -> (i32, i32) {
    %c0_i32 = arith.constant 0 : i32
    %c0_i32_0 = arith.constant 0 : i32
    return %c0_i32, %arg0 : i32, i32
  }
}

module attributes {stable_mosaic.version = 14 : i64} {
  func.func @body(%arg0: i32, %arg1: memref<136x10000xf32, #tpu.memory_space<vmem>>, %arg2: memref<128x128xf32, #tpu.memory_space<vmem>>, %arg3: memref<10000x128xf32, #tpu.memory_space<vmem>>) attributes {dimension_semantics = [#tpu.dimension_semantics<arbitrary>], iteration_bounds = array<i64: 1>, scalar_prefetch = 0 : i64, scratch_operands = 0 : i64, tpu.core_type = #tpu.core_type<tc>, window_params = [{pipeline_mode = #tpu.pipeline_mode<synchronous>, transform_indices = @transform_0, window_bounds = array<i64: 136, 10000>}, {pipeline_mode = #tpu.pipeline_mode<synchronous>, transform_indices = @transform_1, window_bounds = array<i64: 128, 128>}, {pipeline_mode = #tpu.pipeline_mode<synchronous>, transform_indices = @transform_2, window_bounds = array<i64: 10000, 128>}]} {
    %get3A = arith.constant 0 : index
    %get3A_0 = arith.constant 0 : index
    %get3A_1 = vector.load %arg1[%get3A, %get3A_0] : memref<136x10000xf32, #tpu.memory_space<vmem>>, vector<136x10000xf32>
    %slice3A = vector.extract_strided_slice %get3A_1 {offsets = [0, 0], sizes = [128, 10000], strides = [1, 1]} : vector<136x10000xf32> to vector<128x10000xf32>
    %slice3A_2 = vector.extract_strided_slice %get3A_1 {offsets = [128, 0], sizes = [8, 10000], strides = [1, 1]} : vector<136x10000xf32> to vector<8x10000xf32>
    %iota3A = tpu.iota {dimensions = array<i32: 0>} : vector<128x8xi32>
    %jit3A = arith.constant 32 : i32
    %div3A = vector.broadcast %jit3A : i32 to vector<128x8xi32>
    %div3A_3 = arith.divsi %iota3A, %div3A : vector<128x8xi32>
    %sign3A = arith.constant 0 : i32
    %sign3A_4 = vector.broadcast %sign3A : i32 to vector<128x8xi32>
    %sign3A_5 = arith.cmpi sgt, %iota3A, %sign3A_4 : vector<128x8xi32>
    %sign3A_6 = arith.extui %sign3A_5 : vector<128x8xi1> to vector<128x8xi32>
    %sign3A_7 = arith.constant 0 : i32
    %sign3A_8 = vector.broadcast %sign3A_7 : i32 to vector<128x8xi32>
    %sign3A_9 = arith.cmpi slt, %iota3A, %sign3A_8 : vector<128x8xi32>
    %sign3A_10 = arith.extui %sign3A_9 : vector<128x8xi1> to vector<128x8xi32>
    %sign3A_11 = arith.subi %sign3A_6, %sign3A_10 : vector<128x8xi32>
    %sign3A_12 = arith.constant 0 : i32
    %sign3A_13 = arith.cmpi sgt, %jit3A, %sign3A_12 : i32
    %sign3A_14 = arith.extui %sign3A_13 : i1 to i32
    %sign3A_15 = arith.constant 0 : i32
    %sign3A_16 = arith.cmpi slt, %jit3A, %sign3A_15 : i32
    %sign3A_17 = arith.extui %sign3A_16 : i1 to i32
    %sign3A_18 = arith.subi %sign3A_14, %sign3A_17 : i32
    %ne3A = vector.broadcast %sign3A_18 : i32 to vector<128x8xi32>
    %ne3A_19 = arith.cmpi ne, %sign3A_11, %ne3A : vector<128x8xi32>
    %rem3A = vector.broadcast %jit3A : i32 to vector<128x8xi32>
    %rem3A_20 = arith.remsi %iota3A, %rem3A : vector<128x8xi32>
    %ne3A_21 = arith.constant 0 : i32
    %ne3A_22 = vector.broadcast %ne3A_21 : i32 to vector<128x8xi32>
    %ne3A_23 = arith.cmpi ne, %rem3A_20, %ne3A_22 : vector<128x8xi32>
    %and3A = arith.andi %ne3A_19, %ne3A_23 : vector<128x8xi1>
    %sub3A = arith.constant 1 : i32
    %sub3A_24 = vector.broadcast %sub3A : i32 to vector<128x8xi32>
    %sub3A_25 = arith.subi %div3A_3, %sub3A_24 : vector<128x8xi32>
    %select_n3A = arith.select %and3A, %sub3A_25, %div3A_3 : vector<128x8xi1>, vector<128x8xi32>
    %iota3A_26 = tpu.iota {dimensions = array<i32: 1>} : vector<128x8xi32>
    %eq3A = arith.cmpi eq, %iota3A_26, %select_n3A : vector<128x8xi32>
    %jit3A_27 = arith.constant 1.000000e+00 : f32
    %jit3A_28 = arith.constant 0.000000e+00 : f32
    %broadcast_in_dim3A = vector.broadcast %jit3A_27 : f32 to vector<128x8xf32>
    %broadcast_in_dim3A_29 = vector.broadcast %jit3A_28 : f32 to vector<128x8xf32>
    %select_n3A_30 = arith.select %eq3A, %broadcast_in_dim3A, %broadcast_in_dim3A_29 : vector<128x8xi1>, vector<128x8xf32>
    %dot_general3A = arith.constant dense<0.000000e+00> : vector<128x10000xf32>
    %dot_general3A_31 = tpu.matmul %select_n3A_30, %slice3A_2, %dot_general3A {dimension_numbers = #tpu.dot_dimension_numbers<[1], [0], [0], [1], [0, 0, 1, 1], [], []>, transpose_lhs_hint = false} : vector<128x8xf32>, vector<8x10000xf32>, vector<128x10000xf32> -> vector<128x10000xf32>
    %add3A = arith.constant 1.000000e-16 : f32
    %add3A_32 = vector.broadcast %add3A : f32 to vector<128x10000xf32>
    %add3A_33 = arith.addf %dot_general3A_31, %add3A_32 : vector<128x10000xf32>
    %get3A_34 = arith.constant 0 : index
    %get3A_35 = arith.constant 0 : index
    %get3A_36 = vector.load %arg2[%get3A_34, %get3A_35] : memref<128x128xf32, #tpu.memory_space<vmem>>, vector<128x128xf32>
    %div3A_37 = arith.divf %slice3A, %add3A_33 : vector<128x10000xf32>
    %dot_general3A_38 = arith.constant dense<0.000000e+00> : vector<128x10000xf32>
    %dot_general3A_39 = tpu.matmul %get3A_36, %div3A_37, %dot_general3A_38 {dimension_numbers = #tpu.dot_dimension_numbers<[1], [0], [0], [1], [0, 0, 1, 1], [], []>, transpose_lhs_hint = false} : vector<128x128xf32>, vector<128x10000xf32>, vector<128x10000xf32> -> vector<128x10000xf32>
    %transpose3A = tpu.transpose %dot_general3A_39, [1, 0] : vector<128x10000xf32> -> vector<10000x128xf32>
    %swap3A = arith.constant 0 : index
    %swap3A_40 = arith.constant 0 : index
    %swap3A_41 = vector.load %arg3[%swap3A, %swap3A_40] : memref<10000x128xf32, #tpu.memory_space<vmem>>, vector<10000x128xf32>
    tpu.vector_store %arg3[%swap3A, %swap3A_40], %transpose3A {strides = array<i32>} : memref<10000x128xf32, #tpu.memory_space<vmem>>, vector<10000x128xf32>,
    return
  }
  func.func @transform_0(%arg0: i32) -> (i32, i32) {
    %c0_i32 = arith.constant 0 : i32
    %c0_i32_0 = arith.constant 0 : i32
    %c0_i32_1 = arith.constant 0 : i32
    return %c0_i32, %c0_i32_0 : i32, i32
  }
  func.func @transform_1(%arg0: i32) -> (i32, i32) {
    %c0_i32 = arith.constant 0 : i32
    %c0_i32_0 = arith.constant 0 : i32
    %c0_i32_1 = arith.constant 0 : i32
    return %c0_i32, %c0_i32_0 : i32, i32
  }
  func.func @transform_2(%arg0: i32) -> (i32, i32) {
    %c0_i32 = arith.constant 0 : i32
    %c0_i32_0 = arith.constant 0 : i32
    %c0_i32_1 = arith.constant 0 : i32
    return %c0_i32, %c0_i32_0 : i32, i32
  }
}

</mosaic_0001>

<sc_bundles>
// kernel: kernel.6.cloned.1.call-start
scs
__scs_entry_jumppad:
0x0: {  	(pc) =	sbr.rel $0x88, $3  }
0x1: {  	(tag) =	ssettag $0x0;
	lr =	simm.s32 $0x1  }
0x2: {  	[smem:$0x3F90] =	sst lr;
	_ =	strace $0xD0000000  }
0x3: {  	_ = 	snop  }
0x4: {  	_ = 	snop  }
0x5: {  	_ = 	snop  }
0x6: {  	_ = 	snop  }
0x7: {  	_ = 	snop  }
__scs_overlays_trampoline_lowered:
0x8: {  	[smem:$0x3F9F] =	sst s0  }
0x9: {  	[smem:$0x3FA0] =	sst s1  }
0xa: {  	[smem:$0x3FA1] =	sst s2  }
0xb: {  	[smem:$0x3FA2] =	sst s3  }
0xc: {  	[smem:$0x3FA3] =	sst s4  }
0xd: {  	[smem:$0x3FA4] =	sst s5  }
0xe: {  	[smem:$0x3FA5] =	sst s6  }
0xf: {  	[smem:$0x3FA6] =	sst s7  }
0x10: {  	[smem:$0x3FA7] =	sst s8  }
0x11: {  	[smem:$0x3FA8] =	sst s9;
	s0 =	simm.s32 @!p0 $0x0  }
0x12: {  	s1 =	sld [smem:$0x3F8E];
	s0 =	simm.s32 @p0 $0x1  }
0x13: {  	[smem:$0x3FA9] =	sst s0;
	s0 =	simm.s32 @!p1 $0x0  }
0x14: {  	s2 =	sld [smem:$0x3F8D];
	s0 =	simm.s32 @p1 $0x1  }
0x15: {  	[smem:$0x3FAA] =	sst s0;
	s0 =	simm.s32 @!p2 $0x0  }
0x16: {  	s3 =	sld [smem:$0x3FDB];
	s0 =	simm.s32 @p2 $0x1  }
0x17: {  	s4 =	simm.s32 $0x1BF5;
	[smem:$0x3FAC] =	sst s0  }
0x18: {  	s0 =	sld [smem:$0x3F8F];
	_ =	swait.ge [sflag:s4], $0x0  }
0x19: {  	s7 =	sld [smem:$0x3F90]  }
0x1a: {  	s8 =	sadd.s32 $0xFFFFE003, lr  }
0x1b: {  	s9 =	sadd.s32 $0xFFFFFEF7, lr;
	s5 =	simm.s32 $0xFFFFFFFF;
	p2 =	slt.u32 s8, $0xFFFFF086  }
0x1c: {  	p1 =	slt.u32 s9, $0xF7A;
	s5 =	simm.s32 @!p2 $0x0  }
0x1d: {  	s5 =	simm.s32 @p1 $0x1;
	p0 =	seq.s32 s7, s2  }
0x1e: {  	s7 =	smul.u32 @!p0 $0xF7A, s2;
	p2 =	seq.s32 @!p0 s5, $0x0  }
0x1f: {  	s9 =	smul.u32 $0xF7A, s1;
	s8 =	simm.s32 @!p0 $0x1BF5;
	p2 =	por !p2, p0  }
0x20: {  	[sflag:s8] =	ssyncset.s32 @!p0 $0xFFFFF086;
	s6 =	sadd.s32 @!p0 s3, s7;
	s7 =	simm.s32 @!p0 $0x108  }
0x21: {  	s3 =	sadd.s32 s3, s9;
	s6 =	sadd.s32 @!p0 $0x88, s6;
	s7 =	simm.s32 @p2 $0x1082  }
0x22: {  	[simem:s7], [sflag:s8] =	dma.local @!p0 [hbm:s6], $0xF7A  }
0x23: {  	s9 =	sor.u32 $0xD0000000, s2;
	s6 =	simm.s32 $0x108;
	_ =	swait.ge @!p0 [sflag:s8], $0x0  }
0x24: {  	s3 =	sadd.s32 $0x88, s3;
	s6 =	simm.s32 @!p1 $0x1082;
	[sflag:s4] =	ssyncset.s32 $0xFFFFF086  }
0x25: {  	[simem:s6], [sflag:s4] =	dma.local [hbm:s3], $0xF7A  }
0x26: {  	[smem:$0x3F90] =	sst s1;
	(tag) =	ssettag s2;
	_ =	strace s9  }
0x27: {  	s1 =	sld [smem:$0x3FA0]  }
0x28: {  	s2 =	sld [smem:$0x3FA1]  }
0x29: {  	s4 =	sld [smem:$0x3FA3]  }
0x2a: {  	p0 =	seq.s32 s5, $0x0;
	s5 =	sld [smem:$0x3FA4]  }
0x2b: {  	s6 =	sld [smem:$0x3FA5]  }
0x2c: {  	s7 =	sld [smem:$0x3FA6]  }
0x2d: {  	s3 =	simm.s32 $0x108;
	s8 =	sld [smem:$0x3FA7]  }
0x2e: {  	s3 =	simm.s32 @!p0 $0x1082;
	s9 =	sld [smem:$0x3FA8]  }
0x2f: {  	lr =	sadd.s32 s0, s3;
	s0 =	sld [smem:$0x3F9F]  }
0x30: {  	s3 =	sld [smem:$0x3FA2]  }
0x31: {  	[smem:$0x3FAB] =	sst s10  }
0x32: {  	s10 =	sld [smem:$0x3FA9];
	_ =	sdelay $0x3  }
0x33: {  	p0 =	seq.s32 s10, $0x1;
	s10 =	sld [smem:$0x3FAB];
	_ =	sdelay $0x3  }
0x34: {  	[smem:$0x3FAB] =	sst s10  }
0x35: {  	s10 =	sld [smem:$0x3FAA];
	_ =	sdelay $0x3  }
0x36: {  	p1 =	seq.s32 s10, $0x1;
	s10 =	sld [smem:$0x3FAB];
	_ =	sdelay $0x3  }
0x37: {  	[smem:$0x3FAB] =	sst s10  }
0x38: {  	s10 =	sld [smem:$0x3FAC]  }
0x39: {  	_ = 	snop;
	(pc) =	sbr.ind lr, $3  }
0x3a: {  	_ = 	snop  }
0x3b: {  	_ = 	snop  }
0x3c: {  	p2 =	seq.s32 s10, $0x1;
	s10 =	sld [smem:$0x3FAB]  }
0x3d: {  	_ =	shalt  }
0x3e: {  	_ =	shalt  }
0x3f: {  	_ =	shalt  }
0x40: {  	_ =	shalt  }
0x41: {  	_ =	shalt  }
0x42: {  	_ =	shalt  }
0x43: {  	_ =	shalt  }
0x44: {  	_ =	shalt  }
0x45: {  	_ =	shalt  }
0x46: {  	_ =	shalt  }
0x47: {  	_ =	shalt  }
0x48: {  	_ =	shalt  }
0x49: {  	_ =	shalt  }
0x4a: {  	_ =	shalt  }
0x4b: {  	_ =	shalt  }
0x4c: {  	_ =	shalt  }
0x4d: {  	_ =	shalt  }
0x4e: {  	_ =	shalt  }
0x4f: {  	_ =	shalt  }
0x50: {  	_ =	shalt  }
0x51: {  	_ =	shalt  }
0x52: {  	_ =	shalt  }
0x53: {  	_ =	shalt  }
0x54: {  	_ =	shalt  }
0x55: {  	_ =	shalt  }
0x56: {  	_ =	shalt  }
0x57: {  	_ =	shalt  }
0x58: {  	_ =	shalt  }
0x59: {  	_ =	shalt  }
0x5a: {  	_ =	shalt  }
0x5b: {  	_ =	shalt  }
0x5c: {  	_ =	shalt  }
0x5d: {  	_ =	shalt  }
0x5e: {  	_ =	shalt  }
0x5f: {  	_ =	shalt  }
0x60: {  	_ =	shalt  }
0x61: {  	_ =	shalt  }
0x62: {  	_ =	shalt  }
0x63: {  	_ =	shalt  }
0x64: {  	_ =	shalt  }
0x65: {  	_ =	shalt  }
0x66: {  	_ =	shalt  }
0x67: {  	_ =	shalt  }
0x68: {  	_ =	shalt  }
0x69: {  	_ =	shalt  }
0x6a: {  	_ =	shalt  }
0x6b: {  	_ =	shalt  }
0x6c: {  	_ =	shalt  }
0x6d: {  	_ =	shalt  }
0x6e: {  	_ =	shalt  }
0x6f: {  	_ =	shalt  }
0x70: {  	_ =	shalt  }
0x71: {  	_ =	shalt  }
0x72: {  	_ =	shalt  }
0x73: {  	_ =	shalt  }
0x74: {  	_ =	shalt  }
0x75: {  	_ =	shalt  }
0x76: {  	_ =	shalt  }
0x77: {  	_ =	shalt  }
0x78: {  	_ =	shalt  }
0x79: {  	_ =	shalt  }
0x7a: {  	_ =	shalt  }
0x7b: {  	_ =	shalt  }
0x7c: {  	_ =	shalt  }
0x7d: {  	_ =	shalt  }
0x7e: {  	_ =	shalt  }
0x7f: {  	_ =	shalt  }
0x80: {  	_ =	shalt  }
0x81: {  	_ =	shalt  }
0x82: {  	_ =	shalt  }
0x83: {  	_ =	shalt  }
0x84: {  	_ =	shalt  }
0x85: {  	_ =	shalt  }
0x86: {  	_ =	shalt  }
0x87: {  	_ =	shalt  }
.Lfunc_end0:
.L_simem_size_0:
called_computation_lowered:
.L_overlay_start_0:
0x88: {  	s2 =	sld [smem:$0x3FD9]  }
0x89: {  	s3 =	sld [smem:$0x3FFE];
	_ =	sdelay $0x1  }
0x8a: {  	s1 =	srdreg.scid  }
0x8b: {  	s0 =	sand.u32 $0x1, s1  }
0x8c: {  	s17 =	sshll.u32 s0, $0xA;
	s2 =	sadd.s32 s3, s2  }
0x8d: {  	s2 =	sadd.s32 s2, s17  }
0x8e: {  	[smem:$0x3FB7] =	sst s2  }
0x8f: {  	_ = 	snop  }
0x90: {  	s2 =	sld [smem:$0x3FC9]  }
0x91: {  	s18 =	sld [smem:$0x3FC8]  }
0x92: {  	s4 =	sld [smem:$0x3FD0];
	(tm) =	ssettm $0x1  }
0x93: {  	s5 =	sld [smem:$0x3FFB];
	_ =	sdelay $0x3  }
0x94: {  	_ =	strace s5  }
0x95: {  	s5 =	sld [smem:$0x3FFC];
	_ =	sdelay $0x3  }
0x96: {  	_ =	strace s5  }
0x97: {  	s5 =	sld [smem:$0x3FFD];
	_ =	sdelay $0x3  }
0x98: {  	_ =	strace s5  }
0x99: {  	_ =	strace $0x8FFFFFFF  }
0x9a: {  	s19 =	sld [smem:$0x3FDB];
	_ =	sdelay $0x1  }
0x9b: {  	s6 =	simm.s32 $_scs_section_size  }
0x9c: {  	s7 =	simm.s32 $_size__tile_overlayer_lowered;
	s8 =	simm.s32 $_tile_overlayer_lowered  }
0x9d: {  	s22 =	simm.s32 $0x1BFF;
	s21 =	sshll.u32 s8, $0x1;
	s5 =	sadd.s32 s6, s19  }
0x9e: {  	s9 =	simm.s32 $0x0;
	s20 =	sshll.u32 s7, $0x1;
	s7 =	sadd.s32 s21, s5  }
0x9f: {  	[timem:s9], [sflag:s22] =	dma.local [hbm:s7], s20  }
0xa0: {  	_ =	swait.ge [sflag:s22], s20  }
0xa1: {  	s6 =	ssub.s32 $0x0, s20;
	[sflag:s22] =	ssyncset.done $0x0  }
0xa2: {  	[sflag:s22] =	ssyncadd.s32 s6;
	_ =	sdelay $0x1  }
0xa3: {  	s23 =	simm.s32 $0x1B8B  }
0xa4: {  	_ =	swait.ge [sflag:s23], $0x1  }
0xa5: {  	[sflag:s23] =	ssyncset.done $0x0  }
0xa6: {  	s25 =	simm.s32 $0x1B8E;
	s24 =	sld [smem:$0x3FFE];
	[sflag:s23] =	ssyncadd.s32 $0xFFFFFFFF  }
0xa7: {  	s26 =	simm.s32 $execute0_lowered;
	[smem:$0x3FD2] =	sst s25  }
0xa8: {  	s7 =	sshll.u32 s26, $0x1;
	_ =	strace $0x80000046;
	[dreg:$0x1] =	wrdreg $0xFFFFFFFF  }
0xa9: {  	s28 =	simm.s32 $_size_execute0_lowered;
	s5 =	sadd.s32 s5, s7;
	[dreg:$0x0] =	wrdreg $0x0  }
0xaa: {  	s7 =	sshll.u32 s28, $0x1;
	[dreg:$0x2] =	wrdreg s5  }
0xab: {  	[dreg:$0x3] =	wrdreg s7  }
0xac: {  	[dreg:$0x4] =	wrdreg $0xC0  }
0xad: {  	_ =	task [dreg:s9], $0x5FFFF  }
0xae: {  	[dreg:$0x1] =	wrdreg $0xFFFFFFFF  }
0xaf: {  	[dreg:$0x0] =	wrdreg $0x60  }
0xb0: {  	[dreg:$0x2] =	wrdreg s2  }
0xb1: {  	[dreg:$0x3] =	wrdreg s18  }
0xb2: {  	[dreg:$0x4] =	wrdreg s4  }
0xb3: {  	[dreg:$0x5] =	wrdreg s24  }
0xb4: {  	[dreg:$0x6] =	wrdreg $0x9  }
0xb5: {  	_ =	task.clear_ibuf [dreg:s9], $0x7FFFF;
	_ =	strace $0x90000046  }
0xb6: {  	s29 =	simm.s32 $0x9;
	_ =	strace $0x80000048  }
0xb7: {  	_ =	swait.ge [sflag:s29], $0x1  }
0xb8: {  	[sflag:s29] =	ssyncadd.s32 $0xFFFFFFFF  }
0xb9: {  	_ =	strace $0x90000048  }
0xba: {  	_ =	sfence  }
0xbb: {  	s30 =	sld [smem:$0x0];
	_ =	sdelay $0x2  }
0xbc: {  	s31 =	sshll.u32 s1, $0xD;
	s1 =	sshrl.u32 s1, $0x2  }
0xbd: {  	s3 =	sand.u32 $0x4000, s31;
	s1 =	sadd.s32 s1, s30  }
0xbe: {  	s0 =	sor.u32 s3, s0;
	s1 =	sshll.u32 s1, $0x11  }
0xbf: {  	s0 =	sor.u32 s1, s0  }
0xc0: {  	s0 =	sadd.s32 $0x8F2B, s0  }
0xc1: {  	[sflag:s0] =	ssyncadd.remote.s32 $0x1  }
0xc2: {  	_ =	sfence.sel $0xFFFF  }
0xc3: {  	[dreg:$0x0] =	wrdreg $0xFFFFFFFF;
	(pc) =	sbr.abs _section_cstart, $3  }
0xc4: {  	[dreg:$0x1] =	wrdreg $0xFFFFFFFF  }
0xc5: {  	_ =	task.clear_ibuf [dreg:s9], $0x2FFFF;
	_ =	strace $0x9FFFFFFF  }
0xc6: {  	(tm) =	ssettm $0x7FFFFFFF  }
0xc7: {  	_ =	shalt  }
tec
execute0_lowered:
.L_overlay_start_1:
0x0: {  	(tag) =	ssettag $0x1  }
0x1: {  	s1 =	rddreg [dreg:$0x0]  }
0x2: {  	s2 =	rddreg [dreg:$0x1]  }
0x3: {  	s0 =	rddreg [dreg:$0x2]  }
0x4: {  	s5 =	rddreg [dreg:$0x3];
	s4 =	simm.s32 $0x0  }
0x5: {  	s3 =	srdreg.scid;
	s17 =	stileid.u32;
	s30 =	simm.s32 $0x80  }
0x6: {  	s31 =	simm.s32 $0x5100;
	s3 =	sand.u32 $0x1, s3;
	s15 =	smul.u32 $0x4E20, s17  }
0x7: {  	[smem:$0x7FF] =	sst s4;
	s6 =	sshll.u32 s17, $0x1;
	s22 =	smul.u32 $0x2710, s3  }
0x8: {  	s7 =	sadd.s32 $0x2400, s5;
	s6 =	sor.u32 s3, s6;
	s29 =	smul.u32 $0x27100, s3  }
0x9: {  	s8 =	sadd.s32 $0xC200, s5;
	s5 =	sadd.s32 $0x4EE200, s5;
	s10 =	smul.u32 $0x2710, s6  }
0xa: {  	_ =	strace $0x80000047;
	s9 =	ssub.s32 $0x2, s3;
	s12 =	smul.u32 $0x27100, s6  }
0xb: {  	s3 =	simm.s32 $0x1;
	s11 =	sshrl.u32 s9, $0x1;
	s6 =	smul.u32 $0x138800, s6  }
0xc: {  	s9 =	ssub.s32 s9, s11;
	s25 =	sadd.s32 s22, s15;
	s21 =	sadd.s32 $0x50, s10  }
0xd: {  	s13 =	sshrl.u32 s10, $0x3;
	s16 =	sadd.s32 s8, s12;
	s12 =	sadd.s32 s5, s12  }
0xe: {  	s6 =	sshrl.u32 s6, $0x3;
	s10 =	sadd.s32 $0x26C0, s10;
	s28 =	smax.u32 s9, $0x1  }
0xf: {  	s9 =	simm.s32 $0x4;
	[dreg:$0x9] =	wrdreg s16;
	s11 =	sshll.u32 s21, $0x4  }
0x10: {  	s14 =	sshrl.u32 s21, $0x3;
	[dreg:$0xa] =	wrdreg s12;
	s23 =	sadd.s32 s8, s11  }
0x11: {  	s24 =	sadd.s32 $0x26200, s6;
	s11 =	sadd.s32 s5, s11;
	[dreg:$0xb] =	wrdreg s23  }
0x12: {  	s6 =	sadd.s32 $0x26700, s6;
	s26 =	sadd.s32 s8, s24;
	[dreg:$0xc] =	wrdreg s11  }
0x13: {  	s16 =	sadd.s32 $0x190, s25;
	s19 =	sadd.s32 s8, s6;
	[dreg:$0xd] =	wrdreg s26  }
0x14: {  	s21 =	sshll.u32 s10, $0x4;
	s6 =	sadd.s32 s5, s6;
	[dreg:$0xf] =	wrdreg s19  }
0x15: {  	s18 =	sshrl.u32 s16, $0x3;
	s11 =	sadd.s32 s5, s24;
	[dreg:$0x10] =	wrdreg s6  }
0x16: {  	s20 =	sadd.s32 s18, s7;
	s22 =	sadd.s32 s18, s0;
	[dreg:$0xe] =	wrdreg s11  }
0x17: {  	s23 =	smul.u32 $0x4E200, s17;
	s24 =	sadd.s32 $0x140, s25;
	[dreg:$0x5] =	wrdreg s20  }
0x18: {  	s25 =	sadd.s32 s8, s21;
	s26 =	sadd.s32 s5, s21;
	[dreg:$0x6] =	wrdreg s22  }
0x19: {  	s17 =	sadd.s32 s0, s14;
	s18 =	sadd.s32 $0x14, s13;
	[dreg:$0x11] =	wrdreg s25  }
0x1a: {  	s19 =	sadd.s32 s7, s14;
	s21 =	sadd.s32 s0, s13;
	[dreg:$0x12] =	wrdreg s26  }
0x1b: {  	s6 =	simm.s32 $0x100;
	s14 =	simm.s32 $0x6;
	[dreg:$0x13] =	wrdreg s17  }
0x1c: {  	s11 =	sshrl.u32 s24, $0x3;
	[dreg:$0x14] =	wrdreg s19;
	s20 =	sadd.s32 s0, s18  }
0x1d: {  	[dreg:$0x17] =	wrdreg s21;
	s22 =	sadd.s32 s7, s13;
	s25 =	sshrl.u32 s10, $0x3  }
0x1e: {  	s10 =	simm.s32 $0x5200;
	s17 =	simm.s32 $0x0;
	s15 =	sadd.s32 s23, s8  }
0x1f: {  	s16 =	sadd.s32 s23, s5;
	s12 =	sadd.s32 s11, s7;
	[dreg:$0x15] =	wrdreg s20  }
0x20: {  	s5 =	sadd.s32 s7, s18;
	[dreg:$0x18] =	wrdreg s22;
	s23 =	sadd.s32 $0x1E, s13  }
0x21: {  	s26 =	sadd.s32 s7, s25;
	s8 =	simm.s32 $0x2;
	[dreg:$0x7] =	wrdreg s12  }
0x22: {  	s13 =	simm.s32 $0x3;
	[dreg:$0x16] =	wrdreg s5;
	s24 =	sadd.s32 s0, s23  }
0x23: {  	s5 =	sadd.s32 s7, s23;
	[dreg:$0x1b] =	wrdreg s26;
	s26 =	sadd.s32 s0, s25  }
0x24: {  	s0 =	sadd.s32 s11, s0;
	s7 =	simm.s32 $0x2900;
	[dreg:$0x19] =	wrdreg s24  }
0x25: {  	s11 =	simm.s32 $0x7A00;
	s12 =	simm.s32 $0x5;
	[dreg:$0x1a] =	wrdreg s5  }
0x26: {  	[dreg:$0x8] =	wrdreg s0;
	s0 =	simm.s32 $0x5180;
	s5 =	simm.s32 $0x50  }
.LBB2_1:
0x27: {  	s18 =	rddreg [dreg:$0x17]  }
0x28: {  	[tilespmem:s4], [sflag:$0x1] =	stream.linear.gather [hbm4b:s18+s4], $0x50, $0x38;
	[tilespmem:$0xA200] =	vst v63  }
0x29: {  	s19 =	rddreg [dreg:$0x18]  }
0x2a: {  	[tilespmem:s30], [sflag:$0x1] =	stream.linear.gather [hbm4b:s19+s4], $0x50, $0x38;
	[tilespmem:$0xA200] =	vst v63  }
0x2b: {  	s20 =	rddreg [dreg:$0x13]  }
0x2c: {  	[tilespmem:s31], [sflag:$0x4] =	stream.linear.gather [hbm4b:s20+s4], $0x50, $0x38;
	[tilespmem:$0xA200] =	vst v63  }
0x2d: {  	s21 =	rddreg [dreg:$0x14]  }
0x2e: {  	[tilespmem:s0], [sflag:$0x4] =	stream.linear.gather [hbm4b:s21+s4], $0x50, $0x38;
	[tilespmem:$0xA200] =	vst v63  }
0x2f: {  	_ =	swait.ge [sflag:s3], $0x50  }
0x30: {  	[sflag:s3] =	ssyncset.done $0x0  }
0x31: {  	[sflag:s3] =	ssyncadd.s32 $0xFFFFFFB0  }
0x32: {  	_ =	swait.ge [sflag:s3], $0x50  }
0x33: {  	[sflag:s3] =	ssyncset.done $0x0  }
0x34: {  	[sflag:s3] =	ssyncadd.s32 $0xFFFFFFB0  }
0x35: {  	[tilespmem:s6], [sflag:$0x2] =	stream.indirect.gather [hbm4b:s1+s5], $0x80, s4, s5, $0xb8;
	[tilespmem:$0xA200] =	vst v63  }
0x36: {  	_ = 	snop  }
0x37: {  	[tilespmem:s7], [sflag:$0x2] =	stream.indirect.gather [hbm4b:s2+s5], $0x80, s30, s5, $0xb8;
	[tilespmem:$0xA200] =	vst v63  }
0x38: {  	_ =	swait.ge [sflag:s8], $0x2800  }
0x39: {  	[sflag:s8] =	ssyncset.done $0x0  }
0x3a: {  	[sflag:s8] =	ssyncadd.s32 $0xFFFFD800  }
0x3b: {  	_ =	swait.ge [sflag:s8], $0x2800  }
0x3c: {  	[sflag:s8] =	ssyncset.done $0x0  }
0x3d: {  	s22 =	rddreg [dreg:$0x15];
	[sflag:s8] =	ssyncadd.s32 $0xFFFFD800  }
0x3e: {  	[tilespmem:s4], [sflag:$0x1] =	stream.linear.gather [hbm4b:s22+s4], $0x50, $0x38;
	[tilespmem:$0xA200] =	vst v63  }
0x3f: {  	s23 =	rddreg [dreg:$0x16]  }
0x40: {  	[tilespmem:s30], [sflag:$0x1] =	stream.linear.gather [hbm4b:s23+s4], $0x50, $0x38;
	[tilespmem:$0xA200] =	vst v63  }
0x41: {  	s24 =	rddreg [dreg:$0x9]  }
0x42: {  	[hbm4b:s24+s4] =	stream.linear.scatter [tilespmem:s6], [sflag:$0x3], $0x2800, $0x38;
	[tilespmem:$0xA200] =	vst v63  }
0x43: {  	s25 =	rddreg [dreg:$0xa]  }
0x44: {  	[hbm4b:s25+s4] =	stream.linear.scatter [tilespmem:s7], [sflag:$0x3], $0x2800, $0x38;
	[tilespmem:$0xA200] =	vst v63  }
0x45: {  	_ =	swait.ge [sflag:s9], $0x50  }
0x46: {  	[sflag:s9] =	ssyncset.done $0x0  }
0x47: {  	[sflag:s9] =	ssyncadd.s32 $0xFFFFFFB0  }
0x48: {  	_ =	swait.ge [sflag:s9], $0x50  }
0x49: {  	[sflag:s9] =	ssyncset.done $0x0  }
0x4a: {  	[sflag:s9] =	ssyncadd.s32 $0xFFFFFFB0  }
0x4b: {  	[tilespmem:s10], [sflag:$0x5] =	stream.indirect.gather [hbm4b:s1+s5], $0x80, s31, s5, $0xb8;
	[tilespmem:$0xA200] =	vst v63  }
0x4c: {  	_ = 	snop  }
0x4d: {  	[tilespmem:s11], [sflag:$0x5] =	stream.indirect.gather [hbm4b:s2+s5], $0x80, s0, s5, $0xb8;
	[tilespmem:$0xA200] =	vst v63  }
0x4e: {  	_ =	swait.ge [sflag:s12], $0x2800  }
0x4f: {  	[sflag:s12] =	ssyncset.done $0x0  }
0x50: {  	[sflag:s12] =	ssyncadd.s32 $0xFFFFD800  }
0x51: {  	_ =	swait.ge [sflag:s12], $0x2800  }
0x52: {  	[sflag:s12] =	ssyncset.done $0x0  }
0x53: {  	s19 =	rddreg [dreg:$0x19];
	[sflag:s12] =	ssyncadd.s32 $0xFFFFD800  }
0x54: {  	[tilespmem:s31], [sflag:$0x4] =	stream.linear.gather [hbm4b:s19+s4], $0x50, $0x38;
	[tilespmem:$0xA200] =	vst v63  }
0x55: {  	s20 =	rddreg [dreg:$0x1a]  }
0x56: {  	[tilespmem:s0], [sflag:$0x4] =	stream.linear.gather [hbm4b:s20+s4], $0x50, $0x38;
	[tilespmem:$0xA200] =	vst v63  }
0x57: {  	s21 =	rddreg [dreg:$0xb]  }
0x58: {  	[hbm4b:s21+s4] =	stream.linear.scatter [tilespmem:s10], [sflag:$0x6], $0x2800, $0x38;
	[tilespmem:$0xA200] =	vst v63  }
0x59: {  	s22 =	rddreg [dreg:$0xc]  }
0x5a: {  	[hbm4b:s22+s4] =	stream.linear.scatter [tilespmem:s11], [sflag:$0x6], $0x2800, $0x38;
	[tilespmem:$0xA200] =	vst v63  }
0x5b: {  	_ =	swait.ge [sflag:s13], $0x2800  }
0x5c: {  	[sflag:s13] =	ssyncset.done $0x0  }
0x5d: {  	[sflag:s13] =	ssyncadd.s32 $0xFFFFD800  }
0x5e: {  	_ =	swait.ge [sflag:s13], $0x2800  }
0x5f: {  	[sflag:s13] =	ssyncset.done $0x0  }
0x60: {  	[sflag:s13] =	ssyncadd.s32 $0xFFFFD800  }
0x61: {  	_ =	swait.ge [sflag:s3], $0x50  }
0x62: {  	[sflag:s3] =	ssyncset.done $0x0  }
0x63: {  	[sflag:s3] =	ssyncadd.s32 $0xFFFFFFB0  }
0x64: {  	_ =	swait.ge [sflag:s3], $0x50  }
0x65: {  	[sflag:s3] =	ssyncset.done $0x0  }
0x66: {  	[sflag:s3] =	ssyncadd.s32 $0xFFFFFFB0  }
0x67: {  	[tilespmem:s6], [sflag:$0x2] =	stream.indirect.gather [hbm4b:s1+s5], $0x80, s4, s5, $0xb8;
	[tilespmem:$0xA200] =	vst v63  }
0x68: {  	_ = 	snop  }
0x69: {  	[tilespmem:s7], [sflag:$0x2] =	stream.indirect.gather [hbm4b:s2+s5], $0x80, s30, s5, $0xb8;
	[tilespmem:$0xA200] =	vst v63  }
0x6a: {  	_ =	swait.ge [sflag:s8], $0x2800  }
0x6b: {  	[sflag:s8] =	ssyncset.done $0x0  }
0x6c: {  	[sflag:s8] =	ssyncadd.s32 $0xFFFFD800  }
0x6d: {  	_ =	swait.ge [sflag:s8], $0x2800  }
0x6e: {  	s23 =	rddreg [dreg:$0x8];
	[sflag:s8] =	ssyncset.done $0x0  }
0x6f: {  	s19 =	rddreg [dreg:$0x7];
	[sflag:s8] =	ssyncadd.s32 $0xFFFFD800;
	s18 =	sadd.s32 $0x0, s23  }
0x70: {  	[tilespmem:s4], [sflag:$0x1] =	stream.linear.gather [hbm4b:s18+s4], $0x50, $0x38;
	[tilespmem:$0xA200] =	vst v63  }
0x71: {  	s25 =	sadd.s32 s15, s29;
	s24 =	sadd.s32 $0x0, s19  }
0x72: {  	[tilespmem:s30], [sflag:$0x1] =	stream.linear.gather [hbm4b:s24+s4], $0x50, $0x38;
	[tilespmem:$0xA200] =	vst v63  }
0x73: {  	s20 =	sadd.s32 s16, s29;
	s21 =	sadd.s32 $0xA00, s25  }
0x74: {  	[hbm4b:s21+s4] =	stream.linear.scatter [tilespmem:s6], [sflag:$0x3], $0x2800, $0x38;
	[tilespmem:$0xA200] =	vst v63  }
0x75: {  	s22 =	sadd.s32 $0xA00, s20  }
0x76: {  	[hbm4b:s22+s4] =	stream.linear.scatter [tilespmem:s7], [sflag:$0x3], $0x2800, $0x38;
	[tilespmem:$0xA200] =	vst v63  }
0x77: {  	_ =	swait.ge [sflag:s14], $0x2800  }
0x78: {  	[sflag:s14] =	ssyncset.done $0x0  }
0x79: {  	[sflag:s14] =	ssyncadd.s32 $0xFFFFD800  }
0x7a: {  	_ =	swait.ge [sflag:s14], $0x2800  }
0x7b: {  	[sflag:s14] =	ssyncset.done $0x0  }
0x7c: {  	[sflag:s14] =	ssyncadd.s32 $0xFFFFD800  }
0x7d: {  	_ =	swait.ge [sflag:s9], $0x50  }
0x7e: {  	[sflag:s9] =	ssyncset.done $0x0  }
0x7f: {  	[sflag:s9] =	ssyncadd.s32 $0xFFFFFFB0  }
0x80: {  	_ =	swait.ge [sflag:s9], $0x50  }
0x81: {  	[sflag:s9] =	ssyncset.done $0x0  }
0x82: {  	[sflag:s9] =	ssyncadd.s32 $0xFFFFFFB0  }
0x83: {  	[tilespmem:s10], [sflag:$0x5] =	stream.indirect.gather [hbm4b:s1+s5], $0x80, s31, s5, $0xb8;
	[tilespmem:$0xA200] =	vst v63  }
0x84: {  	_ = 	snop  }
0x85: {  	[tilespmem:s11], [sflag:$0x5] =	stream.indirect.gather [hbm4b:s2+s5], $0x80, s0, s5, $0xb8;
	[tilespmem:$0xA200] =	vst v63  }
0x86: {  	_ =	swait.ge [sflag:s12], $0x2800  }
0x87: {  	[sflag:s12] =	ssyncset.done $0x0  }
0x88: {  	[sflag:s12] =	ssyncadd.s32 $0xFFFFD800  }
0x89: {  	_ =	swait.ge [sflag:s12], $0x2800  }
0x8a: {  	s23 =	rddreg [dreg:$0x6];
	[sflag:s12] =	ssyncset.done $0x0  }
0x8b: {  	s21 =	rddreg [dreg:$0x5];
	[sflag:s12] =	ssyncadd.s32 $0xFFFFD800;
	s18 =	sadd.s32 $0x0, s23  }
0x8c: {  	[tilespmem:s31], [sflag:$0x4] =	stream.linear.gather [hbm4b:s18+s4], $0x50, $0x38;
	[tilespmem:$0xA200] =	vst v63  }
0x8d: {  	s25 =	sadd.s32 $0xF00, s25;
	s19 =	sadd.s32 $0xA00, s15;
	s24 =	sadd.s32 $0x0, s21  }
0x8e: {  	[tilespmem:s0], [sflag:$0x4] =	stream.linear.gather [hbm4b:s24+s4], $0x50, $0x38;
	[tilespmem:$0xA200] =	vst v63  }
0x8f: {  	s21 =	sadd.s32 $0xF00, s20;
	s20 =	sadd.s32 $0xA00, s16;
	s18 =	simm.s32 $0x14  }
0x90: {  	[hbm4b:s25+s4] =	stream.linear.scatter [tilespmem:s10], [sflag:$0x6], $0x2800, $0x38;
	[tilespmem:$0xA200] =	vst v63  }
.LBB2_2:
0x91: {  	[hbm4b:s21+s4] =	stream.linear.scatter [tilespmem:s11], [sflag:$0x6], $0x2800, $0x38;
	[tilespmem:$0xA200] =	vst v63  }
0x92: {  	_ =	swait.ge [sflag:s13], $0x2800  }
0x93: {  	[sflag:s13] =	ssyncset.done $0x0  }
0x94: {  	[sflag:s13] =	ssyncadd.s32 $0xFFFFD800  }
0x95: {  	_ =	swait.ge [sflag:s13], $0x2800  }
0x96: {  	[sflag:s13] =	ssyncset.done $0x0  }
0x97: {  	[sflag:s13] =	ssyncadd.s32 $0xFFFFD800  }
0x98: {  	_ =	swait.ge [sflag:s3], $0x50  }
0x99: {  	[sflag:s3] =	ssyncset.done $0x0  }
0x9a: {  	[sflag:s3] =	ssyncadd.s32 $0xFFFFFFB0  }
0x9b: {  	_ =	swait.ge [sflag:s3], $0x50  }
0x9c: {  	[sflag:s3] =	ssyncset.done $0x0  }
0x9d: {  	[sflag:s3] =	ssyncadd.s32 $0xFFFFFFB0  }
0x9e: {  	[tilespmem:s6], [sflag:$0x2] =	stream.indirect.gather [hbm4b:s1+s5], $0x80, s4, s5, $0xb8;
	[tilespmem:$0xA200] =	vst v63  }
0x9f: {  	_ = 	snop  }
0xa0: {  	[tilespmem:s7], [sflag:$0x2] =	stream.indirect.gather [hbm4b:s2+s5], $0x80, s30, s5, $0xb8;
	[tilespmem:$0xA200] =	vst v63  }
0xa1: {  	_ =	swait.ge [sflag:s8], $0x2800  }
0xa2: {  	[sflag:s8] =	ssyncset.done $0x0  }
0xa3: {  	[sflag:s8] =	ssyncadd.s32 $0xFFFFD800  }
0xa4: {  	_ =	swait.ge [sflag:s8], $0x2800  }
0xa5: {  	s21 =	smov.u32 s18;
	s22 =	rddreg [dreg:$0x8];
	[sflag:s8] =	ssyncset.done $0x0  }
0xa6: {  	s23 =	rddreg [dreg:$0x7];
	[sflag:s8] =	ssyncadd.s32 $0xFFFFD800;
	s22 =	sadd.s32 s21, s22  }
0xa7: {  	[tilespmem:s4], [sflag:$0x1] =	stream.linear.gather [hbm4b:s22+s4], $0x50, $0x38;
	[tilespmem:$0xA200] =	vst v63  }
0xa8: {  	s23 =	sadd.s32 s21, s23;
	s22 =	sadd.s32 s19, s29  }
0xa9: {  	[tilespmem:s30], [sflag:$0x1] =	stream.linear.gather [hbm4b:s23+s4], $0x50, $0x38;
	[tilespmem:$0xA200] =	vst v63  }
0xaa: {  	s24 =	sadd.s32 $0xA00, s22;
	s23 =	sadd.s32 s20, s29  }
0xab: {  	[hbm4b:s24+s4] =	stream.linear.scatter [tilespmem:s6], [sflag:$0x3], $0x2800, $0x38;
	[tilespmem:$0xA200] =	vst v63  }
0xac: {  	s25 =	sadd.s32 $0xA00, s23  }
0xad: {  	[hbm4b:s25+s4] =	stream.linear.scatter [tilespmem:s7], [sflag:$0x3], $0x2800, $0x38;
	[tilespmem:$0xA200] =	vst v63  }
0xae: {  	_ =	swait.ge [sflag:s14], $0x2800  }
0xaf: {  	[sflag:s14] =	ssyncset.done $0x0  }
0xb0: {  	[sflag:s14] =	ssyncadd.s32 $0xFFFFD800  }
0xb1: {  	_ =	swait.ge [sflag:s14], $0x2800  }
0xb2: {  	[sflag:s14] =	ssyncset.done $0x0  }
0xb3: {  	[sflag:s14] =	ssyncadd.s32 $0xFFFFD800  }
0xb4: {  	_ =	swait.ge [sflag:s9], $0x50  }
0xb5: {  	[sflag:s9] =	ssyncset.done $0x0  }
0xb6: {  	[sflag:s9] =	ssyncadd.s32 $0xFFFFFFB0  }
0xb7: {  	_ =	swait.ge [sflag:s9], $0x50  }
0xb8: {  	[sflag:s9] =	ssyncset.done $0x0  }
0xb9: {  	[sflag:s9] =	ssyncadd.s32 $0xFFFFFFB0  }
0xba: {  	[tilespmem:s10], [sflag:$0x5] =	stream.indirect.gather [hbm4b:s1+s5], $0x80, s31, s5, $0xb8;
	[tilespmem:$0xA200] =	vst v63  }
0xbb: {  	_ = 	snop  }
0xbc: {  	[tilespmem:s11], [sflag:$0x5] =	stream.indirect.gather [hbm4b:s2+s5], $0x80, s0, s5, $0xb8;
	[tilespmem:$0xA200] =	vst v63  }
0xbd: {  	_ =	swait.ge [sflag:s12], $0x2800  }
0xbe: {  	[sflag:s12] =	ssyncset.done $0x0  }
0xbf: {  	[sflag:s12] =	ssyncadd.s32 $0xFFFFD800  }
0xc0: {  	_ =	swait.ge [sflag:s12], $0x2800  }
0xc1: {  	s24 =	rddreg [dreg:$0x6];
	[sflag:s12] =	ssyncset.done $0x0  }
0xc2: {  	p0 =	sne.s32 s18, $0x49C;
	[sflag:s12] =	ssyncadd.s32 $0xFFFFD800;
	s24 =	sadd.s32 s21, s24  }
0xc3: {  	[tilespmem:s31], [sflag:$0x4] =	stream.linear.gather [hbm4b:s24+s4], $0x50, $0x38;
	[tilespmem:$0xA200] =	vst v63  }
.Ltmp0:
0xc4: {  	s25 =	rddreg [dreg:$0x5];
	(pc) =	sbr.rel @p0 .LBB2_2-.Ltmp0, $4  }
0xc5: {  	s18 =	sadd.s32 $0x14, s18;
	s19 =	sadd.s32 $0xA00, s19;
	s21 =	sadd.s32 s21, s25  }
0xc6: {  	[tilespmem:s0], [sflag:$0x4] =	stream.linear.gather [hbm4b:s21+s4], $0x50, $0x38;
	[tilespmem:$0xA200] =	vst v63  }
0xc7: {  	s20 =	sadd.s32 $0xA00, s20;
	s25 =	sadd.s32 $0xF00, s22;
	s21 =	sadd.s32 $0xF00, s23  }
0xc8: {  	[hbm4b:s25+s4] =	stream.linear.scatter [tilespmem:s10], [sflag:$0x6], $0x2800, $0x38;
	[tilespmem:$0xA200] =	vst v63  }
0xc9: {  	[hbm4b:s21+s4] =	stream.linear.scatter [tilespmem:s11], [sflag:$0x6], $0x2800, $0x38;
	[tilespmem:$0xA200] =	vst v63  }
0xca: {  	_ =	swait.ge [sflag:s13], $0x2800  }
0xcb: {  	[sflag:s13] =	ssyncset.done $0x0  }
0xcc: {  	[sflag:s13] =	ssyncadd.s32 $0xFFFFD800  }
0xcd: {  	_ =	swait.ge [sflag:s13], $0x2800  }
0xce: {  	[sflag:s13] =	ssyncset.done $0x0  }
0xcf: {  	[sflag:s13] =	ssyncadd.s32 $0xFFFFD800  }
0xd0: {  	_ =	swait.ge [sflag:s3], $0x50  }
0xd1: {  	[sflag:s3] =	ssyncset.done $0x0  }
0xd2: {  	[sflag:s3] =	ssyncadd.s32 $0xFFFFFFB0  }
0xd3: {  	_ =	swait.ge [sflag:s3], $0x50  }
0xd4: {  	[sflag:s3] =	ssyncset.done $0x0  }
0xd5: {  	[sflag:s3] =	ssyncadd.s32 $0xFFFFFFB0  }
0xd6: {  	[tilespmem:s6], [sflag:$0x2] =	stream.indirect.gather [hbm4b:s1+s5], $0x80, s4, s5, $0xb8;
	[tilespmem:$0xA200] =	vst v63  }
0xd7: {  	_ = 	snop  }
0xd8: {  	[tilespmem:s7], [sflag:$0x2] =	stream.indirect.gather [hbm4b:s2+s5], $0x80, s30, s5, $0xb8;
	[tilespmem:$0xA200] =	vst v63  }
0xd9: {  	_ =	swait.ge [sflag:s8], $0x2800  }
0xda: {  	[sflag:s8] =	ssyncset.done $0x0  }
0xdb: {  	[sflag:s8] =	ssyncadd.s32 $0xFFFFD800  }
0xdc: {  	_ =	swait.ge [sflag:s8], $0x2800  }
0xdd: {  	[sflag:s8] =	ssyncset.done $0x0  }
0xde: {  	[sflag:s8] =	ssyncadd.s32 $0xFFFFD800  }
0xdf: {  	[tilespmem:s4], [sflag:$0x1] =	stream.linear.gather [hbm4b:s26+s4], $0x50, $0x38;
	[tilespmem:$0xA200] =	vst v63  }
0xe0: {  	s18 =	rddreg [dreg:$0x1b]  }
0xe1: {  	[tilespmem:s30], [sflag:$0x1] =	stream.linear.gather [hbm4b:s18+s4], $0x50, $0x38;
	[tilespmem:$0xA200] =	vst v63  }
0xe2: {  	s20 =	rddreg [dreg:$0xd]  }
0xe3: {  	[hbm4b:s20+s4] =	stream.linear.scatter [tilespmem:s6], [sflag:$0x3], $0x2800, $0x38;
	[tilespmem:$0xA200] =	vst v63  }
0xe4: {  	s21 =	rddreg [dreg:$0xe]  }
0xe5: {  	[hbm4b:s21+s4] =	stream.linear.scatter [tilespmem:s7], [sflag:$0x3], $0x2800, $0x38;
	[tilespmem:$0xA200] =	vst v63  }
0xe6: {  	_ =	swait.ge [sflag:s14], $0x2800  }
0xe7: {  	[sflag:s14] =	ssyncset.done $0x0  }
0xe8: {  	[sflag:s14] =	ssyncadd.s32 $0xFFFFD800  }
0xe9: {  	_ =	swait.ge [sflag:s14], $0x2800  }
0xea: {  	[sflag:s14] =	ssyncset.done $0x0  }
0xeb: {  	[sflag:s14] =	ssyncadd.s32 $0xFFFFD800  }
0xec: {  	_ =	swait.ge [sflag:s9], $0x50  }
0xed: {  	[sflag:s9] =	ssyncset.done $0x0  }
0xee: {  	[sflag:s9] =	ssyncadd.s32 $0xFFFFFFB0  }
0xef: {  	_ =	swait.ge [sflag:s9], $0x50  }
0xf0: {  	[sflag:s9] =	ssyncset.done $0x0  }
0xf1: {  	[sflag:s9] =	ssyncadd.s32 $0xFFFFFFB0  }
0xf2: {  	[tilespmem:s10], [sflag:$0x5] =	stream.indirect.gather [hbm4b:s1+s5], $0x80, s31, s5, $0xb8;
	[tilespmem:$0xA200] =	vst v63  }
0xf3: {  	_ = 	snop  }
0xf4: {  	[tilespmem:s11], [sflag:$0x5] =	stream.indirect.gather [hbm4b:s2+s5], $0x80, s0, s5, $0xb8;
	[tilespmem:$0xA200] =	vst v63  }
0xf5: {  	_ =	swait.ge [sflag:s12], $0x2800  }
0xf6: {  	[sflag:s12] =	ssyncset.done $0x0  }
0xf7: {  	[sflag:s12] =	ssyncadd.s32 $0xFFFFD800  }
0xf8: {  	_ =	swait.ge [sflag:s12], $0x2800  }
0xf9: {  	[sflag:s12] =	ssyncset.done $0x0  }
0xfa: {  	s22 =	rddreg [dreg:$0xf];
	[sflag:s12] =	ssyncadd.s32 $0xFFFFD800  }
0xfb: {  	[hbm4b:s22+s4] =	stream.linear.scatter [tilespmem:s10], [sflag:$0x6], $0x2800, $0x38;
	[tilespmem:$0xA200] =	vst v63  }
0xfc: {  	s23 =	rddreg [dreg:$0x10]  }
0xfd: {  	[hbm4b:s23+s4] =	stream.linear.scatter [tilespmem:s11], [sflag:$0x6], $0x2800, $0x38;
	[tilespmem:$0xA200] =	vst v63  }
0xfe: {  	_ =	swait.ge [sflag:s13], $0x2800  }
0xff: {  	[sflag:s13] =	ssyncset.done $0x0  }
0x100: {  	[sflag:s13] =	ssyncadd.s32 $0xFFFFD800  }
0x101: {  	_ =	swait.ge [sflag:s13], $0x2800  }
0x102: {  	[sflag:s13] =	ssyncset.done $0x0  }
0x103: {  	[sflag:s13] =	ssyncadd.s32 $0xFFFFD800  }
0x104: {  	_ =	swait.ge [sflag:s3], $0x50  }
0x105: {  	[sflag:s3] =	ssyncset.done $0x0  }
0x106: {  	[sflag:s3] =	ssyncadd.s32 $0xFFFFFFB0  }
0x107: {  	_ =	swait.ge [sflag:s3], $0x50  }
0x108: {  	[sflag:s3] =	ssyncset.done $0x0  }
0x109: {  	[sflag:s3] =	ssyncadd.s32 $0xFFFFFFB0  }
0x10a: {  	[tilespmem:s6], [sflag:$0x2] =	stream.indirect.gather [hbm4b:s1+s5], $0x80, s4, s5, $0xb8;
	[tilespmem:$0xA200] =	vst v63  }
0x10b: {  	_ = 	snop  }
0x10c: {  	[tilespmem:s7], [sflag:$0x2] =	stream.indirect.gather [hbm4b:s2+s5], $0x80, s30, s5, $0xb8;
	[tilespmem:$0xA200] =	vst v63  }
0x10d: {  	_ =	swait.ge [sflag:s8], $0x2800  }
0x10e: {  	[sflag:s8] =	ssyncset.done $0x0  }
0x10f: {  	[sflag:s8] =	ssyncadd.s32 $0xFFFFD800  }
0x110: {  	_ =	swait.ge [sflag:s8], $0x2800  }
0x111: {  	[sflag:s8] =	ssyncset.done $0x0  }
0x112: {  	s24 =	rddreg [dreg:$0x11];
	[sflag:s8] =	ssyncadd.s32 $0xFFFFD800  }
0x113: {  	[hbm4b:s24+s4] =	stream.linear.scatter [tilespmem:s6], [sflag:$0x3], $0x2800, $0x38;
	[tilespmem:$0xA200] =	vst v63  }
0x114: {  	s25 =	rddreg [dreg:$0x12]  }
0x115: {  	[hbm4b:s25+s4] =	stream.linear.scatter [tilespmem:s7], [sflag:$0x3], $0x2800, $0x38;
	[tilespmem:$0xA200] =	vst v63  }
0x116: {  	_ =	swait.ge [sflag:s13], $0x2800  }
0x117: {  	[sflag:s13] =	ssyncset.done $0x0  }
0x118: {  	[sflag:s13] =	ssyncadd.s32 $0xFFFFD800  }
0x119: {  	_ =	swait.ge [sflag:s13], $0x2800  }
0x11a: {  	[sflag:s13] =	ssyncset.done $0x0  }
0x11b: {  	s17 =	sadd.s32 $0x1, s17;
	[sflag:s13] =	ssyncadd.s32 $0xFFFFD800  }
0x11c: {  	p0 =	sne.s32 s17, s28;
	_ =	swait.ge [sflag:s14], $0x2800  }
.Ltmp1:
0x11d: {  	[sflag:s14] =	ssyncset.done $0x0;
	(pc) =	sbr.rel @p0 .LBB2_1-.Ltmp1, $4  }
0x11e: {  	[sflag:s14] =	ssyncadd.s32 $0xFFFFD800  }
0x11f: {  	_ =	swait.ge [sflag:s14], $0x2800  }
0x120: {  	[sflag:s14] =	ssyncset.done $0x0  }
0x121: {  	[sflag:s14] =	ssyncadd.s32 $0xFFFFD800  }
0x122: {  	_ =	sfence.sel $0x180000  }
0x123: {  	[bflag:$0x0] =	sbarrier.arrive $0xFFFF  }
0x124: {  	_ =	strace $0x90000047  }
0x125: {  	s0 =	stileid.u32;
	[bflag:$0x2] =	sbarrier.arrive $0xFFFF  }
0x126: {  	p0 =	sne.s32 s0, $0x0;
	s0 =	rddreg [dreg:$0x4]  }
0x127: {  	s0 =	sadd.s32 @!p0 $0x100000, s0  }
0x128: {  	[sflag:s0] =	ssyncadd.tile.s32 @!p0 $0x1;
	_ =	shalt  }
.Lfunc_end2:
_tile_overlayer_lowered:
.L_overlay_start_2:
0x129: {  	(tag) =	ssettag $0x2  }
0x12a: {  	s0 =	rddreg [dreg:$0x0];
	s2 =	stileid.u32  }
0x12b: {  	s1 =	rddreg [dreg:$0x1];
	p0 =	sne.s32 s2, $0x0  }
0x12c: {  	s3 =	rddreg [dreg:$0x2];
	[bflag:$0x3] =	sbarrier.arrive $0xFFFF;
	s2 =	simm.s32 @!p0 $0x1C07  }
0x12d: {  	[timem:s3], [sflag:s2] =	dma.local @!p0 [hbm:s0], s1  }
0x12e: {  	s0 =	simm.s32 @!p0 $0x7  }
0x12f: {  	_ =	swait.ge @!p0 [sflag:s0], s1  }
0x130: {  	s1 =	ssub.s32 @!p0 $0x0, s1;
	[sflag:s0] =	ssyncset.done @!p0 $0x0  }
0x131: {  	[sflag:s0] =	ssyncadd.s32 @!p0 s1  }
0x132: {  	[bflag:$0x3] =	sbarrier.arrive $0xFFFF  }
0x133: {  	_ =	shalt  }

// kernel: kernel.9.cloned.1.call-start
scs
__scs_entry_jumppad:
0x0: {  	(pc) =	sbr.rel $0x88, $3  }
0x1: {  	(tag) =	ssettag $0x0;
	lr =	simm.s32 $0x1  }
0x2: {  	[smem:$0x3F90] =	sst lr;
	_ =	strace $0xD0000000  }
0x3: {  	_ = 	snop  }
0x4: {  	_ = 	snop  }
0x5: {  	_ = 	snop  }
0x6: {  	_ = 	snop  }
0x7: {  	_ = 	snop  }
__scs_overlays_trampoline_lowered:
0x8: {  	[smem:$0x3F9F] =	sst s0  }
0x9: {  	[smem:$0x3FA0] =	sst s1  }
0xa: {  	[smem:$0x3FA1] =	sst s2  }
0xb: {  	[smem:$0x3FA2] =	sst s3  }
0xc: {  	[smem:$0x3FA3] =	sst s4  }
0xd: {  	[smem:$0x3FA4] =	sst s5  }
0xe: {  	[smem:$0x3FA5] =	sst s6  }
0xf: {  	[smem:$0x3FA6] =	sst s7  }
0x10: {  	[smem:$0x3FA7] =	sst s8  }
0x11: {  	[smem:$0x3FA8] =	sst s9;
	s0 =	simm.s32 @!p0 $0x0  }
0x12: {  	s1 =	sld [smem:$0x3F8E];
	s0 =	simm.s32 @p0 $0x1  }
0x13: {  	[smem:$0x3FA9] =	sst s0;
	s0 =	simm.s32 @!p1 $0x0  }
0x14: {  	s2 =	sld [smem:$0x3F8D];
	s0 =	simm.s32 @p1 $0x1  }
0x15: {  	[smem:$0x3FAA] =	sst s0;
	s0 =	simm.s32 @!p2 $0x0  }
0x16: {  	s3 =	sld [smem:$0x3FDB];
	s0 =	simm.s32 @p2 $0x1  }
0x17: {  	s4 =	simm.s32 $0x1BF5;
	[smem:$0x3FAC] =	sst s0  }
0x18: {  	s0 =	sld [smem:$0x3F8F];
	_ =	swait.ge [sflag:s4], $0x0  }
0x19: {  	s7 =	sld [smem:$0x3F90]  }
0x1a: {  	s8 =	sadd.s32 $0xFFFFE003, lr  }
0x1b: {  	s9 =	sadd.s32 $0xFFFFFEF7, lr;
	s5 =	simm.s32 $0xFFFFFFFF;
	p2 =	slt.u32 s8, $0xFFFFF086  }
0x1c: {  	p1 =	slt.u32 s9, $0xF7A;
	s5 =	simm.s32 @!p2 $0x0  }
0x1d: {  	s5 =	simm.s32 @p1 $0x1;
	p0 =	seq.s32 s7, s2  }
0x1e: {  	s7 =	smul.u32 @!p0 $0xF7A, s2;
	p2 =	seq.s32 @!p0 s5, $0x0  }
0x1f: {  	s9 =	smul.u32 $0xF7A, s1;
	s8 =	simm.s32 @!p0 $0x1BF5;
	p2 =	por !p2, p0  }
0x20: {  	[sflag:s8] =	ssyncset.s32 @!p0 $0xFFFFF086;
	s6 =	sadd.s32 @!p0 s3, s7;
	s7 =	simm.s32 @!p0 $0x108  }
0x21: {  	s3 =	sadd.s32 s3, s9;
	s6 =	sadd.s32 @!p0 $0x88, s6;
	s7 =	simm.s32 @p2 $0x1082  }
0x22: {  	[simem:s7], [sflag:s8] =	dma.local @!p0 [hbm:s6], $0xF7A  }
0x23: {  	s9 =	sor.u32 $0xD0000000, s2;
	s6 =	simm.s32 $0x108;
	_ =	swait.ge @!p0 [sflag:s8], $0x0  }
0x24: {  	s3 =	sadd.s32 $0x88, s3;
	s6 =	simm.s32 @!p1 $0x1082;
	[sflag:s4] =	ssyncset.s32 $0xFFFFF086  }
0x25: {  	[simem:s6], [sflag:s4] =	dma.local [hbm:s3], $0xF7A  }
0x26: {  	[smem:$0x3F90] =	sst s1;
	(tag) =	ssettag s2;
	_ =	strace s9  }
0x27: {  	s1 =	sld [smem:$0x3FA0]  }
0x28: {  	s2 =	sld [smem:$0x3FA1]  }
0x29: {  	s4 =	sld [smem:$0x3FA3]  }
0x2a: {  	p0 =	seq.s32 s5, $0x0;
	s5 =	sld [smem:$0x3FA4]  }
0x2b: {  	s6 =	sld [smem:$0x3FA5]  }
0x2c: {  	s7 =	sld [smem:$0x3FA6]  }
0x2d: {  	s3 =	simm.s32 $0x108;
	s8 =	sld [smem:$0x3FA7]  }
0x2e: {  	s3 =	simm.s32 @!p0 $0x1082;
	s9 =	sld [smem:$0x3FA8]  }
0x2f: {  	lr =	sadd.s32 s0, s3;
	s0 =	sld [smem:$0x3F9F]  }
0x30: {  	s3 =	sld [smem:$0x3FA2]  }
0x31: {  	[smem:$0x3FAB] =	sst s10  }
0x32: {  	s10 =	sld [smem:$0x3FA9];
	_ =	sdelay $0x3  }
0x33: {  	p0 =	seq.s32 s10, $0x1;
	s10 =	sld [smem:$0x3FAB];
	_ =	sdelay $0x3  }
0x34: {  	[smem:$0x3FAB] =	sst s10  }
0x35: {  	s10 =	sld [smem:$0x3FAA];
	_ =	sdelay $0x3  }
0x36: {  	p1 =	seq.s32 s10, $0x1;
	s10 =	sld [smem:$0x3FAB];
	_ =	sdelay $0x3  }
0x37: {  	[smem:$0x3FAB] =	sst s10  }
0x38: {  	s10 =	sld [smem:$0x3FAC]  }
0x39: {  	_ = 	snop;
	(pc) =	sbr.ind lr, $3  }
0x3a: {  	_ = 	snop  }
0x3b: {  	_ = 	snop  }
0x3c: {  	p2 =	seq.s32 s10, $0x1;
	s10 =	sld [smem:$0x3FAB]  }
0x3d: {  	_ =	shalt  }
0x3e: {  	_ =	shalt  }
0x3f: {  	_ =	shalt  }
0x40: {  	_ =	shalt  }
0x41: {  	_ =	shalt  }
0x42: {  	_ =	shalt  }
0x43: {  	_ =	shalt  }
0x44: {  	_ =	shalt  }
0x45: {  	_ =	shalt  }
0x46: {  	_ =	shalt  }
0x47: {  	_ =	shalt  }
0x48: {  	_ =	shalt  }
0x49: {  	_ =	shalt  }
0x4a: {  	_ =	shalt  }
0x4b: {  	_ =	shalt  }
0x4c: {  	_ =	shalt  }
0x4d: {  	_ =	shalt  }
0x4e: {  	_ =	shalt  }
0x4f: {  	_ =	shalt  }
0x50: {  	_ =	shalt  }
0x51: {  	_ =	shalt  }
0x52: {  	_ =	shalt  }
0x53: {  	_ =	shalt  }
0x54: {  	_ =	shalt  }
0x55: {  	_ =	shalt  }
0x56: {  	_ =	shalt  }
0x57: {  	_ =	shalt  }
0x58: {  	_ =	shalt  }
0x59: {  	_ =	shalt  }
0x5a: {  	_ =	shalt  }
0x5b: {  	_ =	shalt  }
0x5c: {  	_ =	shalt  }
0x5d: {  	_ =	shalt  }
0x5e: {  	_ =	shalt  }
0x5f: {  	_ =	shalt  }
0x60: {  	_ =	shalt  }
0x61: {  	_ =	shalt  }
0x62: {  	_ =	shalt  }
0x63: {  	_ =	shalt  }
0x64: {  	_ =	shalt  }
0x65: {  	_ =	shalt  }
0x66: {  	_ =	shalt  }
0x67: {  	_ =	shalt  }
0x68: {  	_ =	shalt  }
0x69: {  	_ =	shalt  }
0x6a: {  	_ =	shalt  }
0x6b: {  	_ =	shalt  }
0x6c: {  	_ =	shalt  }
0x6d: {  	_ =	shalt  }
0x6e: {  	_ =	shalt  }
0x6f: {  	_ =	shalt  }
0x70: {  	_ =	shalt  }
0x71: {  	_ =	shalt  }
0x72: {  	_ =	shalt  }
0x73: {  	_ =	shalt  }
0x74: {  	_ =	shalt  }
0x75: {  	_ =	shalt  }
0x76: {  	_ =	shalt  }
0x77: {  	_ =	shalt  }
0x78: {  	_ =	shalt  }
0x79: {  	_ =	shalt  }
0x7a: {  	_ =	shalt  }
0x7b: {  	_ =	shalt  }
0x7c: {  	_ =	shalt  }
0x7d: {  	_ =	shalt  }
0x7e: {  	_ =	shalt  }
0x7f: {  	_ =	shalt  }
0x80: {  	_ =	shalt  }
0x81: {  	_ =	shalt  }
0x82: {  	_ =	shalt  }
0x83: {  	_ =	shalt  }
0x84: {  	_ =	shalt  }
0x85: {  	_ =	shalt  }
0x86: {  	_ =	shalt  }
0x87: {  	_ =	shalt  }
.Lfunc_end0:
.L_simem_size_0:
called_computation.1_lowered:
.L_overlay_start_0:
0x88: {  	s2 =	sld [smem:$0x3FD9]  }
0x89: {  	s3 =	sld [smem:$0x3FFE];
	_ =	sdelay $0x1  }
0x8a: {  	s1 =	srdreg.scid  }
0x8b: {  	s0 =	sand.u32 $0x1, s1  }
0x8c: {  	s16 =	sshll.u32 s0, $0xA;
	s2 =	sadd.s32 s3, s2  }
0x8d: {  	s2 =	sadd.s32 s2, s16  }
0x8e: {  	[smem:$0x3FB7] =	sst s2  }
0x8f: {  	_ = 	snop  }
0x90: {  	(tm) =	ssettm $0x1  }
0x91: {  	s17 =	sld [smem:$0x3FFB];
	_ =	sdelay $0x3  }
0x92: {  	_ =	strace s17  }
0x93: {  	s2 =	sld [smem:$0x3FFC];
	_ =	sdelay $0x3  }
0x94: {  	_ =	strace s2  }
0x95: {  	s2 =	sld [smem:$0x3FFD];
	_ =	sdelay $0x3  }
0x96: {  	_ =	strace s2  }
0x97: {  	_ =	strace $0x8FFFFFFF  }
0x98: {  	s18 =	sld [smem:$0x3FDB];
	_ =	sdelay $0x1  }
0x99: {  	s19 =	simm.s32 $_scs_section_size  }
0x9a: {  	s4 =	simm.s32 $_size__tile_overlayer_lowered;
	s5 =	simm.s32 $_tile_overlayer_lowered  }
0x9b: {  	s22 =	simm.s32 $0x1BFF;
	s21 =	sshll.u32 s5, $0x1;
	s2 =	sadd.s32 s19, s18  }
0x9c: {  	s6 =	simm.s32 $0x0;
	s20 =	sshll.u32 s4, $0x1;
	s4 =	sadd.s32 s21, s2  }
0x9d: {  	[timem:s6], [sflag:s22] =	dma.local [hbm:s4], s20  }
0x9e: {  	_ =	swait.ge [sflag:s22], s20  }
0x9f: {  	s3 =	ssub.s32 $0x0, s20;
	[sflag:s22] =	ssyncset.done $0x0  }
0xa0: {  	[sflag:s22] =	ssyncadd.s32 s3;
	_ =	sdelay $0x1  }
0xa1: {  	s23 =	simm.s32 $0x1B8B  }
0xa2: {  	_ =	swait.ge [sflag:s23], $0x1  }
0xa3: {  	[sflag:s23] =	ssyncset.done $0x0  }
0xa4: {  	s25 =	simm.s32 $0x1B8E;
	s24 =	sld [smem:$0x3FFE];
	[sflag:s23] =	ssyncadd.s32 $0xFFFFFFFF  }
0xa5: {  	s26 =	simm.s32 $execute0_lowered;
	[smem:$0x3FD2] =	sst s25  }
0xa6: {  	s4 =	sshll.u32 s26, $0x1;
	_ =	strace $0x80000049;
	[dreg:$0x1] =	wrdreg $0xFFFFFFFF  }
0xa7: {  	s28 =	simm.s32 $_size_execute0_lowered;
	s2 =	sadd.s32 s2, s4;
	[dreg:$0x0] =	wrdreg $0x0  }
0xa8: {  	s4 =	sshll.u32 s28, $0x1;
	[dreg:$0x2] =	wrdreg s2  }
0xa9: {  	[dreg:$0x3] =	wrdreg s4  }
0xaa: {  	[dreg:$0x4] =	wrdreg $0xC0  }
0xab: {  	_ =	task [dreg:s6], $0x5FFFF  }
0xac: {  	[dreg:$0x1] =	wrdreg $0xFFFFFFFF  }
0xad: {  	[dreg:$0x0] =	wrdreg $0x60  }
0xae: {  	[dreg:$0x2] =	wrdreg s24  }
0xaf: {  	[dreg:$0x3] =	wrdreg $0x9  }
0xb0: {  	_ =	task.clear_ibuf [dreg:s6], $0x4FFFF;
	_ =	strace $0x90000049  }
0xb1: {  	s29 =	simm.s32 $0x9;
	_ =	strace $0x8000004B  }
0xb2: {  	_ =	swait.ge [sflag:s29], $0x1  }
0xb3: {  	[sflag:s29] =	ssyncadd.s32 $0xFFFFFFFF  }
0xb4: {  	_ =	strace $0x9000004B  }
0xb5: {  	_ =	sfence  }
0xb6: {  	s30 =	sld [smem:$0x0];
	_ =	sdelay $0x2  }
0xb7: {  	s31 =	sshll.u32 s1, $0xD;
	s1 =	sshrl.u32 s1, $0x2  }
0xb8: {  	s3 =	sand.u32 $0x4000, s31;
	s1 =	sadd.s32 s1, s30  }
0xb9: {  	s0 =	sor.u32 s3, s0;
	s1 =	sshll.u32 s1, $0x11  }
0xba: {  	s0 =	sor.u32 s1, s0  }
0xbb: {  	s0 =	sadd.s32 $0x8F2B, s0  }
0xbc: {  	[sflag:s0] =	ssyncadd.remote.s32 $0x1  }
0xbd: {  	_ =	sfence.sel $0xFFFF  }
0xbe: {  	[dreg:$0x0] =	wrdreg $0xFFFFFFFF;
	(pc) =	sbr.abs _section_cstart, $3  }
0xbf: {  	[dreg:$0x1] =	wrdreg $0xFFFFFFFF  }
0xc0: {  	_ =	task.clear_ibuf [dreg:s6], $0x2FFFF;
	_ =	strace $0x9FFFFFFF  }
0xc1: {  	(tm) =	ssettm $0x7FFFFFFF  }
tec
execute0_lowered:
.L_overlay_start_1:
0x0: {  	(tag) =	ssettag $0x1  }
0x1: {  	s0 =	srdreg.scid;
	s2 =	stileid.u32  }
0x2: {  	s0 =	sand.u32 $0x1, s0;
	s3 =	sshll.u32 s2, $0x1  }
0x3: {  	s5 =	sor.u32 s0, s3  }
0x4: {  	p0 =	sgt.u32 s5, $0x10  }
.Ltmp0:
0x5: {  	_ = 	snop;
	(pc) =	sbr.rel @p0 .LBB2_11-.Ltmp0, $4  }
0x6: {  	_ = 	snop  }
0x7: {  	s2 =	simm.s32 $0x0  }
0x8: {  	[smem:$0x7FF] =	sst s2  }
0x9: {  	s1 =	rddreg [dreg:$0x0];
	_ =	strace $0x8000004A  }
0xa: {  	s6 =	smul.u32 $0x2780, s5  }
0xb: {  	s3 =	sadd.s32 $0x2400, s1;
	s4 =	sadd.s32 $0x9D0200, s1;
	s5 =	smul.u32 $0x271000, s5  }
0xc: {  	s0 =	ssub.s32 $0x2, s0;
	s17 =	simm.s32 $0x1;
	s19 =	sadd.s32 s6, s1  }
0xd: {  	s18 =	simm.s32 $0x500;
	s28 =	simm.s32 $0x16E80;
	s6 =	sadd.s32 $0xC200, s19  }
0xe: {  	s29 =	simm.s32 $0x2;
	s20 =	sadd.s32 $0xC210, s19;
	[dreg:$0x2] =	wrdreg s6  }
0xf: {  	s31 =	simm.s32 $0x400;
	s21 =	sadd.s32 $0xC220, s19;
	[dreg:$0x3] =	wrdreg s20  }
0x10: {  	s26 =	sshrl.u32 s0, $0x1;
	s22 =	sadd.s32 $0xC230, s19;
	[dreg:$0x4] =	wrdreg s21  }
0x11: {  	s0 =	ssub.s32 s0, s26;
	s23 =	sadd.s32 $0xC240, s19;
	[dreg:$0x5] =	wrdreg s22  }
0x12: {  	s30 =	sshrl.u32 s5, $0x3;
	s24 =	sadd.s32 $0xC250, s19;
	[dreg:$0x6] =	wrdreg s23  }
0x13: {  	s26 =	simm.s32 $0x14700;
	s25 =	sadd.s32 $0xC260, s19;
	[dreg:$0x7] =	wrdreg s24  }
0x14: {  	s1 =	sadd.s32 $0xC270, s19;
	s0 =	smax.u32 s0, $0x1;
	[dreg:$0x8] =	wrdreg s25  }
0x15: {  	s19 =	simm.s32 $0x3200;
	[dreg:$0x9] =	wrdreg s1;
	s1 =	sadd.s32 s4, s30  }
0x16: {  	[dreg:$0xb] =	wrdreg s0;
	s20 =	simm.s32 $0x5A00;
	s21 =	simm.s32 $0x8180  }
0x17: {  	s22 =	simm.s32 $0xA900;
	s23 =	simm.s32 $0xD080;
	s24 =	simm.s32 $0xF800  }
0x18: {  	v0 =	vimm.f32 $0.0e+00;
	s25 =	simm.s32 $0x11F80;
	[dreg:$0xa] =	wrdreg s1;
	s1 =	simm.s32 $0x3  }
.LBB2_2:
0x19: {  	s0 =	simm.s32 $0x0;
	s6 =	simm.s32 $0x40  }
.LBB2_3:
0x1a: {  	p0 =	sne.s32 s6, $0x9C00;
	[tilespmem:s0+$0x16E80] =	vst v0  }
0x1b: {  	[tilespmem:s0+$0x5A00] =	vst v0  }
0x1c: {  	[tilespmem:s0+$0x8180] =	vst v0  }
.Ltmp1:
0x1d: {  	[tilespmem:s0+$0xA900] =	vst v0;
	(pc) =	sbr.rel @p0 .LBB2_3-.Ltmp1, $4  }
0x1e: {  	[tilespmem:s0+$0xD080] =	vst v0  }
0x1f: {  	[tilespmem:s0+$0xF800] =	vst v0  }
0x20: {  	[tilespmem:s0+$0x11F80] =	vst v0  }
0x21: {  	[tilespmem:s0+$0x14700] =	vst v0;
	s0 =	sshra.s32 s6, $0x2;
	s6 =	sadd.s32 $0x40, s6  }
0x22: {  	[tilespmem:s0+$0x16E80] =	vst v0  }
0x23: {  	[tilespmem:s0+$0x5A00] =	vst v0  }
0x24: {  	[tilespmem:s0+$0x8180] =	vst v0  }
0x25: {  	[tilespmem:s0+$0xA900] =	vst v0  }
0x26: {  	[tilespmem:s0+$0xD080] =	vst v0  }
0x27: {  	[tilespmem:s0+$0xF800] =	vst v0  }
0x28: {  	[tilespmem:s0+$0x11F80] =	vst v0  }
0x29: {  	[tilespmem:s0+$0x14700] =	vst v0;
	s0 =	simm.s32 $0x0  }
0x2a: {  	[tilespmem:s0], [sflag:$0x1] =	stream.linear.gather [hbm4b:s3+s0], $0x500, $0x38;
	[tilespmem:$0x19600] =	vst v63  }
0x2b: {  	s6 =	rddreg [dreg:$0xa];
	s7 =	simm.s32 $0xA00;
	s16 =	simm.s32 $0x0  }
0x2c: {  	[tilespmem:s7], [sflag:$0x1] =	stream.linear.gather [hbm4b:s6+s0], $0x2800, $0x38;
	[tilespmem:$0x19600] =	vst v63  }
.LBB2_5:
0x2d: {  	_ =	swait.ge [sflag:s17], $0x500;
	s6 =	sshllo.u32 s16, $0x1  }
0x2e: {  	[sflag:s17] =	ssyncset.done $0x0;
	s7 =	smul.u32 $0xA0, s6  }
0x2f: {  	s6 =	smul.u32 $0x2800, s6;
	[sflag:s17] =	ssyncadd.s32 $0xFFFFFB00  }
0x30: {  	_ =	swait.ge [sflag:s17], $0x2800  }
0x31: {  	s6 =	sadd.s32 s5, s6;
	[sflag:s17] =	ssyncset.done $0x0  }
0x32: {  	s7 =	sadd.s32 s3, s7;
	s6 =	sshrl.u32 s6, $0x3;
	[sflag:s17] =	ssyncadd.s32 $0xFFFFD800  }
0x33: {  	[tilespmem:s18], [sflag:$0x2] =	stream.linear.gather [hbm4b:s7+s0], $0x500, $0x38;
	[tilespmem:$0x19600] =	vst v63  }
0x34: {  	s6 =	sadd.s32 s4, s6  }
0x35: {  	[tilespmem:s19], [sflag:$0x2] =	stream.linear.gather [hbm4b:s6+s0], $0x2800, $0x38;
	[tilespmem:$0x19600] =	vst v63  }
0x36: {  	s11 =	sand.u32 $0x3C00, s0;
	v1 =	vld [tilespmem:s0+$0x0]  }
0x37: {  	s12 =	sand.u32 $0x60, s0;
	s6 =	sadd.s32 $0xA00, s11  }
0x38: {  	s8 =	sor.u32 s12, s6  }
0x39: {  	v2 =	vld [tilespmem:s8+$0x0];
	_ =	sdelay $0x4  }
0x3a: {  	[tilespmem:v1+s20+$0x0] =	vst.idx.add.f32.msk $0xffff, v2  }
0x3b: {  	v2 =	vld [tilespmem:s8+$0x80];
	_ =	sdelay $0x4  }
0x3c: {  	[tilespmem:v1+s21+$0x0] =	vst.idx.add.f32.msk $0xffff, v2  }
0x3d: {  	v2 =	vld [tilespmem:s8+$0x100];
	_ =	sdelay $0x4  }
0x3e: {  	[tilespmem:v1+s22+$0x0] =	vst.idx.add.f32.msk $0xffff, v2  }
0x3f: {  	v2 =	vld [tilespmem:s8+$0x180];
	_ =	sdelay $0x4  }
0x40: {  	[tilespmem:v1+s23+$0x0] =	vst.idx.add.f32.msk $0xffff, v2  }
0x41: {  	v2 =	vld [tilespmem:s8+$0x200];
	_ =	sdelay $0x4  }
0x42: {  	[tilespmem:v1+s24+$0x0] =	vst.idx.add.f32.msk $0xffff, v2  }
0x43: {  	v2 =	vld [tilespmem:s8+$0x280];
	_ =	sdelay $0x1  }
0x44: {  	s13 =	sand.u32 $0x3, s0  }
0x45: {  	s8 =	sshll.u32 s13, $0x5  }
0x46: {  	s8 =	sadd.s32 $0x0, s8  }
0x47: {  	s9 =	sor.u32 $0x300, s8;
	[tilespmem:v1+s25+$0x0] =	vst.idx.add.f32.msk $0xffff, v2  }
0x48: {  	v2 =	vld [tilespmem:s9+$0xA00];
	_ =	sdelay $0x4  }
0x49: {  	s14 =	sor.u32 $0x380, s8;
	[tilespmem:v1+s26+$0x0] =	vst.idx.add.f32.msk $0xffff, v2  }
0x4a: {  	v2 =	vld [tilespmem:s14+$0xA00];
	_ =	sdelay $0x3  }
0x4b: {  	s15 =	sand.u32 $0x780, s0;
	s7 =	sor.u32 $0x10, s12  }
0x4c: {  	s9 =	sor.u32 s7, s15;
	[tilespmem:v1+s28+$0x0] =	vst.idx.add.f32.msk $0xffff, v2  }
0x4d: {  	v1 =	vld [tilespmem:s9+$0x0];
	_ =	sdelay $0x1  }
0x4e: {  	s6 =	sor.u32 s7, s6  }
0x4f: {  	v2 =	vld [tilespmem:s6+$0x0];
	_ =	sdelay $0x4  }
0x50: {  	[tilespmem:v1+s20+$0x0] =	vst.idx.add.f32.msk $0xffff, v2  }
0x51: {  	v2 =	vld [tilespmem:s6+$0x80];
	_ =	sdelay $0x4  }
0x52: {  	[tilespmem:v1+s21+$0x0] =	vst.idx.add.f32.msk $0xffff, v2  }
0x53: {  	v2 =	vld [tilespmem:s6+$0x100];
	_ =	sdelay $0x4  }
0x54: {  	[tilespmem:v1+s22+$0x0] =	vst.idx.add.f32.msk $0xffff, v2  }
0x55: {  	v2 =	vld [tilespmem:s6+$0x180];
	_ =	sdelay $0x4  }
0x56: {  	[tilespmem:v1+s23+$0x0] =	vst.idx.add.f32.msk $0xffff, v2  }
0x57: {  	v2 =	vld [tilespmem:s6+$0x200];
	_ =	sdelay $0x4  }
0x58: {  	[tilespmem:v1+s24+$0x0] =	vst.idx.add.f32.msk $0xffff, v2  }
0x59: {  	v2 =	vld [tilespmem:s6+$0x280];
	_ =	sdelay $0x3  }
0x5a: {  	s8 =	sadd.s32 $0x10, s8  }
0x5b: {  	s30 =	sor.u32 $0x300, s8;
	[tilespmem:v1+s25+$0x0] =	vst.idx.add.f32.msk $0xffff, v2  }
0x5c: {  	v2 =	vld [tilespmem:s30+$0xA00];
	_ =	sdelay $0x4  }
0x5d: {  	s10 =	simm.s32 $0x0;
	s8 =	sor.u32 $0x380, s8;
	s7 =	simm.s32 $0x20;
	[tilespmem:v1+s26+$0x0] =	vst.idx.add.f32.msk $0xffff, v2  }
0x5e: {  	s9 =	simm.s32 $0x0;
	s6 =	sshll.u32 s16, $0x1;
	v2 =	vld [tilespmem:s8+$0xA00];
	s8 =	simm.s32 $0x0  }
.LBB2_6:
0x5f: {  	_ =	sdelay $0x2  }
0x60: {  	s8 =	sadd.s32 $0x100, s8  }
0x61: {  	s9 =	sadd.s32 $0x1, s9;
	s10 =	sadd.s32 $0x20, s10;
	s12 =	smov.u32 s7;
	[tilespmem:v1+s28+$0x0] =	vst.idx.add.f32.msk $0xffff, v2  }
0x62: {  	p0 =	sne.s32 s7, $0x4E0;
	s7 =	sadd.s32 $0x20, s7;
	s11 =	sand.u32 $0x3C00, s8;
	v1 =	vld [tilespmem:s10+$0x0]  }
0x63: {  	s14 =	sand.u32 $0x60, s12;
	s13 =	sadd.s32 $0xA00, s11  }
0x64: {  	s11 =	sor.u32 s14, s13;
	s14 =	sor.u32 $0x10, s14  }
0x65: {  	v2 =	vld [tilespmem:s11+$0x0];
	_ =	sdelay $0x4  }
0x66: {  	[tilespmem:v1+s20+$0x0] =	vst.idx.add.f32.msk $0xffff, v2  }
0x67: {  	v2 =	vld [tilespmem:s11+$0x80];
	_ =	sdelay $0x4  }
0x68: {  	[tilespmem:v1+s21+$0x0] =	vst.idx.add.f32.msk $0xffff, v2  }
0x69: {  	v2 =	vld [tilespmem:s11+$0x100];
	_ =	sdelay $0x4  }
0x6a: {  	[tilespmem:v1+s22+$0x0] =	vst.idx.add.f32.msk $0xffff, v2  }
0x6b: {  	v2 =	vld [tilespmem:s11+$0x180];
	_ =	sdelay $0x4  }
0x6c: {  	[tilespmem:v1+s23+$0x0] =	vst.idx.add.f32.msk $0xffff, v2  }
0x6d: {  	v2 =	vld [tilespmem:s11+$0x200];
	_ =	sdelay $0x4  }
0x6e: {  	[tilespmem:v1+s24+$0x0] =	vst.idx.add.f32.msk $0xffff, v2  }
0x6f: {  	v2 =	vld [tilespmem:s11+$0x280];
	_ =	sdelay $0x1  }
0x70: {  	s11 =	sand.u32 $0x3, s9  }
0x71: {  	s11 =	sshll.u32 s11, $0x5  }
0x72: {  	s15 =	sadd.s32 s11, s8  }
0x73: {  	s30 =	sor.u32 $0x300, s15;
	s11 =	sadd.s32 $0x10, s15;
	[tilespmem:v1+s25+$0x0] =	vst.idx.add.f32.msk $0xffff, v2  }
0x74: {  	v2 =	vld [tilespmem:s30+$0xA00];
	_ =	sdelay $0x4  }
0x75: {  	s15 =	sor.u32 $0x380, s15;
	[tilespmem:v1+s26+$0x0] =	vst.idx.add.f32.msk $0xffff, v2  }
0x76: {  	v2 =	vld [tilespmem:s15+$0xA00];
	_ =	sdelay $0x3  }
0x77: {  	s12 =	sand.u32 $0x780, s12  }
0x78: {  	s12 =	sor.u32 s14, s12;
	[tilespmem:v1+s28+$0x0] =	vst.idx.add.f32.msk $0xffff, v2  }
0x79: {  	v1 =	vld [tilespmem:s12+$0x0];
	_ =	sdelay $0x1  }
0x7a: {  	s12 =	sor.u32 s14, s13  }
0x7b: {  	v2 =	vld [tilespmem:s12+$0x0];
	_ =	sdelay $0x4  }
0x7c: {  	[tilespmem:v1+s20+$0x0] =	vst.idx.add.f32.msk $0xffff, v2  }
0x7d: {  	v2 =	vld [tilespmem:s12+$0x80];
	_ =	sdelay $0x4  }
0x7e: {  	[tilespmem:v1+s21+$0x0] =	vst.idx.add.f32.msk $0xffff, v2  }
0x7f: {  	v2 =	vld [tilespmem:s12+$0x100];
	_ =	sdelay $0x4  }
0x80: {  	[tilespmem:v1+s22+$0x0] =	vst.idx.add.f32.msk $0xffff, v2  }
0x81: {  	v2 =	vld [tilespmem:s12+$0x180];
	_ =	sdelay $0x4  }
0x82: {  	[tilespmem:v1+s23+$0x0] =	vst.idx.add.f32.msk $0xffff, v2  }
0x83: {  	v2 =	vld [tilespmem:s12+$0x200];
	_ =	sdelay $0x4  }
0x84: {  	[tilespmem:v1+s24+$0x0] =	vst.idx.add.f32.msk $0xffff, v2  }
0x85: {  	v2 =	vld [tilespmem:s12+$0x280];
	_ =	sdelay $0x4  }
0x86: {  	s12 =	sor.u32 $0x300, s11;
	[tilespmem:v1+s25+$0x0] =	vst.idx.add.f32.msk $0xffff, v2  }
0x87: {  	v2 =	vld [tilespmem:s12+$0xA00];
	_ =	sdelay $0x1  }
.Ltmp2:
0x88: {  	(pc) =	sbr.rel @p0 .LBB2_6-.Ltmp2, $3  }
0x89: {  	_ =	sdelay $0x1  }
0x8a: {  	s11 =	sor.u32 $0x380, s11;
	[tilespmem:v1+s26+$0x0] =	vst.idx.add.f32.msk $0xffff, v2  }
0x8b: {  	v2 =	vld [tilespmem:s11+$0xA00]  }
0x8c: {  	_ =	sdelay $0x3  }
0x8d: {  	p0 =	seq.s32 s16, $0x7C;
	[tilespmem:v1+s28+$0x0] =	vst.idx.add.f32.msk $0xffff, v2  }
0x8e: {  	s6 =	sadd.s32 @!p0 $0x2, s6;
	_ =	swait.ge [sflag:s29], $0x500  }
0x8f: {  	s7 =	smul.u32 @!p0 $0xA0, s6;
	[sflag:s29] =	ssyncset.done $0x0  }
0x90: {  	s6 =	smul.u32 @!p0 $0x2800, s6;
	[sflag:s29] =	ssyncadd.s32 $0xFFFFFB00  }
0x91: {  	_ =	swait.ge [sflag:s29], $0x2800  }
0x92: {  	s8 =	simm.s32 @!p0 $0x0;
	s6 =	sadd.s32 @!p0 s5, s6;
	[sflag:s29] =	ssyncset.done $0x0  }
0x93: {  	s7 =	sadd.s32 @!p0 s3, s7;
	s6 =	sshrl.u32 @!p0 s6, $0x3;
	[sflag:s29] =	ssyncadd.s32 $0xFFFFD800  }
0x94: {  	[tilespmem:s8], [sflag:$0x1] =	stream.linear.gather @!p0 [hbm4b:s7+s8], $0x500, $0x38;
	[tilespmem:$0x19600] =	vst v63  }
0x95: {  	s6 =	sadd.s32 @!p0 s4, s6;
	s7 =	simm.s32 @!p0 $0xA00  }
0x96: {  	[tilespmem:s7], [sflag:$0x1] =	stream.linear.gather @!p0 [hbm4b:s6+s8], $0x2800, $0x38;
	[tilespmem:$0x19600] =	vst v63  }
0x97: {  	s6 =	simm.s32 $0x0;
	s7 =	simm.s32 $0x500  }
0x98: {  	v1 =	vld [tilespmem:s7+$0x0];
	s10 =	sand.u32 $0x3C00, s6  }
0x99: {  	s9 =	sand.u32 $0x60, s6;
	s8 =	sadd.s32 $0x3200, s10  }
0x9a: {  	s10 =	sor.u32 s9, s8  }
0x9b: {  	v2 =	vld [tilespmem:s10+$0x0];
	_ =	sdelay $0x4  }
0x9c: {  	[tilespmem:v1+s20+$0x0] =	vst.idx.add.f32.msk $0xffff, v2  }
0x9d: {  	v2 =	vld [tilespmem:s10+$0x80];
	_ =	sdelay $0x4  }
0x9e: {  	[tilespmem:v1+s21+$0x0] =	vst.idx.add.f32.msk $0xffff, v2  }
0x9f: {  	v2 =	vld [tilespmem:s10+$0x100];
	_ =	sdelay $0x4  }
0xa0: {  	[tilespmem:v1+s22+$0x0] =	vst.idx.add.f32.msk $0xffff, v2  }
0xa1: {  	v2 =	vld [tilespmem:s10+$0x180];
	_ =	sdelay $0x4  }
0xa2: {  	[tilespmem:v1+s23+$0x0] =	vst.idx.add.f32.msk $0xffff, v2  }
0xa3: {  	v2 =	vld [tilespmem:s10+$0x200];
	_ =	sdelay $0x4  }
0xa4: {  	[tilespmem:v1+s24+$0x0] =	vst.idx.add.f32.msk $0xffff, v2  }
0xa5: {  	v2 =	vld [tilespmem:s10+$0x280];
	_ =	sdelay $0x1  }
0xa6: {  	s11 =	sand.u32 $0x3, s6  }
0xa7: {  	s10 =	sshll.u32 s11, $0x5  }
0xa8: {  	s10 =	sadd.s32 $0x0, s10  }
0xa9: {  	s11 =	sor.u32 $0x300, s10;
	[tilespmem:v1+s25+$0x0] =	vst.idx.add.f32.msk $0xffff, v2  }
0xaa: {  	v2 =	vld [tilespmem:s11+$0x3200];
	_ =	sdelay $0x4  }
0xab: {  	s12 =	sor.u32 $0x380, s10;
	[tilespmem:v1+s26+$0x0] =	vst.idx.add.f32.msk $0xffff, v2  }
0xac: {  	v2 =	vld [tilespmem:s12+$0x3200];
	_ =	sdelay $0x3  }
0xad: {  	s13 =	sand.u32 $0x780, s6;
	s9 =	sor.u32 $0x10, s9  }
0xae: {  	s11 =	sor.u32 s9, s13;
	[tilespmem:v1+s28+$0x0] =	vst.idx.add.f32.msk $0xffff, v2  }
0xaf: {  	v1 =	vld [tilespmem:s11+$0x500];
	_ =	sdelay $0x1  }
0xb0: {  	s8 =	sor.u32 s9, s8  }
0xb1: {  	v2 =	vld [tilespmem:s8+$0x0];
	_ =	sdelay $0x4  }
0xb2: {  	[tilespmem:v1+s20+$0x0] =	vst.idx.add.f32.msk $0xffff, v2  }
0xb3: {  	v2 =	vld [tilespmem:s8+$0x80];
	_ =	sdelay $0x4  }
0xb4: {  	[tilespmem:v1+s21+$0x0] =	vst.idx.add.f32.msk $0xffff, v2  }
0xb5: {  	v2 =	vld [tilespmem:s8+$0x100];
	_ =	sdelay $0x4  }
0xb6: {  	[tilespmem:v1+s22+$0x0] =	vst.idx.add.f32.msk $0xffff, v2  }
0xb7: {  	v2 =	vld [tilespmem:s8+$0x180];
	_ =	sdelay $0x4  }
0xb8: {  	[tilespmem:v1+s23+$0x0] =	vst.idx.add.f32.msk $0xffff, v2  }
0xb9: {  	v2 =	vld [tilespmem:s8+$0x200];
	_ =	sdelay $0x4  }
0xba: {  	[tilespmem:v1+s24+$0x0] =	vst.idx.add.f32.msk $0xffff, v2  }
0xbb: {  	v2 =	vld [tilespmem:s8+$0x280];
	_ =	sdelay $0x3  }
0xbc: {  	s14 =	sadd.s32 $0x10, s10  }
0xbd: {  	s15 =	sor.u32 $0x300, s14;
	[tilespmem:v1+s25+$0x0] =	vst.idx.add.f32.msk $0xffff, v2  }
0xbe: {  	v2 =	vld [tilespmem:s15+$0x3200];
	_ =	sdelay $0x4  }
0xbf: {  	s30 =	sor.u32 $0x380, s14;
	[tilespmem:v1+s26+$0x0] =	vst.idx.add.f32.msk $0xffff, v2  }
0xc0: {  	s9 =	simm.s32 $0x0;
	s8 =	simm.s32 $0x20;
	v2 =	vld [tilespmem:s30+$0x3200]  }
.LBB2_8:
0xc1: {  	_ =	sdelay $0x2  }
0xc2: {  	s6 =	sadd.s32 $0x100, s6  }
0xc3: {  	s9 =	sadd.s32 $0x1, s9;
	s7 =	sadd.s32 $0x20, s7;
	s11 =	smov.u32 s8;
	[tilespmem:v1+s28+$0x0] =	vst.idx.add.f32.msk $0xffff, v2  }
0xc4: {  	p0 =	sne.s32 s8, $0x4E0;
	s8 =	sadd.s32 $0x20, s8;
	s10 =	sand.u32 $0x3C00, s6;
	v1 =	vld [tilespmem:s7+$0x0]  }
0xc5: {  	s13 =	sand.u32 $0x60, s11;
	s12 =	sadd.s32 $0x3200, s10  }
0xc6: {  	s10 =	sor.u32 s13, s12;
	s13 =	sor.u32 $0x10, s13  }
0xc7: {  	v2 =	vld [tilespmem:s10+$0x0];
	_ =	sdelay $0x4  }
0xc8: {  	[tilespmem:v1+s20+$0x0] =	vst.idx.add.f32.msk $0xffff, v2  }
0xc9: {  	v2 =	vld [tilespmem:s10+$0x80];
	_ =	sdelay $0x4  }
0xca: {  	[tilespmem:v1+s21+$0x0] =	vst.idx.add.f32.msk $0xffff, v2  }
0xcb: {  	v2 =	vld [tilespmem:s10+$0x100];
	_ =	sdelay $0x4  }
0xcc: {  	[tilespmem:v1+s22+$0x0] =	vst.idx.add.f32.msk $0xffff, v2  }
0xcd: {  	v2 =	vld [tilespmem:s10+$0x180];
	_ =	sdelay $0x4  }
0xce: {  	[tilespmem:v1+s23+$0x0] =	vst.idx.add.f32.msk $0xffff, v2  }
0xcf: {  	v2 =	vld [tilespmem:s10+$0x200];
	_ =	sdelay $0x4  }
0xd0: {  	[tilespmem:v1+s24+$0x0] =	vst.idx.add.f32.msk $0xffff, v2  }
0xd1: {  	v2 =	vld [tilespmem:s10+$0x280];
	_ =	sdelay $0x1  }
0xd2: {  	s10 =	sand.u32 $0x3, s9  }
0xd3: {  	s10 =	sshll.u32 s10, $0x5  }
0xd4: {  	s14 =	sadd.s32 s10, s6  }
0xd5: {  	s15 =	sor.u32 $0x300, s14;
	s10 =	sadd.s32 $0x10, s14;
	[tilespmem:v1+s25+$0x0] =	vst.idx.add.f32.msk $0xffff, v2  }
0xd6: {  	v2 =	vld [tilespmem:s15+$0x3200];
	_ =	sdelay $0x4  }
0xd7: {  	s14 =	sor.u32 $0x380, s14;
	[tilespmem:v1+s26+$0x0] =	vst.idx.add.f32.msk $0xffff, v2  }
0xd8: {  	v2 =	vld [tilespmem:s14+$0x3200];
	_ =	sdelay $0x3  }
0xd9: {  	s11 =	sand.u32 $0x780, s11  }
0xda: {  	s11 =	sor.u32 s13, s11;
	[tilespmem:v1+s28+$0x0] =	vst.idx.add.f32.msk $0xffff, v2  }
0xdb: {  	v1 =	vld [tilespmem:s11+$0x500];
	_ =	sdelay $0x1  }
0xdc: {  	s11 =	sor.u32 s13, s12  }
0xdd: {  	v2 =	vld [tilespmem:s11+$0x0];
	_ =	sdelay $0x4  }
0xde: {  	[tilespmem:v1+s20+$0x0] =	vst.idx.add.f32.msk $0xffff, v2  }
0xdf: {  	v2 =	vld [tilespmem:s11+$0x80];
	_ =	sdelay $0x4  }
0xe0: {  	[tilespmem:v1+s21+$0x0] =	vst.idx.add.f32.msk $0xffff, v2  }
0xe1: {  	v2 =	vld [tilespmem:s11+$0x100];
	_ =	sdelay $0x4  }
0xe2: {  	[tilespmem:v1+s22+$0x0] =	vst.idx.add.f32.msk $0xffff, v2  }
0xe3: {  	v2 =	vld [tilespmem:s11+$0x180];
	_ =	sdelay $0x4  }
0xe4: {  	[tilespmem:v1+s23+$0x0] =	vst.idx.add.f32.msk $0xffff, v2  }
0xe5: {  	v2 =	vld [tilespmem:s11+$0x200];
	_ =	sdelay $0x4  }
0xe6: {  	[tilespmem:v1+s24+$0x0] =	vst.idx.add.f32.msk $0xffff, v2  }
0xe7: {  	v2 =	vld [tilespmem:s11+$0x280];
	_ =	sdelay $0x4  }
0xe8: {  	s11 =	sor.u32 $0x300, s10;
	[tilespmem:v1+s25+$0x0] =	vst.idx.add.f32.msk $0xffff, v2  }
0xe9: {  	v2 =	vld [tilespmem:s11+$0x3200];
	_ =	sdelay $0x1  }
.Ltmp3:
0xea: {  	(pc) =	sbr.rel @p0 .LBB2_8-.Ltmp3, $3  }
0xeb: {  	_ =	sdelay $0x1  }
0xec: {  	s10 =	sor.u32 $0x380, s10;
	[tilespmem:v1+s26+$0x0] =	vst.idx.add.f32.msk $0xffff, v2  }
0xed: {  	v2 =	vld [tilespmem:s10+$0x3200]  }
0xee: {  	s16 =	sadd.s32 $0x1, s16  }
0xef: {  	p0 =	sne.s32 s16, $0x7D  }
.Ltmp4:
0xf0: {  	_ = 	snop;
	(pc) =	sbr.rel @p0 .LBB2_5-.Ltmp4, $2  }
0xf1: {  	_ =	sdelay $0x2  }
0xf2: {  	[tilespmem:v1+s28+$0x0] =	vst.idx.add.f32.msk $0xffff, v2  }
0xf3: {  	s0 =	rddreg [dreg:$0x2];
	s6 =	simm.s32 $0x80  }
0xf4: {  	[hbm4b:s0+s6] =	stream.strided.scatter [tilespmem:s20], [sflag:$0x3], $0x2780, s31, s6, $0x38;
	[tilespmem:$0x19600] =	vst v63  }
0xf5: {  	_ =	swait.ge [sflag:s1], $0x2780  }
0xf6: {  	[sflag:s1] =	ssyncset.done $0x0  }
0xf7: {  	s10 =	rddreg [dreg:$0x3];
	[sflag:s1] =	ssyncadd.s32 $0xFFFFD880  }
0xf8: {  	[hbm4b:s10+s6] =	stream.strided.scatter [tilespmem:s21], [sflag:$0x3], $0x2780, s31, s6, $0x38;
	[tilespmem:$0x19600] =	vst v63  }
0xf9: {  	_ =	swait.ge [sflag:s1], $0x2780  }
0xfa: {  	[sflag:s1] =	ssyncset.done $0x0  }
0xfb: {  	s11 =	rddreg [dreg:$0x4];
	[sflag:s1] =	ssyncadd.s32 $0xFFFFD880  }
0xfc: {  	[hbm4b:s11+s6] =	stream.strided.scatter [tilespmem:s22], [sflag:$0x3], $0x2780, s31, s6, $0x38;
	[tilespmem:$0x19600] =	vst v63  }
0xfd: {  	_ =	swait.ge [sflag:s1], $0x2780  }
0xfe: {  	[sflag:s1] =	ssyncset.done $0x0  }
0xff: {  	s12 =	rddreg [dreg:$0x5];
	[sflag:s1] =	ssyncadd.s32 $0xFFFFD880  }
0x100: {  	[hbm4b:s12+s6] =	stream.strided.scatter [tilespmem:s23], [sflag:$0x3], $0x2780, s31, s6, $0x38;
	[tilespmem:$0x19600] =	vst v63  }
0x101: {  	_ =	swait.ge [sflag:s1], $0x2780  }
0x102: {  	[sflag:s1] =	ssyncset.done $0x0  }
0x103: {  	s13 =	rddreg [dreg:$0x6];
	[sflag:s1] =	ssyncadd.s32 $0xFFFFD880  }
0x104: {  	[hbm4b:s13+s6] =	stream.strided.scatter [tilespmem:s24], [sflag:$0x3], $0x2780, s31, s6, $0x38;
	[tilespmem:$0x19600] =	vst v63  }
0x105: {  	_ =	swait.ge [sflag:s1], $0x2780  }
0x106: {  	[sflag:s1] =	ssyncset.done $0x0  }
0x107: {  	s14 =	rddreg [dreg:$0x7];
	[sflag:s1] =	ssyncadd.s32 $0xFFFFD880  }
0x108: {  	[hbm4b:s14+s6] =	stream.strided.scatter [tilespmem:s25], [sflag:$0x3], $0x2780, s31, s6, $0x38;
	[tilespmem:$0x19600] =	vst v63  }
0x109: {  	_ =	swait.ge [sflag:s1], $0x2780  }
0x10a: {  	[sflag:s1] =	ssyncset.done $0x0  }
0x10b: {  	s15 =	rddreg [dreg:$0x8];
	[sflag:s1] =	ssyncadd.s32 $0xFFFFD880  }
0x10c: {  	[hbm4b:s15+s6] =	stream.strided.scatter [tilespmem:s26], [sflag:$0x3], $0x2780, s31, s6, $0x38;
	[tilespmem:$0x19600] =	vst v63  }
0x10d: {  	_ =	swait.ge [sflag:s1], $0x2780  }
0x10e: {  	[sflag:s1] =	ssyncset.done $0x0  }
0x10f: {  	s16 =	rddreg [dreg:$0x9];
	[sflag:s1] =	ssyncadd.s32 $0xFFFFD880  }
0x110: {  	[hbm4b:s16+s6] =	stream.strided.scatter [tilespmem:s28], [sflag:$0x3], $0x2780, s31, s6, $0x38;
	[tilespmem:$0x19600] =	vst v63  }
0x111: {  	_ =	swait.ge [sflag:s1], $0x2780  }
0x112: {  	s2 =	sadd.s32 $0x1, s2;
	s30 =	rddreg [dreg:$0xb]  }
0x113: {  	p0 =	sne.s32 s2, s30  }
.Ltmp5:
0x114: {  	_ = 	snop;
	(pc) =	sbr.rel @p0 .LBB2_2-.Ltmp5, $3  }
0x115: {  	_ =	sdelay $0x1  }
0x116: {  	[sflag:s1] =	ssyncset.done $0x0  }
0x117: {  	[sflag:s1] =	ssyncadd.s32 $0xFFFFD880  }
.LBB2_11:
0x118: {  	_ =	sfence.sel $0x180000  }
0x119: {  	[bflag:$0x0] =	sbarrier.arrive $0xFFFF  }
0x11a: {  	_ =	strace $0x9000004A  }
0x11b: {  	s0 =	stileid.u32;
	[bflag:$0x2] =	sbarrier.arrive $0xFFFF  }
0x11c: {  	p0 =	sne.s32 s0, $0x0;
	s0 =	rddreg [dreg:$0x1]  }
0x11d: {  	s0 =	sadd.s32 @!p0 $0x100000, s0  }
0x11e: {  	[sflag:s0] =	ssyncadd.tile.s32 @!p0 $0x1;
	_ =	shalt  }
.Lfunc_end2:
_tile_overlayer_lowered:
.L_overlay_start_2:
0x11f: {  	(tag) =	ssettag $0x2  }
0x120: {  	s0 =	rddreg [dreg:$0x0];
	s2 =	stileid.u32  }
0x121: {  	s1 =	rddreg [dreg:$0x1];
	p0 =	sne.s32 s2, $0x0  }
0x122: {  	s3 =	rddreg [dreg:$0x2];
	[bflag:$0x3] =	sbarrier.arrive $0xFFFF;
	s2 =	simm.s32 @!p0 $0x1C03  }
0x123: {  	[timem:s3], [sflag:s2] =	dma.local @!p0 [hbm:s0], s1  }
0x124: {  	s0 =	simm.s32 @!p0 $0x3  }
0x125: {  	_ =	swait.ge @!p0 [sflag:s0], s1  }
0x126: {  	s1 =	ssub.s32 @!p0 $0x0, s1;
	[sflag:s0] =	ssyncset.done @!p0 $0x0  }
0x127: {  	[sflag:s0] =	ssyncadd.s32 @!p0 s1  }
0x128: {  	[bflag:$0x3] =	sbarrier.arrive $0xFFFF  }
0x129: {  	_ =	shalt  }

</sc_bundles>
